<compile_context>
chip_gen: v7x
topology: tpu7x:2x2x1
jax: 0.10.2.dev20260603
libtpu: 0.0.44.dev20260713+nightly
codegen_flags: <defaults>
</compile_context>

<pallas_src>
import functools

import jax
import jax.numpy as jnp
from jax import lax
from jax.experimental import pallas as pl
from jax.experimental.pallas import tpu as pltpu
from jax.experimental.pallas import tpu_sc as plsc

N = 10000
E = 320000
D_IN = 128
D_HID = 128
D_OUT = 64
DH = 64

NC = 2
NS = 16
NW = NC * NS

BATCH = 128
EPT = 320
NB = 80
EP = NB * BATCH
E_PAD = EP * NW
NBT = E_PAD // BATCH
NB_F = NBT // NS
N_PAD = 10240
RPT = N_PAD // NS
SRT = N // NS


def _deg_kernel():
    mesh = plsc.VectorSubcoreMesh(core_axis_name="c", subcore_axis_name="s")

    NBC_D = 8

    @functools.partial(
        pl.kernel,
        out_type=jax.ShapeDtypeStruct((NC, N_PAD, 16), jnp.float32),
        mesh=mesh,
        scratch_types=[
            pltpu.VMEM((2, NBC_D * BATCH), jnp.int32),
            pltpu.VMEM((NBC_D * BATCH, 16), jnp.float32),
            pltpu.VMEM_SHARED((N_PAD, 16), jnp.float32),
        ],
        compiler_params=pltpu.CompilerParams(use_tc_tiling_on_sc=False),
    )
    def deg(idx_hbm, ones_hbm, out_hbm, idx_v, ones_v, acc_sh):
        c = lax.axis_index("c")
        s = lax.axis_index("s")
        wid = s * NC + c
        ibase = wid * NB
        def zrow(i, _):
            ones_v[i, :] = jnp.zeros((16,), jnp.float32)
            return 0
        lax.fori_loop(0, BATCH, zrow, 0)
        for r in range(RPT // BATCH):
            pltpu.sync_copy(ones_v.at[pl.ds(0, BATCH)],
                            acc_sh.at[pl.ds(s * RPT + r * BATCH, BATCH)])
        pltpu.sync_copy(ones_hbm, ones_v)
        plsc.subcore_barrier()

        def body(i, _):
            pltpu.sync_copy(
                idx_hbm.at[1, pl.ds((ibase + i * NBC_D) * BATCH,
                                    NBC_D * BATCH)],
                idx_v.at[1])
            pltpu.sync_copy(ones_v, acc_sh.at[idx_v.at[1]], add=True)
            return 0

        lax.fori_loop(0, NB // NBC_D, body, 0)
        plsc.subcore_barrier()
        pltpu.sync_copy(acc_sh.at[pl.ds(s * RPT, RPT)],
                        out_hbm.at[c, pl.ds(s * RPT, RPT)])

    return deg


def _zero_init(rows0_v, acc_sh, s):
    def zrow(i, _):
        for j in range(DH // 16):
            rows0_v[i, pl.ds(j * 16, 16)] = jnp.zeros((16,), jnp.float32)
        return 0
    lax.fori_loop(0, BATCH, zrow, 0)
    for r in range(RPT // BATCH):
        pltpu.sync_copy(rows0_v.at[pl.ds(0, BATCH)],
                        acc_sh.at[pl.ds(s * RPT + r * BATCH, BATCH)])


def _copy_idx(idx_hbm, idx_v, mb):
    for p in (0, 1):
        pltpu.sync_copy(idx_hbm.at[p, pl.ds(mb * EPT, EPT)], idx_v.at[p])


def _edge_loop(idx_hbm, table_sh, acc_sh, bufs, mb_base, nmb):
    for b in (0, 1):
        idx_v, rows_v, sem = bufs[b]
        _copy_idx(idx_hbm, idx_v, mb_base + b)
        pltpu.async_copy(table_sh.at[idx_v.at[0]], rows_v, sem)

    def body(k, _):
        for b in (0, 1):
            i = 2 * k + b
            idx_v, rows_v, sem = bufs[b]
            pltpu.make_async_copy(
                table_sh.at[idx_v.at[0]], rows_v, sem).wait()
            pltpu.sync_copy(rows_v, acc_sh.at[idx_v.at[1]], add=True)

            @pl.when(i + 2 < nmb)
            def _():
                _copy_idx(idx_hbm, idx_v, mb_base + i + 2)
                pltpu.async_copy(table_sh.at[idx_v.at[0]], rows_v, sem)
        return 0

    lax.fori_loop(0, nmb // 2, body, 0)


_AGG_SCRATCH = [
    pltpu.VMEM((2, EPT), jnp.int32),
    pltpu.VMEM((2, EPT), jnp.int32),
    pltpu.VMEM((EPT, DH), jnp.float32),
    pltpu.VMEM((EPT, DH), jnp.float32),
    pltpu.VMEM_SHARED((N_PAD, DH), jnp.float32),
    pltpu.VMEM_SHARED((N_PAD, DH), jnp.float32),
    pltpu.SemaphoreType.DMA,
    pltpu.SemaphoreType.DMA,
]


def _agg_fsplit_kernel():
    mesh = plsc.VectorSubcoreMesh(core_axis_name="c", subcore_axis_name="s")

    @functools.partial(
        pl.kernel,
        out_type=jax.ShapeDtypeStruct((NC, N_PAD, DH), jnp.float32),
        mesh=mesh,
        scratch_types=_AGG_SCRATCH,
        compiler_params=pltpu.CompilerParams(use_tc_tiling_on_sc=False),
    )
    def agg(table_hbm, idx_hbm, out_hbm,
            idx0_v, idx1_v, rows0_v, rows1_v, table_sh, acc_sh, sem0, sem1):
        c = lax.axis_index("c")
        s = lax.axis_index("s")
        bufs = ((idx0_v, rows0_v, sem0), (idx1_v, rows1_v, sem1))
        pltpu.sync_copy(table_hbm.at[c, pl.ds(s * SRT, SRT)],
                        table_sh.at[pl.ds(s * SRT, SRT)])
        _zero_init(rows0_v, acc_sh, s)
        plsc.subcore_barrier()
        _edge_loop(idx_hbm, table_sh, acc_sh, bufs,
                   s * (E_PAD // NS // EPT), E_PAD // NS // EPT)
        plsc.subcore_barrier()
        pltpu.sync_copy(acc_sh.at[pl.ds(s * RPT, RPT)],
                        out_hbm.at[c, pl.ds(s * RPT, RPT)])

    return agg


def _agg_esplit_kernel():
    mesh = plsc.VectorSubcoreMesh(core_axis_name="c", subcore_axis_name="s")

    @functools.partial(
        pl.kernel,
        out_type=jax.ShapeDtypeStruct((NC, N_PAD, DH), jnp.float32),
        mesh=mesh,
        scratch_types=_AGG_SCRATCH,
        compiler_params=pltpu.CompilerParams(use_tc_tiling_on_sc=False),
    )
    def agg(table_hbm, idx_hbm, out_hbm,
            idx0_v, idx1_v, rows0_v, rows1_v, table_sh, acc_sh, sem0, sem1):
        c = lax.axis_index("c")
        s = lax.axis_index("s")
        wid = s * NC + c
        bufs = ((idx0_v, rows0_v, sem0), (idx1_v, rows1_v, sem1))
        pltpu.sync_copy(table_hbm.at[pl.ds(s * SRT, SRT)],
                        table_sh.at[pl.ds(s * SRT, SRT)])
        _zero_init(rows0_v, acc_sh, s)
        plsc.subcore_barrier()
        _edge_loop(idx_hbm, table_sh, acc_sh, bufs,
                   wid * (EP // EPT), EP // EPT)
        plsc.subcore_barrier()
        pltpu.sync_copy(acc_sh.at[pl.ds(s * RPT, RPT)],
                        out_hbm.at[c, pl.ds(s * RPT, RPT)])

    return agg


_ROWS_BLK = 2000
_GRID = N // _ROWS_BLK


def _dis_from(degp_blk):
    deg = degp_blk[0, :, :1] + degp_blk[1, :, :1] + 1.0
    return lax.rsqrt(deg)


def _tc1a_body(x_ref, w1_ref, h_ref):
    h_ref[...] = jnp.dot(x_ref[...], w1_ref[...],
                         preferred_element_type=jnp.float32)


def _tc1b_body(degp_ref, h_ref, g1_ref):
    dis = _dis_from(degp_ref[...])
    h = h_ref[...]
    g1_ref[0] = dis * h[:, :DH]
    g1_ref[1] = dis * h[:, DH:]


def _tc2_body(degp_ref, r1_ref, g1_ref, b1_ref, w2_ref, g2_ref):
    dis = _dis_from(degp_ref[...])
    a_lo = dis * (r1_ref[0] + g1_ref[0]) + b1_ref[:, :DH]
    a_hi = dis * (r1_ref[1] + g1_ref[1]) + b1_ref[:, DH:]
    x2 = jnp.concatenate([jnp.maximum(a_lo, 0.0), jnp.maximum(a_hi, 0.0)],
                         axis=1)
    g2_ref[...] = dis * jnp.dot(x2, w2_ref[...],
                                preferred_element_type=jnp.float32)


def _tc3_body(degp_ref, r2_ref, g2_ref, b2_ref, out_ref):
    dis = _dis_from(degp_ref[...])
    out_ref[...] = dis * (r2_ref[0] + r2_ref[1] + g2_ref[...]) + b2_ref[...]


def _blk_parts(d):
    return pl.BlockSpec((NC, _ROWS_BLK, d), lambda i: (0, i, 0))


def _blk_rows(d):
    return pl.BlockSpec((_ROWS_BLK, d), lambda i: (i, 0))


def _blk_full(shape):
    return pl.BlockSpec(shape, lambda i: tuple(0 for _ in shape))


def kernel(x, edge_index, W1, b1, W2, b2):
    pad = E_PAD - E
    pad_block = jnp.concatenate(
        [jnp.zeros((1, pad), jnp.int32), jnp.full((1, pad), N, jnp.int32)])
    idx = jnp.concatenate([edge_index, pad_block], axis=1)
    ones16 = jnp.ones((8 * BATCH, 16), jnp.float32)

    degp = _deg_kernel()(idx, ones16)

    h1 = pl.pallas_call(
        _tc1a_body,
        grid=(_GRID,),
        in_specs=[_blk_rows(D_IN), _blk_full((D_IN, D_HID))],
        out_specs=_blk_rows(D_HID),
        out_shape=jax.ShapeDtypeStruct((N, D_HID), jnp.float32),
    )(x, W1)

    g1 = pl.pallas_call(
        _tc1b_body,
        grid=(_GRID,),
        in_specs=[_blk_parts(16), _blk_rows(D_HID)],
        out_specs=_blk_parts(DH),
        out_shape=jax.ShapeDtypeStruct((NC, N, DH), jnp.float32),
    )(degp, h1)

    r1 = _agg_fsplit_kernel()(g1, idx)

    g2 = pl.pallas_call(
        _tc2_body,
        grid=(_GRID,),
        in_specs=[_blk_parts(16), _blk_parts(DH), _blk_parts(DH),
                  _blk_full((1, D_HID)), _blk_full((D_HID, D_OUT))],
        out_specs=_blk_rows(D_OUT),
        out_shape=jax.ShapeDtypeStruct((N, D_OUT), jnp.float32),
    )(degp, r1, g1, b1.reshape(1, D_HID), W2)

    r2 = _agg_esplit_kernel()(g2, idx)

    out = pl.pallas_call(
        _tc3_body,
        grid=(_GRID,),
        in_specs=[_blk_parts(16), _blk_parts(D_OUT), _blk_rows(D_OUT),
                  _blk_full((1, D_OUT))],
        out_specs=_blk_rows(D_OUT),
        out_shape=jax.ShapeDtypeStruct((N, D_OUT), jnp.float32),
    )(degp, r2, g2, b2.reshape(1, D_OUT))

    return out

# --- scband reference (transcript-rebuilt; emitter-appended) ---
"""Pipeline reference for scband-gae-encode-27805618274831 (READ-ONLY COPY).

The authoritative reference and input builder live on the scoring server;
editing this copy changes nothing except your own understanding.
"""

import jax, jax.numpy as jnp
import numpy as np

N = 10000
E = 320000
D_IN = 128
D_HID = 128  # 2 * out_channels
D_OUT = 64


def gcn_conv(x, edge_index, W, b):
    # Faithful GCNConv: x' = D^{-1/2} (A + I) D^{-1/2} (x W) + b
    src = edge_index[0]
    dst = edge_index[1]
    n = x.shape[0]
    h = x @ W
    # degree including self-loop (PyG add_self_loops + sym norm)
    deg = jnp.zeros((n,), dtype=x.dtype).at[dst].add(1.0) + 1.0
    dis = 1.0 / jnp.sqrt(deg)
    norm = dis[src] * dis[dst]
    # message passing: gather from src, scatter-add to dst
    agg = jnp.zeros_like(h).at[dst].add(norm[:, None] * h[src])
    # self-loop contribution: norm_ii = dis[i]^2
    agg = agg + (dis * dis)[:, None] * h
    return agg + b


def setup_inputs(seed: int = 0) -> dict:
    key = jax.random.key(seed)
    k1, k2, k3, k4, k5, k6 = jax.random.split(key, 6)
    x = jax.random.normal(k1, (N, D_IN), dtype=jnp.float32)
    edge_index = jax.random.randint(k2, (2, E), 0, N, dtype=jnp.int32)
    W1 = jax.random.normal(k3, (D_IN, D_HID), dtype=jnp.float32) * (1.0 / np.sqrt(D_IN))
    b1 = jnp.zeros((D_HID,), dtype=jnp.float32)
    W2 = jax.random.normal(k4, (D_HID, D_OUT), dtype=jnp.float32) * (1.0 / np.sqrt(D_HID))
    b2 = jnp.zeros((D_OUT,), dtype=jnp.float32)
    return {"x": x, "edge_index": edge_index, "W1": W1, "b1": b1, "W2": W2, "b2": b2}


def reference(x, edge_index, W1, b1, W2, b2):
    h = jax.nn.relu(gcn_conv(x, edge_index, W1, b1))
    out = gcn_conv(h, edge_index, W2, b2)
    return out

if __name__ == "__main__":
    import jax
    _d = setup_inputs()
    print(jax.jit(kernel)(*tuple(_d.values())))

</pallas_src>

<mosaic_0001>
#map = affine_map<(d0, d1) -> (0, 0)>
#map1 = affine_map<(d0, d1) -> (0, 0, 0)>
module attributes {stable_mosaic.version = 14 : i64} {
  func.func @deg(%arg0: i32, %arg1: i32, %arg2: memref<2x327680xi32, #tpu.memory_space<hbm>>, %arg3: memref<1024x16xf32, #tpu.memory_space<hbm>>, %arg4: memref<2x10240x16xf32, #tpu.memory_space<hbm>>, %arg5: memref<2x1024xi32, #tpu.memory_space<vmem>>, %arg6: memref<1024x16xf32, #tpu.memory_space<vmem>>, %arg7: memref<10240x16xf32, #tpu.memory_space<vmem_shared>>) attributes {dimension_semantics = [#tpu.dimension_semantics<core_parallel>, #tpu.dimension_semantics<subcore_parallel>], iteration_bounds = array<i64: 2, 16>, scalar_prefetch = 0 : i64, scratch_operands = 3 : i64, tpu.core_type = #tpu.core_type<sc_vector_subcore>, window_params = [{transform_indices = #map}, {transform_indices = #map}, {transform_indices = #map1}]} {
    %mul3A = arith.constant 2 : i32
    %mul3A_0 = arith.muli %arg1, %mul3A : i32
    %add3A = arith.addi %mul3A_0, %arg0 : i32
    %mul3A_1 = arith.constant 80 : i32
    %mul3A_2 = arith.muli %add3A, %mul3A_1 : i32
    %scan3A = arith.constant 0 : i32
    %scan3A_3 = arith.constant 0 : i32
    %scan3A_4 = arith.constant 128 : i32
    %scan3A_5 = arith.addi %scan3A_3, %scan3A_4 : i32
    %scan3A_6 = arith.constant 1 : i32
    %scan3A_7 = scf.for %scan3A_41 = %scan3A_3 to %scan3A_5 step %scan3A_6 iter_args(%scan3A_42 = %scan3A) -> (i32)  : i32 {
      %broadcast_in_dim3A = arith.constant 0.000000e+00 : f32
      %broadcast_in_dim3A_43 = vector.broadcast %broadcast_in_dim3A : f32 to vector<16xf32>
      %swap3A = arith.index_cast %scan3A_41 : i32 to index
      %swap3A_44 = arith.constant 0 : index
      %swap3A_45 = tpu.vector_load %arg6[%swap3A, %swap3A_44] {strides = array<i32>} : memref<1024x16xf32, #tpu.memory_space<vmem>>, vector<1x16xf32>,
      %swap3A_46 = vector.shape_cast %swap3A_45 : vector<1x16xf32> to vector<16xf32>
      %swap3A_47 = vector.shape_cast %broadcast_in_dim3A_43 : vector<16xf32> to vector<1x16xf32>
      tpu.vector_store %arg6[%swap3A, %swap3A_44], %swap3A_47 {strides = array<i32>} : memref<1024x16xf32, #tpu.memory_space<vmem>>, vector<1x16xf32>,
      %scan3A_48 = arith.constant 0 : i32
      scf.yield %scan3A_48 : i32
    }
    %scan3A_8 = arith.constant 128 : i32
    %mul3A_9 = arith.constant 640 : i32
    %mul3A_10 = arith.muli %arg1, %mul3A_9 : i32
    %add3A_11 = arith.constant 0 : i32
    %add3A_12 = arith.addi %mul3A_10, %add3A_11 : i32
    "tpu.region"() ({
      %run_scoped3A = tpu.sem_alloc : memref<!tpu.dma_semaphore, #tpu.memory_space<semaphore_mem>>
      %dma_start3A = arith.constant 0 : i32
      %dma_start3A_41 = arith.constant 0 : i32
      %dma_start3A_42 = tpu.memref_slice %arg6[%dma_start3A, %dma_start3A_41] : memref<1024x16xf32, #tpu.memory_space<vmem>> -> memref<128x16xf32, #tpu.memory_space<vmem>>
      %dma_start3A_43 = arith.constant 0 : i32
      %dma_start3A_44 = tpu.memref_slice %arg7[%add3A_12, %dma_start3A_43] : memref<10240x16xf32, #tpu.memory_space<vmem_shared>> -> memref<128x16xf32, #tpu.memory_space<vmem_shared>>
      %dma_start3A_45 = arith.constant 0 : i32
      %dma_start3A_46 = tpu.memref_slice %arg7[%add3A_12, %dma_start3A_45] : memref<10240x16xf32, #tpu.memory_space<vmem_shared>> -> memref<128x16xf32, #tpu.memory_space<vmem_shared>>
      %dma_start3A_47 = arith.constant 0 : i32
      %dma_start3A_48 = arith.constant 0 : i32
      %dma_start3A_49 = tpu.memref_slice %arg6[%dma_start3A_47, %dma_start3A_48] : memref<1024x16xf32, #tpu.memory_space<vmem>> -> memref<128x16xf32, #tpu.memory_space<vmem>>
      tpu.enqueue_dma source(%dma_start3A_49 : memref<128x16xf32, #tpu.memory_space<vmem>>) target(%dma_start3A_46 : memref<128x16xf32, #tpu.memory_space<vmem_shared>>) target_semaphore(%run_scoped3A : memref<!tpu.dma_semaphore, #tpu.memory_space<semaphore_mem>>)
      %dma_wait3A = arith.constant 0 : i32
      %dma_wait3A_50 = arith.constant 0 : i32
      %dma_wait3A_51 = tpu.memref_slice %arg6[%dma_wait3A, %dma_wait3A_50] : memref<1024x16xf32, #tpu.memory_space<vmem>> -> memref<128x16xf32, #tpu.memory_space<vmem>>
      %dma_wait3A_52 = arith.constant 0 : i32
      %dma_wait3A_53 = tpu.memref_slice %arg7[%add3A_12, %dma_wait3A_52] : memref<10240x16xf32, #tpu.memory_space<vmem_shared>> -> memref<128x16xf32, #tpu.memory_space<vmem_shared>>
      %dma_wait3A_54 = arith.constant 0 : i32
      %dma_wait3A_55 = tpu.memref_slice %arg7[%add3A_12, %dma_wait3A_54] : memref<10240x16xf32, #tpu.memory_space<vmem_shared>> -> memref<128x16xf32, #tpu.memory_space<vmem_shared>>
      %dma_wait3A_56 = arith.constant 0 : i32
      %dma_wait3A_57 = arith.constant 0 : i32
      %dma_wait3A_58 = tpu.memref_slice %arg6[%dma_wait3A_56, %dma_wait3A_57] : memref<1024x16xf32, #tpu.memory_space<vmem>> -> memref<128x16xf32, #tpu.memory_space<vmem>>
      tpu.wait_dma2 semaphore(%run_scoped3A : memref<!tpu.dma_semaphore, #tpu.memory_space<semaphore_mem>>) src(%dma_wait3A_58 : memref<128x16xf32, #tpu.memory_space<vmem>>) dst(%dma_wait3A_55 : memref<128x16xf32, #tpu.memory_space<vmem_shared>>)
      tpu.yield
    }) : () -> ()
    %mul3A_13 = arith.constant 640 : i32
    %mul3A_14 = arith.muli %arg1, %mul3A_13 : i32
    %add3A_15 = arith.constant 128 : i32
    %add3A_16 = arith.addi %mul3A_14, %add3A_15 : i32
    "tpu.region"() ({
      %run_scoped3A = tpu.sem_alloc : memref<!tpu.dma_semaphore, #tpu.memory_space<semaphore_mem>>
      %dma_start3A = arith.constant 0 : i32
      %dma_start3A_41 = arith.constant 0 : i32
      %dma_start3A_42 = tpu.memref_slice %arg6[%dma_start3A, %dma_start3A_41] : memref<1024x16xf32, #tpu.memory_space<vmem>> -> memref<128x16xf32, #tpu.memory_space<vmem>>
      %dma_start3A_43 = arith.constant 0 : i32
      %dma_start3A_44 = tpu.memref_slice %arg7[%add3A_16, %dma_start3A_43] : memref<10240x16xf32, #tpu.memory_space<vmem_shared>> -> memref<128x16xf32, #tpu.memory_space<vmem_shared>>
      %dma_start3A_45 = arith.constant 0 : i32
      %dma_start3A_46 = tpu.memref_slice %arg7[%add3A_16, %dma_start3A_45] : memref<10240x16xf32, #tpu.memory_space<vmem_shared>> -> memref<128x16xf32, #tpu.memory_space<vmem_shared>>
      %dma_start3A_47 = arith.constant 0 : i32
      %dma_start3A_48 = arith.constant 0 : i32
      %dma_start3A_49 = tpu.memref_slice %arg6[%dma_start3A_47, %dma_start3A_48] : memref<1024x16xf32, #tpu.memory_space<vmem>> -> memref<128x16xf32, #tpu.memory_space<vmem>>
      tpu.enqueue_dma source(%dma_start3A_49 : memref<128x16xf32, #tpu.memory_space<vmem>>) target(%dma_start3A_46 : memref<128x16xf32, #tpu.memory_space<vmem_shared>>) target_semaphore(%run_scoped3A : memref<!tpu.dma_semaphore, #tpu.memory_space<semaphore_mem>>)
      %dma_wait3A = arith.constant 0 : i32
      %dma_wait3A_50 = arith.constant 0 : i32
      %dma_wait3A_51 = tpu.memref_slice %arg6[%dma_wait3A, %dma_wait3A_50] : memref<1024x16xf32, #tpu.memory_space<vmem>> -> memref<128x16xf32, #tpu.memory_space<vmem>>
      %dma_wait3A_52 = arith.constant 0 : i32
      %dma_wait3A_53 = tpu.memref_slice %arg7[%add3A_16, %dma_wait3A_52] : memref<10240x16xf32, #tpu.memory_space<vmem_shared>> -> memref<128x16xf32, #tpu.memory_space<vmem_shared>>
      %dma_wait3A_54 = arith.constant 0 : i32
      %dma_wait3A_55 = tpu.memref_slice %arg7[%add3A_16, %dma_wait3A_54] : memref<10240x16xf32, #tpu.memory_space<vmem_shared>> -> memref<128x16xf32, #tpu.memory_space<vmem_shared>>
      %dma_wait3A_56 = arith.constant 0 : i32
      %dma_wait3A_57 = arith.constant 0 : i32
      %dma_wait3A_58 = tpu.memref_slice %arg6[%dma_wait3A_56, %dma_wait3A_57] : memref<1024x16xf32, #tpu.memory_space<vmem>> -> memref<128x16xf32, #tpu.memory_space<vmem>>
      tpu.wait_dma2 semaphore(%run_scoped3A : memref<!tpu.dma_semaphore, #tpu.memory_space<semaphore_mem>>) src(%dma_wait3A_58 : memref<128x16xf32, #tpu.memory_space<vmem>>) dst(%dma_wait3A_55 : memref<128x16xf32, #tpu.memory_space<vmem_shared>>)
      tpu.yield
    }) : () -> ()
    %mul3A_17 = arith.constant 640 : i32
    %mul3A_18 = arith.muli %arg1, %mul3A_17 : i32
    %add3A_19 = arith.constant 256 : i32
    %add3A_20 = arith.addi %mul3A_18, %add3A_19 : i32
    "tpu.region"() ({
      %run_scoped3A = tpu.sem_alloc : memref<!tpu.dma_semaphore, #tpu.memory_space<semaphore_mem>>
      %dma_start3A = arith.constant 0 : i32
      %dma_start3A_41 = arith.constant 0 : i32
      %dma_start3A_42 = tpu.memref_slice %arg6[%dma_start3A, %dma_start3A_41] : memref<1024x16xf32, #tpu.memory_space<vmem>> -> memref<128x16xf32, #tpu.memory_space<vmem>>
      %dma_start3A_43 = arith.constant 0 : i32
      %dma_start3A_44 = tpu.memref_slice %arg7[%add3A_20, %dma_start3A_43] : memref<10240x16xf32, #tpu.memory_space<vmem_shared>> -> memref<128x16xf32, #tpu.memory_space<vmem_shared>>
      %dma_start3A_45 = arith.constant 0 : i32
      %dma_start3A_46 = tpu.memref_slice %arg7[%add3A_20, %dma_start3A_45] : memref<10240x16xf32, #tpu.memory_space<vmem_shared>> -> memref<128x16xf32, #tpu.memory_space<vmem_shared>>
      %dma_start3A_47 = arith.constant 0 : i32
      %dma_start3A_48 = arith.constant 0 : i32
      %dma_start3A_49 = tpu.memref_slice %arg6[%dma_start3A_47, %dma_start3A_48] : memref<1024x16xf32, #tpu.memory_space<vmem>> -> memref<128x16xf32, #tpu.memory_space<vmem>>
      tpu.enqueue_dma source(%dma_start3A_49 : memref<128x16xf32, #tpu.memory_space<vmem>>) target(%dma_start3A_46 : memref<128x16xf32, #tpu.memory_space<vmem_shared>>) target_semaphore(%run_scoped3A : memref<!tpu.dma_semaphore, #tpu.memory_space<semaphore_mem>>)
      %dma_wait3A = arith.constant 0 : i32
      %dma_wait3A_50 = arith.constant 0 : i32
      %dma_wait3A_51 = tpu.memref_slice %arg6[%dma_wait3A, %dma_wait3A_50] : memref<1024x16xf32, #tpu.memory_space<vmem>> -> memref<128x16xf32, #tpu.memory_space<vmem>>
      %dma_wait3A_52 = arith.constant 0 : i32
      %dma_wait3A_53 = tpu.memref_slice %arg7[%add3A_20, %dma_wait3A_52] : memref<10240x16xf32, #tpu.memory_space<vmem_shared>> -> memref<128x16xf32, #tpu.memory_space<vmem_shared>>
      %dma_wait3A_54 = arith.constant 0 : i32
      %dma_wait3A_55 = tpu.memref_slice %arg7[%add3A_20, %dma_wait3A_54] : memref<10240x16xf32, #tpu.memory_space<vmem_shared>> -> memref<128x16xf32, #tpu.memory_space<vmem_shared>>
      %dma_wait3A_56 = arith.constant 0 : i32
      %dma_wait3A_57 = arith.constant 0 : i32
      %dma_wait3A_58 = tpu.memref_slice %arg6[%dma_wait3A_56, %dma_wait3A_57] : memref<1024x16xf32, #tpu.memory_space<vmem>> -> memref<128x16xf32, #tpu.memory_space<vmem>>
      tpu.wait_dma2 semaphore(%run_scoped3A : memref<!tpu.dma_semaphore, #tpu.memory_space<semaphore_mem>>) src(%dma_wait3A_58 : memref<128x16xf32, #tpu.memory_space<vmem>>) dst(%dma_wait3A_55 : memref<128x16xf32, #tpu.memory_space<vmem_shared>>)
      tpu.yield
    }) : () -> ()
    %mul3A_21 = arith.constant 640 : i32
    %mul3A_22 = arith.muli %arg1, %mul3A_21 : i32
    %add3A_23 = arith.constant 384 : i32
    %add3A_24 = arith.addi %mul3A_22, %add3A_23 : i32
    "tpu.region"() ({
      %run_scoped3A = tpu.sem_alloc : memref<!tpu.dma_semaphore, #tpu.memory_space<semaphore_mem>>
      %dma_start3A = arith.constant 0 : i32
      %dma_start3A_41 = arith.constant 0 : i32
      %dma_start3A_42 = tpu.memref_slice %arg6[%dma_start3A, %dma_start3A_41] : memref<1024x16xf32, #tpu.memory_space<vmem>> -> memref<128x16xf32, #tpu.memory_space<vmem>>
      %dma_start3A_43 = arith.constant 0 : i32
      %dma_start3A_44 = tpu.memref_slice %arg7[%add3A_24, %dma_start3A_43] : memref<10240x16xf32, #tpu.memory_space<vmem_shared>> -> memref<128x16xf32, #tpu.memory_space<vmem_shared>>
      %dma_start3A_45 = arith.constant 0 : i32
      %dma_start3A_46 = tpu.memref_slice %arg7[%add3A_24, %dma_start3A_45] : memref<10240x16xf32, #tpu.memory_space<vmem_shared>> -> memref<128x16xf32, #tpu.memory_space<vmem_shared>>
      %dma_start3A_47 = arith.constant 0 : i32
      %dma_start3A_48 = arith.constant 0 : i32
      %dma_start3A_49 = tpu.memref_slice %arg6[%dma_start3A_47, %dma_start3A_48] : memref<1024x16xf32, #tpu.memory_space<vmem>> -> memref<128x16xf32, #tpu.memory_space<vmem>>
      tpu.enqueue_dma source(%dma_start3A_49 : memref<128x16xf32, #tpu.memory_space<vmem>>) target(%dma_start3A_46 : memref<128x16xf32, #tpu.memory_space<vmem_shared>>) target_semaphore(%run_scoped3A : memref<!tpu.dma_semaphore, #tpu.memory_space<semaphore_mem>>)
      %dma_wait3A = arith.constant 0 : i32
      %dma_wait3A_50 = arith.constant 0 : i32
      %dma_wait3A_51 = tpu.memref_slice %arg6[%dma_wait3A, %dma_wait3A_50] : memref<1024x16xf32, #tpu.memory_space<vmem>> -> memref<128x16xf32, #tpu.memory_space<vmem>>
      %dma_wait3A_52 = arith.constant 0 : i32
      %dma_wait3A_53 = tpu.memref_slice %arg7[%add3A_24, %dma_wait3A_52] : memref<10240x16xf32, #tpu.memory_space<vmem_shared>> -> memref<128x16xf32, #tpu.memory_space<vmem_shared>>
      %dma_wait3A_54 = arith.constant 0 : i32
      %dma_wait3A_55 = tpu.memref_slice %arg7[%add3A_24, %dma_wait3A_54] : memref<10240x16xf32, #tpu.memory_space<vmem_shared>> -> memref<128x16xf32, #tpu.memory_space<vmem_shared>>
      %dma_wait3A_56 = arith.constant 0 : i32
      %dma_wait3A_57 = arith.constant 0 : i32
      %dma_wait3A_58 = tpu.memref_slice %arg6[%dma_wait3A_56, %dma_wait3A_57] : memref<1024x16xf32, #tpu.memory_space<vmem>> -> memref<128x16xf32, #tpu.memory_space<vmem>>
      tpu.wait_dma2 semaphore(%run_scoped3A : memref<!tpu.dma_semaphore, #tpu.memory_space<semaphore_mem>>) src(%dma_wait3A_58 : memref<128x16xf32, #tpu.memory_space<vmem>>) dst(%dma_wait3A_55 : memref<128x16xf32, #tpu.memory_space<vmem_shared>>)
      tpu.yield
    }) : () -> ()
    %mul3A_25 = arith.constant 640 : i32
    %mul3A_26 = arith.muli %arg1, %mul3A_25 : i32
    %add3A_27 = arith.constant 512 : i32
    %add3A_28 = arith.addi %mul3A_26, %add3A_27 : i32
    "tpu.region"() ({
      %run_scoped3A = tpu.sem_alloc : memref<!tpu.dma_semaphore, #tpu.memory_space<semaphore_mem>>
      %dma_start3A = arith.constant 0 : i32
      %dma_start3A_41 = arith.constant 0 : i32
      %dma_start3A_42 = tpu.memref_slice %arg6[%dma_start3A, %dma_start3A_41] : memref<1024x16xf32, #tpu.memory_space<vmem>> -> memref<128x16xf32, #tpu.memory_space<vmem>>
      %dma_start3A_43 = arith.constant 0 : i32
      %dma_start3A_44 = tpu.memref_slice %arg7[%add3A_28, %dma_start3A_43] : memref<10240x16xf32, #tpu.memory_space<vmem_shared>> -> memref<128x16xf32, #tpu.memory_space<vmem_shared>>
      %dma_start3A_45 = arith.constant 0 : i32
      %dma_start3A_46 = tpu.memref_slice %arg7[%add3A_28, %dma_start3A_45] : memref<10240x16xf32, #tpu.memory_space<vmem_shared>> -> memref<128x16xf32, #tpu.memory_space<vmem_shared>>
      %dma_start3A_47 = arith.constant 0 : i32
      %dma_start3A_48 = arith.constant 0 : i32
      %dma_start3A_49 = tpu.memref_slice %arg6[%dma_start3A_47, %dma_start3A_48] : memref<1024x16xf32, #tpu.memory_space<vmem>> -> memref<128x16xf32, #tpu.memory_space<vmem>>
      tpu.enqueue_dma source(%dma_start3A_49 : memref<128x16xf32, #tpu.memory_space<vmem>>) target(%dma_start3A_46 : memref<128x16xf32, #tpu.memory_space<vmem_shared>>) target_semaphore(%run_scoped3A : memref<!tpu.dma_semaphore, #tpu.memory_space<semaphore_mem>>)
      %dma_wait3A = arith.constant 0 : i32
      %dma_wait3A_50 = arith.constant 0 : i32
      %dma_wait3A_51 = tpu.memref_slice %arg6[%dma_wait3A, %dma_wait3A_50] : memref<1024x16xf32, #tpu.memory_space<vmem>> -> memref<128x16xf32, #tpu.memory_space<vmem>>
      %dma_wait3A_52 = arith.constant 0 : i32
      %dma_wait3A_53 = tpu.memref_slice %arg7[%add3A_28, %dma_wait3A_52] : memref<10240x16xf32, #tpu.memory_space<vmem_shared>> -> memref<128x16xf32, #tpu.memory_space<vmem_shared>>
      %dma_wait3A_54 = arith.constant 0 : i32
      %dma_wait3A_55 = tpu.memref_slice %arg7[%add3A_28, %dma_wait3A_54] : memref<10240x16xf32, #tpu.memory_space<vmem_shared>> -> memref<128x16xf32, #tpu.memory_space<vmem_shared>>
      %dma_wait3A_56 = arith.constant 0 : i32
      %dma_wait3A_57 = arith.constant 0 : i32
      %dma_wait3A_58 = tpu.memref_slice %arg6[%dma_wait3A_56, %dma_wait3A_57] : memref<1024x16xf32, #tpu.memory_space<vmem>> -> memref<128x16xf32, #tpu.memory_space<vmem>>
      tpu.wait_dma2 semaphore(%run_scoped3A : memref<!tpu.dma_semaphore, #tpu.memory_space<semaphore_mem>>) src(%dma_wait3A_58 : memref<128x16xf32, #tpu.memory_space<vmem>>) dst(%dma_wait3A_55 : memref<128x16xf32, #tpu.memory_space<vmem_shared>>)
      tpu.yield
    }) : () -> ()
    "tpu.region"() ({
      %run_scoped3A = tpu.sem_alloc : memref<!tpu.dma_semaphore, #tpu.memory_space<semaphore_mem>>
      tpu.enqueue_dma source(%arg3 : memref<1024x16xf32, #tpu.memory_space<hbm>>) target(%arg6 : memref<1024x16xf32, #tpu.memory_space<vmem>>) target_semaphore(%run_scoped3A : memref<!tpu.dma_semaphore, #tpu.memory_space<semaphore_mem>>)
      tpu.wait_dma2 semaphore(%run_scoped3A : memref<!tpu.dma_semaphore, #tpu.memory_space<semaphore_mem>>) src(%arg3 : memref<1024x16xf32, #tpu.memory_space<hbm>>) dst(%arg6 : memref<1024x16xf32, #tpu.memory_space<vmem>>)
      tpu.yield
    }) : () -> ()
    %barrier3A = arith.constant 0 : index
    tpu.barrier barrier_id(%barrier3A)
    %scan3A_29 = arith.constant 0 : i32
    %scan3A_30 = arith.constant 0 : i32
    %scan3A_31 = arith.constant 10 : i32
    %scan3A_32 = arith.addi %scan3A_30, %scan3A_31 : i32
    %scan3A_33 = arith.constant 1 : i32
    %scan3A_34 = scf.for %scan3A_41 = %scan3A_30 to %scan3A_32 step %scan3A_33 iter_args(%scan3A_42 = %scan3A_29) -> (i32)  : i32 {
      %mul3A_43 = arith.constant 8 : i32
      %mul3A_44 = arith.muli %scan3A_41, %mul3A_43 : i32
      %add3A_45 = arith.addi %mul3A_2, %mul3A_44 : i32
      %mul3A_46 = arith.constant 128 : i32
      %mul3A_47 = arith.muli %add3A_45, %mul3A_46 : i32
      %run_scoped3A = arith.constant 1 : i32
      %run_scoped3A_48 = arith.constant 1 : i32
      "tpu.region"() ({
        %run_scoped3A_51 = tpu.sem_alloc : memref<!tpu.dma_semaphore, #tpu.memory_space<semaphore_mem>>
        %dma_start3A = arith.constant 0 : i32
        %dma_start3A_52 = tpu.memref_slice %arg5[%run_scoped3A_48, %dma_start3A] : memref<2x1024xi32, #tpu.memory_space<vmem>> -> memref<1x1024xi32, #tpu.memory_space<vmem>>
        %dma_start3A_53 = tpu.memref_squeeze %dma_start3A_52 : memref<1x1024xi32, #tpu.memory_space<vmem>> -> memref<1024xi32, #tpu.memory_space<vmem>>
        %dma_start3A_54 = tpu.memref_slice %arg2[%run_scoped3A, %mul3A_47] : memref<2x327680xi32, #tpu.memory_space<hbm>> -> memref<1x1024xi32, #tpu.memory_space<hbm>>
        %dma_start3A_55 = tpu.memref_squeeze %dma_start3A_54 : memref<1x1024xi32, #tpu.memory_space<hbm>> -> memref<1024xi32, #tpu.memory_space<hbm>>
        %dma_start3A_56 = arith.constant 0 : i32
        %dma_start3A_57 = tpu.memref_slice %arg5[%run_scoped3A_48, %dma_start3A_56] : memref<2x1024xi32, #tpu.memory_space<vmem>> -> memref<1x1024xi32, #tpu.memory_space<vmem>>
        %dma_start3A_58 = tpu.memref_squeeze %dma_start3A_57 : memref<1x1024xi32, #tpu.memory_space<vmem>> -> memref<1024xi32, #tpu.memory_space<vmem>>
        %dma_start3A_59 = tpu.memref_slice %arg2[%run_scoped3A, %mul3A_47] : memref<2x327680xi32, #tpu.memory_space<hbm>> -> memref<1x1024xi32, #tpu.memory_space<hbm>>
        %dma_start3A_60 = tpu.memref_squeeze %dma_start3A_59 : memref<1x1024xi32, #tpu.memory_space<hbm>> -> memref<1024xi32, #tpu.memory_space<hbm>>
        tpu.enqueue_dma source(%dma_start3A_60 : memref<1024xi32, #tpu.memory_space<hbm>>) target(%dma_start3A_58 : memref<1024xi32, #tpu.memory_space<vmem>>) target_semaphore(%run_scoped3A_51 : memref<!tpu.dma_semaphore, #tpu.memory_space<semaphore_mem>>)
        %dma_wait3A = arith.constant 0 : i32
        %dma_wait3A_61 = tpu.memref_slice %arg5[%run_scoped3A_48, %dma_wait3A] : memref<2x1024xi32, #tpu.memory_space<vmem>> -> memref<1x1024xi32, #tpu.memory_space<vmem>>
        %dma_wait3A_62 = tpu.memref_squeeze %dma_wait3A_61 : memref<1x1024xi32, #tpu.memory_space<vmem>> -> memref<1024xi32, #tpu.memory_space<vmem>>
        %dma_wait3A_63 = tpu.memref_slice %arg2[%run_scoped3A, %mul3A_47] : memref<2x327680xi32, #tpu.memory_space<hbm>> -> memref<1x1024xi32, #tpu.memory_space<hbm>>
        %dma_wait3A_64 = tpu.memref_squeeze %dma_wait3A_63 : memref<1x1024xi32, #tpu.memory_space<hbm>> -> memref<1024xi32, #tpu.memory_space<hbm>>
        %dma_wait3A_65 = arith.constant 0 : i32
        %dma_wait3A_66 = tpu.memref_slice %arg5[%run_scoped3A_48, %dma_wait3A_65] : memref<2x1024xi32, #tpu.memory_space<vmem>> -> memref<1x1024xi32, #tpu.memory_space<vmem>>
        %dma_wait3A_67 = tpu.memref_squeeze %dma_wait3A_66 : memref<1x1024xi32, #tpu.memory_space<vmem>> -> memref<1024xi32, #tpu.memory_space<vmem>>
        %dma_wait3A_68 = tpu.memref_slice %arg2[%run_scoped3A, %mul3A_47] : memref<2x327680xi32, #tpu.memory_space<hbm>> -> memref<1x1024xi32, #tpu.memory_space<hbm>>
        %dma_wait3A_69 = tpu.memref_squeeze %dma_wait3A_68 : memref<1x1024xi32, #tpu.memory_space<hbm>> -> memref<1024xi32, #tpu.memory_space<hbm>>
        tpu.wait_dma2 semaphore(%run_scoped3A_51 : memref<!tpu.dma_semaphore, #tpu.memory_space<semaphore_mem>>) src(%dma_wait3A_69 : memref<1024xi32, #tpu.memory_space<hbm>>) dst(%dma_wait3A_67 : memref<1024xi32, #tpu.memory_space<vmem>>)
        tpu.yield
      }) : () -> ()
      %run_scoped3A_49 = arith.constant 1 : i32
      "tpu.region"() ({
        %run_scoped3A_51 = tpu.sem_alloc : memref<!tpu.dma_semaphore, #tpu.memory_space<semaphore_mem>>
        %dma_start3A = arith.constant 0 : i32
        %dma_start3A_52 = tpu.memref_slice %arg5[%run_scoped3A_49, %dma_start3A] : memref<2x1024xi32, #tpu.memory_space<vmem>> -> memref<1x1024xi32, #tpu.memory_space<vmem>>
        %dma_start3A_53 = tpu.memref_squeeze %dma_start3A_52 : memref<1x1024xi32, #tpu.memory_space<vmem>> -> memref<1024xi32, #tpu.memory_space<vmem>>
        %dma_start3A_54 = arith.constant 0 : i32
        %dma_start3A_55 = arith.constant 0 : i32
        %dma_start3A_56 = tpu.memref_slice %arg7[%dma_start3A_54, %dma_start3A_55] : memref<10240x16xf32, #tpu.memory_space<vmem_shared>> -> memref<10240x16xf32, #tpu.memory_space<vmem_shared>>
        tpu.enqueue_indirect_dma source(%arg6 : memref<1024x16xf32, #tpu.memory_space<vmem>>) target(%dma_start3A_56 : memref<10240x16xf32, #tpu.memory_space<vmem_shared>>) offsets(%dma_start3A_53 : memref<1024xi32, #tpu.memory_space<vmem>>) semaphore(%run_scoped3A_51 : memref<!tpu.dma_semaphore, #tpu.memory_space<semaphore_mem>>) {add = true}
        %dma_wait3A = arith.constant 0 : i32
        %dma_wait3A_57 = tpu.memref_slice %arg5[%run_scoped3A_49, %dma_wait3A] : memref<2x1024xi32, #tpu.memory_space<vmem>> -> memref<1x1024xi32, #tpu.memory_space<vmem>>
        %dma_wait3A_58 = tpu.memref_squeeze %dma_wait3A_57 : memref<1x1024xi32, #tpu.memory_space<vmem>> -> memref<1024xi32, #tpu.memory_space<vmem>>
        %dma_wait3A_59 = arith.constant 0 : i32
        %dma_wait3A_60 = arith.constant 0 : i32
        %dma_wait3A_61 = tpu.memref_slice %arg7[%dma_wait3A_59, %dma_wait3A_60] : memref<10240x16xf32, #tpu.memory_space<vmem_shared>> -> memref<10240x16xf32, #tpu.memory_space<vmem_shared>>
        tpu.wait_indirect_dma semaphore(%run_scoped3A_51 : memref<!tpu.dma_semaphore, #tpu.memory_space<semaphore_mem>>) src(%arg6 : memref<1024x16xf32, #tpu.memory_space<vmem>>) dst(%dma_wait3A_61 : memref<10240x16xf32, #tpu.memory_space<vmem_shared>>)
        tpu.yield
      }) : () -> ()
      %scan3A_50 = arith.constant 0 : i32
      scf.yield %scan3A_50 : i32
    }
    %scan3A_35 = arith.constant 10 : i32
    %barrier3A_36 = arith.constant 0 : index
    tpu.barrier barrier_id(%barrier3A_36)
    %mul3A_37 = arith.constant 640 : i32
    %mul3A_38 = arith.muli %arg1, %mul3A_37 : i32
    %mul3A_39 = arith.constant 640 : i32
    %mul3A_40 = arith.muli %arg1, %mul3A_39 : i32
    "tpu.region"() ({
      %run_scoped3A = tpu.sem_alloc : memref<!tpu.dma_semaphore, #tpu.memory_space<semaphore_mem>>
      %dma_start3A = arith.constant 0 : i32
      %dma_start3A_41 = tpu.memref_slice %arg4[%arg0, %mul3A_40, %dma_start3A] : memref<2x10240x16xf32, #tpu.memory_space<hbm>> -> memref<1x640x16xf32, #tpu.memory_space<hbm>>
      %dma_start3A_42 = tpu.memref_squeeze %dma_start3A_41 : memref<1x640x16xf32, #tpu.memory_space<hbm>> -> memref<640x16xf32, #tpu.memory_space<hbm>>
      %dma_start3A_43 = arith.constant 0 : i32
      %dma_start3A_44 = tpu.memref_slice %arg7[%mul3A_38, %dma_start3A_43] : memref<10240x16xf32, #tpu.memory_space<vmem_shared>> -> memref<640x16xf32, #tpu.memory_space<vmem_shared>>
      tpu.enqueue_dma source(%dma_start3A_44 : memref<640x16xf32, #tpu.memory_space<vmem_shared>>) target(%dma_start3A_42 : memref<640x16xf32, #tpu.memory_space<hbm>>) target_semaphore(%run_scoped3A : memref<!tpu.dma_semaphore, #tpu.memory_space<semaphore_mem>>)
      %dma_wait3A = arith.constant 0 : i32
      %dma_wait3A_45 = tpu.memref_slice %arg4[%arg0, %mul3A_40, %dma_wait3A] : memref<2x10240x16xf32, #tpu.memory_space<hbm>> -> memref<1x640x16xf32, #tpu.memory_space<hbm>>
      %dma_wait3A_46 = tpu.memref_squeeze %dma_wait3A_45 : memref<1x640x16xf32, #tpu.memory_space<hbm>> -> memref<640x16xf32, #tpu.memory_space<hbm>>
      %dma_wait3A_47 = arith.constant 0 : i32
      %dma_wait3A_48 = tpu.memref_slice %arg7[%mul3A_38, %dma_wait3A_47] : memref<10240x16xf32, #tpu.memory_space<vmem_shared>> -> memref<640x16xf32, #tpu.memory_space<vmem_shared>>
      tpu.wait_dma2 semaphore(%run_scoped3A : memref<!tpu.dma_semaphore, #tpu.memory_space<semaphore_mem>>) src(%dma_wait3A_48 : memref<640x16xf32, #tpu.memory_space<vmem_shared>>) dst(%dma_wait3A_46 : memref<640x16xf32, #tpu.memory_space<hbm>>)
      tpu.yield
    }) : () -> ()
    return
  }
}

#map = affine_map<(d0, d1) -> (0, 0)>
#map1 = affine_map<(d0, d1) -> (0, 0, 0)>
module attributes {stable_mosaic.version = 14 : i64} {
  func.func @agg(%arg0: i32, %arg1: i32, %arg2: memref<10000x64xf32, #tpu.memory_space<hbm>>, %arg3: memref<2x327680xi32, #tpu.memory_space<hbm>>, %arg4: memref<2x10240x64xf32, #tpu.memory_space<hbm>>, %arg5: memref<2x320xi32, #tpu.memory_space<vmem>>, %arg6: memref<2x320xi32, #tpu.memory_space<vmem>>, %arg7: memref<320x64xf32, #tpu.memory_space<vmem>>, %arg8: memref<320x64xf32, #tpu.memory_space<vmem>>, %arg9: memref<10240x64xf32, #tpu.memory_space<vmem_shared>>, %arg10: memref<10240x64xf32, #tpu.memory_space<vmem_shared>>, %arg11: memref<!tpu.dma_semaphore, #tpu.memory_space<semaphore_mem>>, %arg12: memref<!tpu.dma_semaphore, #tpu.memory_space<semaphore_mem>>) attributes {dimension_semantics = [#tpu.dimension_semantics<core_parallel>, #tpu.dimension_semantics<subcore_parallel>], iteration_bounds = array<i64: 2, 16>, scalar_prefetch = 0 : i64, scratch_operands = 8 : i64, tpu.core_type = #tpu.core_type<sc_vector_subcore>, window_params = [{transform_indices = #map}, {transform_indices = #map}, {transform_indices = #map1}]} {
    %mul3A = arith.constant 2 : i32
    %mul3A_0 = arith.muli %arg1, %mul3A : i32
    %add3A = arith.addi %mul3A_0, %arg0 : i32
    %mul3A_1 = arith.constant 625 : i32
    %mul3A_2 = arith.muli %arg1, %mul3A_1 : i32
    %mul3A_3 = arith.constant 625 : i32
    %mul3A_4 = arith.muli %arg1, %mul3A_3 : i32
    "tpu.region"() ({
      %run_scoped3A_77 = tpu.sem_alloc : memref<!tpu.dma_semaphore, #tpu.memory_space<semaphore_mem>>
      %dma_start3A_78 = arith.constant 0 : i32
      %dma_start3A_79 = tpu.memref_slice %arg9[%mul3A_4, %dma_start3A_78] : memref<10240x64xf32, #tpu.memory_space<vmem_shared>> -> memref<625x64xf32, #tpu.memory_space<vmem_shared>>
      %dma_start3A_80 = arith.constant 0 : i32
      %dma_start3A_81 = tpu.memref_slice %arg2[%mul3A_2, %dma_start3A_80] : memref<10000x64xf32, #tpu.memory_space<hbm>> -> memref<625x64xf32, #tpu.memory_space<hbm>>
      tpu.enqueue_dma source(%dma_start3A_81 : memref<625x64xf32, #tpu.memory_space<hbm>>) target(%dma_start3A_79 : memref<625x64xf32, #tpu.memory_space<vmem_shared>>) target_semaphore(%run_scoped3A_77 : memref<!tpu.dma_semaphore, #tpu.memory_space<semaphore_mem>>)
      %dma_wait3A = arith.constant 0 : i32
      %dma_wait3A_82 = tpu.memref_slice %arg9[%mul3A_4, %dma_wait3A] : memref<10240x64xf32, #tpu.memory_space<vmem_shared>> -> memref<625x64xf32, #tpu.memory_space<vmem_shared>>
      %dma_wait3A_83 = arith.constant 0 : i32
      %dma_wait3A_84 = tpu.memref_slice %arg2[%mul3A_2, %dma_wait3A_83] : memref<10000x64xf32, #tpu.memory_space<hbm>> -> memref<625x64xf32, #tpu.memory_space<hbm>>
      tpu.wait_dma2 semaphore(%run_scoped3A_77 : memref<!tpu.dma_semaphore, #tpu.memory_space<semaphore_mem>>) src(%dma_wait3A_84 : memref<625x64xf32, #tpu.memory_space<hbm>>) dst(%dma_wait3A_82 : memref<625x64xf32, #tpu.memory_space<vmem_shared>>)
      tpu.yield
    }) : () -> ()
    %scan3A = arith.constant 0 : i32
    %scan3A_5 = arith.constant 0 : i32
    %scan3A_6 = arith.constant 128 : i32
    %scan3A_7 = arith.addi %scan3A_5, %scan3A_6 : i32
    %scan3A_8 = arith.constant 1 : i32
    %scan3A_9 = scf.for %scan3A_77 = %scan3A_5 to %scan3A_7 step %scan3A_8 iter_args(%scan3A_78 = %scan3A) -> (i32)  : i32 {
      %broadcast_in_dim3A = arith.constant 0.000000e+00 : f32
      %broadcast_in_dim3A_79 = vector.broadcast %broadcast_in_dim3A : f32 to vector<16xf32>
      %swap3A = arith.index_cast %scan3A_77 : i32 to index
      %swap3A_80 = arith.constant 0 : index
      %swap3A_81 = tpu.vector_load %arg7[%swap3A, %swap3A_80] {strides = array<i32>} : memref<320x64xf32, #tpu.memory_space<vmem>>, vector<1x16xf32>,
      %swap3A_82 = vector.shape_cast %swap3A_81 : vector<1x16xf32> to vector<16xf32>
      %swap3A_83 = vector.shape_cast %broadcast_in_dim3A_79 : vector<16xf32> to vector<1x16xf32>
      tpu.vector_store %arg7[%swap3A, %swap3A_80], %swap3A_83 {strides = array<i32>} : memref<320x64xf32, #tpu.memory_space<vmem>>, vector<1x16xf32>,
      %broadcast_in_dim3A_84 = arith.constant 0.000000e+00 : f32
      %broadcast_in_dim3A_85 = vector.broadcast %broadcast_in_dim3A_84 : f32 to vector<16xf32>
      %swap3A_86 = arith.index_cast %scan3A_77 : i32 to index
      %swap3A_87 = arith.constant 16 : index
      %swap3A_88 = tpu.vector_load %arg7[%swap3A_86, %swap3A_87] {strides = array<i32>} : memref<320x64xf32, #tpu.memory_space<vmem>>, vector<1x16xf32>,
      %swap3A_89 = vector.shape_cast %swap3A_88 : vector<1x16xf32> to vector<16xf32>
      %swap3A_90 = vector.shape_cast %broadcast_in_dim3A_85 : vector<16xf32> to vector<1x16xf32>
      tpu.vector_store %arg7[%swap3A_86, %swap3A_87], %swap3A_90 {strides = array<i32>} : memref<320x64xf32, #tpu.memory_space<vmem>>, vector<1x16xf32>,
      %broadcast_in_dim3A_91 = arith.constant 0.000000e+00 : f32
      %broadcast_in_dim3A_92 = vector.broadcast %broadcast_in_dim3A_91 : f32 to vector<16xf32>
      %swap3A_93 = arith.index_cast %scan3A_77 : i32 to index
      %swap3A_94 = arith.constant 32 : index
      %swap3A_95 = tpu.vector_load %arg7[%swap3A_93, %swap3A_94] {strides = array<i32>} : memref<320x64xf32, #tpu.memory_space<vmem>>, vector<1x16xf32>,
      %swap3A_96 = vector.shape_cast %swap3A_95 : vector<1x16xf32> to vector<16xf32>
      %swap3A_97 = vector.shape_cast %broadcast_in_dim3A_92 : vector<16xf32> to vector<1x16xf32>
      tpu.vector_store %arg7[%swap3A_93, %swap3A_94], %swap3A_97 {strides = array<i32>} : memref<320x64xf32, #tpu.memory_space<vmem>>, vector<1x16xf32>,
      %broadcast_in_dim3A_98 = arith.constant 0.000000e+00 : f32
      %broadcast_in_dim3A_99 = vector.broadcast %broadcast_in_dim3A_98 : f32 to vector<16xf32>
      %swap3A_100 = arith.index_cast %scan3A_77 : i32 to index
      %swap3A_101 = arith.constant 48 : index
      %swap3A_102 = tpu.vector_load %arg7[%swap3A_100, %swap3A_101] {strides = array<i32>} : memref<320x64xf32, #tpu.memory_space<vmem>>, vector<1x16xf32>,
      %swap3A_103 = vector.shape_cast %swap3A_102 : vector<1x16xf32> to vector<16xf32>
      %swap3A_104 = vector.shape_cast %broadcast_in_dim3A_99 : vector<16xf32> to vector<1x16xf32>
      tpu.vector_store %arg7[%swap3A_100, %swap3A_101], %swap3A_104 {strides = array<i32>} : memref<320x64xf32, #tpu.memory_space<vmem>>, vector<1x16xf32>,
      %scan3A_105 = arith.constant 0 : i32
      scf.yield %scan3A_105 : i32
    }
    %scan3A_10 = arith.constant 128 : i32
    %mul3A_11 = arith.constant 640 : i32
    %mul3A_12 = arith.muli %arg1, %mul3A_11 : i32
    %add3A_13 = arith.constant 0 : i32
    %add3A_14 = arith.addi %mul3A_12, %add3A_13 : i32
    "tpu.region"() ({
      %run_scoped3A_77 = tpu.sem_alloc : memref<!tpu.dma_semaphore, #tpu.memory_space<semaphore_mem>>
      %dma_start3A_78 = arith.constant 0 : i32
      %dma_start3A_79 = arith.constant 0 : i32
      %dma_start3A_80 = tpu.memref_slice %arg7[%dma_start3A_78, %dma_start3A_79] : memref<320x64xf32, #tpu.memory_space<vmem>> -> memref<128x64xf32, #tpu.memory_space<vmem>>
      %dma_start3A_81 = arith.constant 0 : i32
      %dma_start3A_82 = tpu.memref_slice %arg10[%add3A_14, %dma_start3A_81] : memref<10240x64xf32, #tpu.memory_space<vmem_shared>> -> memref<128x64xf32, #tpu.memory_space<vmem_shared>>
      %dma_start3A_83 = arith.constant 0 : i32
      %dma_start3A_84 = tpu.memref_slice %arg10[%add3A_14, %dma_start3A_83] : memref<10240x64xf32, #tpu.memory_space<vmem_shared>> -> memref<128x64xf32, #tpu.memory_space<vmem_shared>>
      %dma_start3A_85 = arith.constant 0 : i32
      %dma_start3A_86 = arith.constant 0 : i32
      %dma_start3A_87 = tpu.memref_slice %arg7[%dma_start3A_85, %dma_start3A_86] : memref<320x64xf32, #tpu.memory_space<vmem>> -> memref<128x64xf32, #tpu.memory_space<vmem>>
      tpu.enqueue_dma source(%dma_start3A_87 : memref<128x64xf32, #tpu.memory_space<vmem>>) target(%dma_start3A_84 : memref<128x64xf32, #tpu.memory_space<vmem_shared>>) target_semaphore(%run_scoped3A_77 : memref<!tpu.dma_semaphore, #tpu.memory_space<semaphore_mem>>)
      %dma_wait3A = arith.constant 0 : i32
      %dma_wait3A_88 = arith.constant 0 : i32
      %dma_wait3A_89 = tpu.memref_slice %arg7[%dma_wait3A, %dma_wait3A_88] : memref<320x64xf32, #tpu.memory_space<vmem>> -> memref<128x64xf32, #tpu.memory_space<vmem>>
      %dma_wait3A_90 = arith.constant 0 : i32
      %dma_wait3A_91 = tpu.memref_slice %arg10[%add3A_14, %dma_wait3A_90] : memref<10240x64xf32, #tpu.memory_space<vmem_shared>> -> memref<128x64xf32, #tpu.memory_space<vmem_shared>>
      %dma_wait3A_92 = arith.constant 0 : i32
      %dma_wait3A_93 = tpu.memref_slice %arg10[%add3A_14, %dma_wait3A_92] : memref<10240x64xf32, #tpu.memory_space<vmem_shared>> -> memref<128x64xf32, #tpu.memory_space<vmem_shared>>
      %dma_wait3A_94 = arith.constant 0 : i32
      %dma_wait3A_95 = arith.constant 0 : i32
      %dma_wait3A_96 = tpu.memref_slice %arg7[%dma_wait3A_94, %dma_wait3A_95] : memref<320x64xf32, #tpu.memory_space<vmem>> -> memref<128x64xf32, #tpu.memory_space<vmem>>
      tpu.wait_dma2 semaphore(%run_scoped3A_77 : memref<!tpu.dma_semaphore, #tpu.memory_space<semaphore_mem>>) src(%dma_wait3A_96 : memref<128x64xf32, #tpu.memory_space<vmem>>) dst(%dma_wait3A_93 : memref<128x64xf32, #tpu.memory_space<vmem_shared>>)
      tpu.yield
    }) : () -> ()
    %mul3A_15 = arith.constant 640 : i32
    %mul3A_16 = arith.muli %arg1, %mul3A_15 : i32
    %add3A_17 = arith.constant 128 : i32
    %add3A_18 = arith.addi %mul3A_16, %add3A_17 : i32
    "tpu.region"() ({
      %run_scoped3A_77 = tpu.sem_alloc : memref<!tpu.dma_semaphore, #tpu.memory_space<semaphore_mem>>
      %dma_start3A_78 = arith.constant 0 : i32
      %dma_start3A_79 = arith.constant 0 : i32
      %dma_start3A_80 = tpu.memref_slice %arg7[%dma_start3A_78, %dma_start3A_79] : memref<320x64xf32, #tpu.memory_space<vmem>> -> memref<128x64xf32, #tpu.memory_space<vmem>>
      %dma_start3A_81 = arith.constant 0 : i32
      %dma_start3A_82 = tpu.memref_slice %arg10[%add3A_18, %dma_start3A_81] : memref<10240x64xf32, #tpu.memory_space<vmem_shared>> -> memref<128x64xf32, #tpu.memory_space<vmem_shared>>
      %dma_start3A_83 = arith.constant 0 : i32
      %dma_start3A_84 = tpu.memref_slice %arg10[%add3A_18, %dma_start3A_83] : memref<10240x64xf32, #tpu.memory_space<vmem_shared>> -> memref<128x64xf32, #tpu.memory_space<vmem_shared>>
      %dma_start3A_85 = arith.constant 0 : i32
      %dma_start3A_86 = arith.constant 0 : i32
      %dma_start3A_87 = tpu.memref_slice %arg7[%dma_start3A_85, %dma_start3A_86] : memref<320x64xf32, #tpu.memory_space<vmem>> -> memref<128x64xf32, #tpu.memory_space<vmem>>
      tpu.enqueue_dma source(%dma_start3A_87 : memref<128x64xf32, #tpu.memory_space<vmem>>) target(%dma_start3A_84 : memref<128x64xf32, #tpu.memory_space<vmem_shared>>) target_semaphore(%run_scoped3A_77 : memref<!tpu.dma_semaphore, #tpu.memory_space<semaphore_mem>>)
      %dma_wait3A = arith.constant 0 : i32
      %dma_wait3A_88 = arith.constant 0 : i32
      %dma_wait3A_89 = tpu.memref_slice %arg7[%dma_wait3A, %dma_wait3A_88] : memref<320x64xf32, #tpu.memory_space<vmem>> -> memref<128x64xf32, #tpu.memory_space<vmem>>
      %dma_wait3A_90 = arith.constant 0 : i32
      %dma_wait3A_91 = tpu.memref_slice %arg10[%add3A_18, %dma_wait3A_90] : memref<10240x64xf32, #tpu.memory_space<vmem_shared>> -> memref<128x64xf32, #tpu.memory_space<vmem_shared>>
      %dma_wait3A_92 = arith.constant 0 : i32
      %dma_wait3A_93 = tpu.memref_slice %arg10[%add3A_18, %dma_wait3A_92] : memref<10240x64xf32, #tpu.memory_space<vmem_shared>> -> memref<128x64xf32, #tpu.memory_space<vmem_shared>>
      %dma_wait3A_94 = arith.constant 0 : i32
      %dma_wait3A_95 = arith.constant 0 : i32
      %dma_wait3A_96 = tpu.memref_slice %arg7[%dma_wait3A_94, %dma_wait3A_95] : memref<320x64xf32, #tpu.memory_space<vmem>> -> memref<128x64xf32, #tpu.memory_space<vmem>>
      tpu.wait_dma2 semaphore(%run_scoped3A_77 : memref<!tpu.dma_semaphore, #tpu.memory_space<semaphore_mem>>) src(%dma_wait3A_96 : memref<128x64xf32, #tpu.memory_space<vmem>>) dst(%dma_wait3A_93 : memref<128x64xf32, #tpu.memory_space<vmem_shared>>)
      tpu.yield
    }) : () -> ()
    %mul3A_19 = arith.constant 640 : i32
    %mul3A_20 = arith.muli %arg1, %mul3A_19 : i32
    %add3A_21 = arith.constant 256 : i32
    %add3A_22 = arith.addi %mul3A_20, %add3A_21 : i32
    "tpu.region"() ({
      %run_scoped3A_77 = tpu.sem_alloc : memref<!tpu.dma_semaphore, #tpu.memory_space<semaphore_mem>>
      %dma_start3A_78 = arith.constant 0 : i32
      %dma_start3A_79 = arith.constant 0 : i32
      %dma_start3A_80 = tpu.memref_slice %arg7[%dma_start3A_78, %dma_start3A_79] : memref<320x64xf32, #tpu.memory_space<vmem>> -> memref<128x64xf32, #tpu.memory_space<vmem>>
      %dma_start3A_81 = arith.constant 0 : i32
      %dma_start3A_82 = tpu.memref_slice %arg10[%add3A_22, %dma_start3A_81] : memref<10240x64xf32, #tpu.memory_space<vmem_shared>> -> memref<128x64xf32, #tpu.memory_space<vmem_shared>>
      %dma_start3A_83 = arith.constant 0 : i32
      %dma_start3A_84 = tpu.memref_slice %arg10[%add3A_22, %dma_start3A_83] : memref<10240x64xf32, #tpu.memory_space<vmem_shared>> -> memref<128x64xf32, #tpu.memory_space<vmem_shared>>
      %dma_start3A_85 = arith.constant 0 : i32
      %dma_start3A_86 = arith.constant 0 : i32
      %dma_start3A_87 = tpu.memref_slice %arg7[%dma_start3A_85, %dma_start3A_86] : memref<320x64xf32, #tpu.memory_space<vmem>> -> memref<128x64xf32, #tpu.memory_space<vmem>>
      tpu.enqueue_dma source(%dma_start3A_87 : memref<128x64xf32, #tpu.memory_space<vmem>>) target(%dma_start3A_84 : memref<128x64xf32, #tpu.memory_space<vmem_shared>>) target_semaphore(%run_scoped3A_77 : memref<!tpu.dma_semaphore, #tpu.memory_space<semaphore_mem>>)
      %dma_wait3A = arith.constant 0 : i32
      %dma_wait3A_88 = arith.constant 0 : i32
      %dma_wait3A_89 = tpu.memref_slice %arg7[%dma_wait3A, %dma_wait3A_88] : memref<320x64xf32, #tpu.memory_space<vmem>> -> memref<128x64xf32, #tpu.memory_space<vmem>>
      %dma_wait3A_90 = arith.constant 0 : i32
      %dma_wait3A_91 = tpu.memref_slice %arg10[%add3A_22, %dma_wait3A_90] : memref<10240x64xf32, #tpu.memory_space<vmem_shared>> -> memref<128x64xf32, #tpu.memory_space<vmem_shared>>
      %dma_wait3A_92 = arith.constant 0 : i32
      %dma_wait3A_93 = tpu.memref_slice %arg10[%add3A_22, %dma_wait3A_92] : memref<10240x64xf32, #tpu.memory_space<vmem_shared>> -> memref<128x64xf32, #tpu.memory_space<vmem_shared>>
      %dma_wait3A_94 = arith.constant 0 : i32
      %dma_wait3A_95 = arith.constant 0 : i32
      %dma_wait3A_96 = tpu.memref_slice %arg7[%dma_wait3A_94, %dma_wait3A_95] : memref<320x64xf32, #tpu.memory_space<vmem>> -> memref<128x64xf32, #tpu.memory_space<vmem>>
      tpu.wait_dma2 semaphore(%run_scoped3A_77 : memref<!tpu.dma_semaphore, #tpu.memory_space<semaphore_mem>>) src(%dma_wait3A_96 : memref<128x64xf32, #tpu.memory_space<vmem>>) dst(%dma_wait3A_93 : memref<128x64xf32, #tpu.memory_space<vmem_shared>>)
      tpu.yield
    }) : () -> ()
    %mul3A_23 = arith.constant 640 : i32
    %mul3A_24 = arith.muli %arg1, %mul3A_23 : i32
    %add3A_25 = arith.constant 384 : i32
    %add3A_26 = arith.addi %mul3A_24, %add3A_25 : i32
    "tpu.region"() ({
      %run_scoped3A_77 = tpu.sem_alloc : memref<!tpu.dma_semaphore, #tpu.memory_space<semaphore_mem>>
      %dma_start3A_78 = arith.constant 0 : i32
      %dma_start3A_79 = arith.constant 0 : i32
      %dma_start3A_80 = tpu.memref_slice %arg7[%dma_start3A_78, %dma_start3A_79] : memref<320x64xf32, #tpu.memory_space<vmem>> -> memref<128x64xf32, #tpu.memory_space<vmem>>
      %dma_start3A_81 = arith.constant 0 : i32
      %dma_start3A_82 = tpu.memref_slice %arg10[%add3A_26, %dma_start3A_81] : memref<10240x64xf32, #tpu.memory_space<vmem_shared>> -> memref<128x64xf32, #tpu.memory_space<vmem_shared>>
      %dma_start3A_83 = arith.constant 0 : i32
      %dma_start3A_84 = tpu.memref_slice %arg10[%add3A_26, %dma_start3A_83] : memref<10240x64xf32, #tpu.memory_space<vmem_shared>> -> memref<128x64xf32, #tpu.memory_space<vmem_shared>>
      %dma_start3A_85 = arith.constant 0 : i32
      %dma_start3A_86 = arith.constant 0 : i32
      %dma_start3A_87 = tpu.memref_slice %arg7[%dma_start3A_85, %dma_start3A_86] : memref<320x64xf32, #tpu.memory_space<vmem>> -> memref<128x64xf32, #tpu.memory_space<vmem>>
      tpu.enqueue_dma source(%dma_start3A_87 : memref<128x64xf32, #tpu.memory_space<vmem>>) target(%dma_start3A_84 : memref<128x64xf32, #tpu.memory_space<vmem_shared>>) target_semaphore(%run_scoped3A_77 : memref<!tpu.dma_semaphore, #tpu.memory_space<semaphore_mem>>)
      %dma_wait3A = arith.constant 0 : i32
      %dma_wait3A_88 = arith.constant 0 : i32
      %dma_wait3A_89 = tpu.memref_slice %arg7[%dma_wait3A, %dma_wait3A_88] : memref<320x64xf32, #tpu.memory_space<vmem>> -> memref<128x64xf32, #tpu.memory_space<vmem>>
      %dma_wait3A_90 = arith.constant 0 : i32
      %dma_wait3A_91 = tpu.memref_slice %arg10[%add3A_26, %dma_wait3A_90] : memref<10240x64xf32, #tpu.memory_space<vmem_shared>> -> memref<128x64xf32, #tpu.memory_space<vmem_shared>>
      %dma_wait3A_92 = arith.constant 0 : i32
      %dma_wait3A_93 = tpu.memref_slice %arg10[%add3A_26, %dma_wait3A_92] : memref<10240x64xf32, #tpu.memory_space<vmem_shared>> -> memref<128x64xf32, #tpu.memory_space<vmem_shared>>
      %dma_wait3A_94 = arith.constant 0 : i32
      %dma_wait3A_95 = arith.constant 0 : i32
      %dma_wait3A_96 = tpu.memref_slice %arg7[%dma_wait3A_94, %dma_wait3A_95] : memref<320x64xf32, #tpu.memory_space<vmem>> -> memref<128x64xf32, #tpu.memory_space<vmem>>
      tpu.wait_dma2 semaphore(%run_scoped3A_77 : memref<!tpu.dma_semaphore, #tpu.memory_space<semaphore_mem>>) src(%dma_wait3A_96 : memref<128x64xf32, #tpu.memory_space<vmem>>) dst(%dma_wait3A_93 : memref<128x64xf32, #tpu.memory_space<vmem_shared>>)
      tpu.yield
    }) : () -> ()
    %mul3A_27 = arith.constant 640 : i32
    %mul3A_28 = arith.muli %arg1, %mul3A_27 : i32
    %add3A_29 = arith.constant 512 : i32
    %add3A_30 = arith.addi %mul3A_28, %add3A_29 : i32
    "tpu.region"() ({
      %run_scoped3A_77 = tpu.sem_alloc : memref<!tpu.dma_semaphore, #tpu.memory_space<semaphore_mem>>
      %dma_start3A_78 = arith.constant 0 : i32
      %dma_start3A_79 = arith.constant 0 : i32
      %dma_start3A_80 = tpu.memref_slice %arg7[%dma_start3A_78, %dma_start3A_79] : memref<320x64xf32, #tpu.memory_space<vmem>> -> memref<128x64xf32, #tpu.memory_space<vmem>>
      %dma_start3A_81 = arith.constant 0 : i32
      %dma_start3A_82 = tpu.memref_slice %arg10[%add3A_30, %dma_start3A_81] : memref<10240x64xf32, #tpu.memory_space<vmem_shared>> -> memref<128x64xf32, #tpu.memory_space<vmem_shared>>
      %dma_start3A_83 = arith.constant 0 : i32
      %dma_start3A_84 = tpu.memref_slice %arg10[%add3A_30, %dma_start3A_83] : memref<10240x64xf32, #tpu.memory_space<vmem_shared>> -> memref<128x64xf32, #tpu.memory_space<vmem_shared>>
      %dma_start3A_85 = arith.constant 0 : i32
      %dma_start3A_86 = arith.constant 0 : i32
      %dma_start3A_87 = tpu.memref_slice %arg7[%dma_start3A_85, %dma_start3A_86] : memref<320x64xf32, #tpu.memory_space<vmem>> -> memref<128x64xf32, #tpu.memory_space<vmem>>
      tpu.enqueue_dma source(%dma_start3A_87 : memref<128x64xf32, #tpu.memory_space<vmem>>) target(%dma_start3A_84 : memref<128x64xf32, #tpu.memory_space<vmem_shared>>) target_semaphore(%run_scoped3A_77 : memref<!tpu.dma_semaphore, #tpu.memory_space<semaphore_mem>>)
      %dma_wait3A = arith.constant 0 : i32
      %dma_wait3A_88 = arith.constant 0 : i32
      %dma_wait3A_89 = tpu.memref_slice %arg7[%dma_wait3A, %dma_wait3A_88] : memref<320x64xf32, #tpu.memory_space<vmem>> -> memref<128x64xf32, #tpu.memory_space<vmem>>
      %dma_wait3A_90 = arith.constant 0 : i32
      %dma_wait3A_91 = tpu.memref_slice %arg10[%add3A_30, %dma_wait3A_90] : memref<10240x64xf32, #tpu.memory_space<vmem_shared>> -> memref<128x64xf32, #tpu.memory_space<vmem_shared>>
      %dma_wait3A_92 = arith.constant 0 : i32
      %dma_wait3A_93 = tpu.memref_slice %arg10[%add3A_30, %dma_wait3A_92] : memref<10240x64xf32, #tpu.memory_space<vmem_shared>> -> memref<128x64xf32, #tpu.memory_space<vmem_shared>>
      %dma_wait3A_94 = arith.constant 0 : i32
      %dma_wait3A_95 = arith.constant 0 : i32
      %dma_wait3A_96 = tpu.memref_slice %arg7[%dma_wait3A_94, %dma_wait3A_95] : memref<320x64xf32, #tpu.memory_space<vmem>> -> memref<128x64xf32, #tpu.memory_space<vmem>>
      tpu.wait_dma2 semaphore(%run_scoped3A_77 : memref<!tpu.dma_semaphore, #tpu.memory_space<semaphore_mem>>) src(%dma_wait3A_96 : memref<128x64xf32, #tpu.memory_space<vmem>>) dst(%dma_wait3A_93 : memref<128x64xf32, #tpu.memory_space<vmem_shared>>)
      tpu.yield
    }) : () -> ()
    %barrier3A = arith.constant 0 : index
    tpu.barrier barrier_id(%barrier3A)
    %mul3A_31 = arith.constant 32 : i32
    %mul3A_32 = arith.muli %add3A, %mul3A_31 : i32
    %add3A_33 = arith.constant 0 : i32
    %add3A_34 = arith.addi %mul3A_32, %add3A_33 : i32
    %mul3A_35 = arith.constant 320 : i32
    %mul3A_36 = arith.muli %add3A_34, %mul3A_35 : i32
    %run_scoped3A = arith.constant 0 : i32
    %run_scoped3A_37 = arith.constant 0 : i32
    "tpu.region"() ({
      %run_scoped3A_77 = tpu.sem_alloc : memref<!tpu.dma_semaphore, #tpu.memory_space<semaphore_mem>>
      %dma_start3A_78 = arith.constant 0 : i32
      %dma_start3A_79 = tpu.memref_slice %arg5[%run_scoped3A_37, %dma_start3A_78] : memref<2x320xi32, #tpu.memory_space<vmem>> -> memref<1x320xi32, #tpu.memory_space<vmem>>
      %dma_start3A_80 = tpu.memref_squeeze %dma_start3A_79 : memref<1x320xi32, #tpu.memory_space<vmem>> -> memref<320xi32, #tpu.memory_space<vmem>>
      %dma_start3A_81 = tpu.memref_slice %arg3[%run_scoped3A, %mul3A_36] : memref<2x327680xi32, #tpu.memory_space<hbm>> -> memref<1x320xi32, #tpu.memory_space<hbm>>
      %dma_start3A_82 = tpu.memref_squeeze %dma_start3A_81 : memref<1x320xi32, #tpu.memory_space<hbm>> -> memref<320xi32, #tpu.memory_space<hbm>>
      %dma_start3A_83 = arith.constant 0 : i32
      %dma_start3A_84 = tpu.memref_slice %arg5[%run_scoped3A_37, %dma_start3A_83] : memref<2x320xi32, #tpu.memory_space<vmem>> -> memref<1x320xi32, #tpu.memory_space<vmem>>
      %dma_start3A_85 = tpu.memref_squeeze %dma_start3A_84 : memref<1x320xi32, #tpu.memory_space<vmem>> -> memref<320xi32, #tpu.memory_space<vmem>>
      %dma_start3A_86 = tpu.memref_slice %arg3[%run_scoped3A, %mul3A_36] : memref<2x327680xi32, #tpu.memory_space<hbm>> -> memref<1x320xi32, #tpu.memory_space<hbm>>
      %dma_start3A_87 = tpu.memref_squeeze %dma_start3A_86 : memref<1x320xi32, #tpu.memory_space<hbm>> -> memref<320xi32, #tpu.memory_space<hbm>>
      tpu.enqueue_dma source(%dma_start3A_87 : memref<320xi32, #tpu.memory_space<hbm>>) target(%dma_start3A_85 : memref<320xi32, #tpu.memory_space<vmem>>) target_semaphore(%run_scoped3A_77 : memref<!tpu.dma_semaphore, #tpu.memory_space<semaphore_mem>>)
      %dma_wait3A = arith.constant 0 : i32
      %dma_wait3A_88 = tpu.memref_slice %arg5[%run_scoped3A_37, %dma_wait3A] : memref<2x320xi32, #tpu.memory_space<vmem>> -> memref<1x320xi32, #tpu.memory_space<vmem>>
      %dma_wait3A_89 = tpu.memref_squeeze %dma_wait3A_88 : memref<1x320xi32, #tpu.memory_space<vmem>> -> memref<320xi32, #tpu.memory_space<vmem>>
      %dma_wait3A_90 = tpu.memref_slice %arg3[%run_scoped3A, %mul3A_36] : memref<2x327680xi32, #tpu.memory_space<hbm>> -> memref<1x320xi32, #tpu.memory_space<hbm>>
      %dma_wait3A_91 = tpu.memref_squeeze %dma_wait3A_90 : memref<1x320xi32, #tpu.memory_space<hbm>> -> memref<320xi32, #tpu.memory_space<hbm>>
      %dma_wait3A_92 = arith.constant 0 : i32
      %dma_wait3A_93 = tpu.memref_slice %arg5[%run_scoped3A_37, %dma_wait3A_92] : memref<2x320xi32, #tpu.memory_space<vmem>> -> memref<1x320xi32, #tpu.memory_space<vmem>>
      %dma_wait3A_94 = tpu.memref_squeeze %dma_wait3A_93 : memref<1x320xi32, #tpu.memory_space<vmem>> -> memref<320xi32, #tpu.memory_space<vmem>>
      %dma_wait3A_95 = tpu.memref_slice %arg3[%run_scoped3A, %mul3A_36] : memref<2x327680xi32, #tpu.memory_space<hbm>> -> memref<1x320xi32, #tpu.memory_space<hbm>>
      %dma_wait3A_96 = tpu.memref_squeeze %dma_wait3A_95 : memref<1x320xi32, #tpu.memory_space<hbm>> -> memref<320xi32, #tpu.memory_space<hbm>>
      tpu.wait_dma2 semaphore(%run_scoped3A_77 : memref<!tpu.dma_semaphore, #tpu.memory_space<semaphore_mem>>) src(%dma_wait3A_96 : memref<320xi32, #tpu.memory_space<hbm>>) dst(%dma_wait3A_94 : memref<320xi32, #tpu.memory_space<vmem>>)
      tpu.yield
    }) : () -> ()
    %mul3A_38 = arith.constant 320 : i32
    %mul3A_39 = arith.muli %add3A_34, %mul3A_38 : i32
    %run_scoped3A_40 = arith.constant 1 : i32
    %run_scoped3A_41 = arith.constant 1 : i32
    "tpu.region"() ({
      %run_scoped3A_77 = tpu.sem_alloc : memref<!tpu.dma_semaphore, #tpu.memory_space<semaphore_mem>>
      %dma_start3A_78 = arith.constant 0 : i32
      %dma_start3A_79 = tpu.memref_slice %arg5[%run_scoped3A_41, %dma_start3A_78] : memref<2x320xi32, #tpu.memory_space<vmem>> -> memref<1x320xi32, #tpu.memory_space<vmem>>
      %dma_start3A_80 = tpu.memref_squeeze %dma_start3A_79 : memref<1x320xi32, #tpu.memory_space<vmem>> -> memref<320xi32, #tpu.memory_space<vmem>>
      %dma_start3A_81 = tpu.memref_slice %arg3[%run_scoped3A_40, %mul3A_39] : memref<2x327680xi32, #tpu.memory_space<hbm>> -> memref<1x320xi32, #tpu.memory_space<hbm>>
      %dma_start3A_82 = tpu.memref_squeeze %dma_start3A_81 : memref<1x320xi32, #tpu.memory_space<hbm>> -> memref<320xi32, #tpu.memory_space<hbm>>
      %dma_start3A_83 = arith.constant 0 : i32
      %dma_start3A_84 = tpu.memref_slice %arg5[%run_scoped3A_41, %dma_start3A_83] : memref<2x320xi32, #tpu.memory_space<vmem>> -> memref<1x320xi32, #tpu.memory_space<vmem>>
      %dma_start3A_85 = tpu.memref_squeeze %dma_start3A_84 : memref<1x320xi32, #tpu.memory_space<vmem>> -> memref<320xi32, #tpu.memory_space<vmem>>
      %dma_start3A_86 = tpu.memref_slice %arg3[%run_scoped3A_40, %mul3A_39] : memref<2x327680xi32, #tpu.memory_space<hbm>> -> memref<1x320xi32, #tpu.memory_space<hbm>>
      %dma_start3A_87 = tpu.memref_squeeze %dma_start3A_86 : memref<1x320xi32, #tpu.memory_space<hbm>> -> memref<320xi32, #tpu.memory_space<hbm>>
      tpu.enqueue_dma source(%dma_start3A_87 : memref<320xi32, #tpu.memory_space<hbm>>) target(%dma_start3A_85 : memref<320xi32, #tpu.memory_space<vmem>>) target_semaphore(%run_scoped3A_77 : memref<!tpu.dma_semaphore, #tpu.memory_space<semaphore_mem>>)
      %dma_wait3A = arith.constant 0 : i32
      %dma_wait3A_88 = tpu.memref_slice %arg5[%run_scoped3A_41, %dma_wait3A] : memref<2x320xi32, #tpu.memory_space<vmem>> -> memref<1x320xi32, #tpu.memory_space<vmem>>
      %dma_wait3A_89 = tpu.memref_squeeze %dma_wait3A_88 : memref<1x320xi32, #tpu.memory_space<vmem>> -> memref<320xi32, #tpu.memory_space<vmem>>
      %dma_wait3A_90 = tpu.memref_slice %arg3[%run_scoped3A_40, %mul3A_39] : memref<2x327680xi32, #tpu.memory_space<hbm>> -> memref<1x320xi32, #tpu.memory_space<hbm>>
      %dma_wait3A_91 = tpu.memref_squeeze %dma_wait3A_90 : memref<1x320xi32, #tpu.memory_space<hbm>> -> memref<320xi32, #tpu.memory_space<hbm>>
      %dma_wait3A_92 = arith.constant 0 : i32
      %dma_wait3A_93 = tpu.memref_slice %arg5[%run_scoped3A_41, %dma_wait3A_92] : memref<2x320xi32, #tpu.memory_space<vmem>> -> memref<1x320xi32, #tpu.memory_space<vmem>>
      %dma_wait3A_94 = tpu.memref_squeeze %dma_wait3A_93 : memref<1x320xi32, #tpu.memory_space<vmem>> -> memref<320xi32, #tpu.memory_space<vmem>>
      %dma_wait3A_95 = tpu.memref_slice %arg3[%run_scoped3A_40, %mul3A_39] : memref<2x327680xi32, #tpu.memory_space<hbm>> -> memref<1x320xi32, #tpu.memory_space<hbm>>
      %dma_wait3A_96 = tpu.memref_squeeze %dma_wait3A_95 : memref<1x320xi32, #tpu.memory_space<hbm>> -> memref<320xi32, #tpu.memory_space<hbm>>
      tpu.wait_dma2 semaphore(%run_scoped3A_77 : memref<!tpu.dma_semaphore, #tpu.memory_space<semaphore_mem>>) src(%dma_wait3A_96 : memref<320xi32, #tpu.memory_space<hbm>>) dst(%dma_wait3A_94 : memref<320xi32, #tpu.memory_space<vmem>>)
      tpu.yield
    }) : () -> ()
    %dma_start3A = arith.constant 0 : i32
    %dma_start3A_42 = arith.constant 0 : i32
    %dma_start3A_43 = tpu.memref_slice %arg5[%dma_start3A, %dma_start3A_42] : memref<2x320xi32, #tpu.memory_space<vmem>> -> memref<1x320xi32, #tpu.memory_space<vmem>>
    %dma_start3A_44 = tpu.memref_squeeze %dma_start3A_43 : memref<1x320xi32, #tpu.memory_space<vmem>> -> memref<320xi32, #tpu.memory_space<vmem>>
    %dma_start3A_45 = arith.constant 0 : i32
    %dma_start3A_46 = arith.constant 0 : i32
    %dma_start3A_47 = tpu.memref_slice %arg9[%dma_start3A_45, %dma_start3A_46] : memref<10240x64xf32, #tpu.memory_space<vmem_shared>> -> memref<10240x64xf32, #tpu.memory_space<vmem_shared>>
    tpu.enqueue_indirect_dma source(%dma_start3A_47 : memref<10240x64xf32, #tpu.memory_space<vmem_shared>>) target(%arg7 : memref<320x64xf32, #tpu.memory_space<vmem>>) offsets(%dma_start3A_44 : memref<320xi32, #tpu.memory_space<vmem>>) semaphore(%arg11 : memref<!tpu.dma_semaphore, #tpu.memory_space<semaphore_mem>>)
    %add3A_48 = arith.constant 1 : i32
    %add3A_49 = arith.addi %mul3A_32, %add3A_48 : i32
    %mul3A_50 = arith.constant 320 : i32
    %mul3A_51 = arith.muli %add3A_49, %mul3A_50 : i32
    %run_scoped3A_52 = arith.constant 0 : i32
    %run_scoped3A_53 = arith.constant 0 : i32
    "tpu.region"() ({
      %run_scoped3A_77 = tpu.sem_alloc : memref<!tpu.dma_semaphore, #tpu.memory_space<semaphore_mem>>
      %dma_start3A_78 = arith.constant 0 : i32
      %dma_start3A_79 = tpu.memref_slice %arg6[%run_scoped3A_53, %dma_start3A_78] : memref<2x320xi32, #tpu.memory_space<vmem>> -> memref<1x320xi32, #tpu.memory_space<vmem>>
      %dma_start3A_80 = tpu.memref_squeeze %dma_start3A_79 : memref<1x320xi32, #tpu.memory_space<vmem>> -> memref<320xi32, #tpu.memory_space<vmem>>
      %dma_start3A_81 = tpu.memref_slice %arg3[%run_scoped3A_52, %mul3A_51] : memref<2x327680xi32, #tpu.memory_space<hbm>> -> memref<1x320xi32, #tpu.memory_space<hbm>>
      %dma_start3A_82 = tpu.memref_squeeze %dma_start3A_81 : memref<1x320xi32, #tpu.memory_space<hbm>> -> memref<320xi32, #tpu.memory_space<hbm>>
      %dma_start3A_83 = arith.constant 0 : i32
      %dma_start3A_84 = tpu.memref_slice %arg6[%run_scoped3A_53, %dma_start3A_83] : memref<2x320xi32, #tpu.memory_space<vmem>> -> memref<1x320xi32, #tpu.memory_space<vmem>>
      %dma_start3A_85 = tpu.memref_squeeze %dma_start3A_84 : memref<1x320xi32, #tpu.memory_space<vmem>> -> memref<320xi32, #tpu.memory_space<vmem>>
      %dma_start3A_86 = tpu.memref_slice %arg3[%run_scoped3A_52, %mul3A_51] : memref<2x327680xi32, #tpu.memory_space<hbm>> -> memref<1x320xi32, #tpu.memory_space<hbm>>
      %dma_start3A_87 = tpu.memref_squeeze %dma_start3A_86 : memref<1x320xi32, #tpu.memory_space<hbm>> -> memref<320xi32, #tpu.memory_space<hbm>>
      tpu.enqueue_dma source(%dma_start3A_87 : memref<320xi32, #tpu.memory_space<hbm>>) target(%dma_start3A_85 : memref<320xi32, #tpu.memory_space<vmem>>) target_semaphore(%run_scoped3A_77 : memref<!tpu.dma_semaphore, #tpu.memory_space<semaphore_mem>>)
      %dma_wait3A = arith.constant 0 : i32
      %dma_wait3A_88 = tpu.memref_slice %arg6[%run_scoped3A_53, %dma_wait3A] : memref<2x320xi32, #tpu.memory_space<vmem>> -> memref<1x320xi32, #tpu.memory_space<vmem>>
      %dma_wait3A_89 = tpu.memref_squeeze %dma_wait3A_88 : memref<1x320xi32, #tpu.memory_space<vmem>> -> memref<320xi32, #tpu.memory_space<vmem>>
      %dma_wait3A_90 = tpu.memref_slice %arg3[%run_scoped3A_52, %mul3A_51] : memref<2x327680xi32, #tpu.memory_space<hbm>> -> memref<1x320xi32, #tpu.memory_space<hbm>>
      %dma_wait3A_91 = tpu.memref_squeeze %dma_wait3A_90 : memref<1x320xi32, #tpu.memory_space<hbm>> -> memref<320xi32, #tpu.memory_space<hbm>>
      %dma_wait3A_92 = arith.constant 0 : i32
      %dma_wait3A_93 = tpu.memref_slice %arg6[%run_scoped3A_53, %dma_wait3A_92] : memref<2x320xi32, #tpu.memory_space<vmem>> -> memref<1x320xi32, #tpu.memory_space<vmem>>
      %dma_wait3A_94 = tpu.memref_squeeze %dma_wait3A_93 : memref<1x320xi32, #tpu.memory_space<vmem>> -> memref<320xi32, #tpu.memory_space<vmem>>
      %dma_wait3A_95 = tpu.memref_slice %arg3[%run_scoped3A_52, %mul3A_51] : memref<2x327680xi32, #tpu.memory_space<hbm>> -> memref<1x320xi32, #tpu.memory_space<hbm>>
      %dma_wait3A_96 = tpu.memref_squeeze %dma_wait3A_95 : memref<1x320xi32, #tpu.memory_space<hbm>> -> memref<320xi32, #tpu.memory_space<hbm>>
      tpu.wait_dma2 semaphore(%run_scoped3A_77 : memref<!tpu.dma_semaphore, #tpu.memory_space<semaphore_mem>>) src(%dma_wait3A_96 : memref<320xi32, #tpu.memory_space<hbm>>) dst(%dma_wait3A_94 : memref<320xi32, #tpu.memory_space<vmem>>)
      tpu.yield
    }) : () -> ()
    %mul3A_54 = arith.constant 320 : i32
    %mul3A_55 = arith.muli %add3A_49, %mul3A_54 : i32
    %run_scoped3A_56 = arith.constant 1 : i32
    %run_scoped3A_57 = arith.constant 1 : i32
    "tpu.region"() ({
      %run_scoped3A_77 = tpu.sem_alloc : memref<!tpu.dma_semaphore, #tpu.memory_space<semaphore_mem>>
      %dma_start3A_78 = arith.constant 0 : i32
      %dma_start3A_79 = tpu.memref_slice %arg6[%run_scoped3A_57, %dma_start3A_78] : memref<2x320xi32, #tpu.memory_space<vmem>> -> memref<1x320xi32, #tpu.memory_space<vmem>>
      %dma_start3A_80 = tpu.memref_squeeze %dma_start3A_79 : memref<1x320xi32, #tpu.memory_space<vmem>> -> memref<320xi32, #tpu.memory_space<vmem>>
      %dma_start3A_81 = tpu.memref_slice %arg3[%run_scoped3A_56, %mul3A_55] : memref<2x327680xi32, #tpu.memory_space<hbm>> -> memref<1x320xi32, #tpu.memory_space<hbm>>
      %dma_start3A_82 = tpu.memref_squeeze %dma_start3A_81 : memref<1x320xi32, #tpu.memory_space<hbm>> -> memref<320xi32, #tpu.memory_space<hbm>>
      %dma_start3A_83 = arith.constant 0 : i32
      %dma_start3A_84 = tpu.memref_slice %arg6[%run_scoped3A_57, %dma_start3A_83] : memref<2x320xi32, #tpu.memory_space<vmem>> -> memref<1x320xi32, #tpu.memory_space<vmem>>
      %dma_start3A_85 = tpu.memref_squeeze %dma_start3A_84 : memref<1x320xi32, #tpu.memory_space<vmem>> -> memref<320xi32, #tpu.memory_space<vmem>>
      %dma_start3A_86 = tpu.memref_slice %arg3[%run_scoped3A_56, %mul3A_55] : memref<2x327680xi32, #tpu.memory_space<hbm>> -> memref<1x320xi32, #tpu.memory_space<hbm>>
      %dma_start3A_87 = tpu.memref_squeeze %dma_start3A_86 : memref<1x320xi32, #tpu.memory_space<hbm>> -> memref<320xi32, #tpu.memory_space<hbm>>
      tpu.enqueue_dma source(%dma_start3A_87 : memref<320xi32, #tpu.memory_space<hbm>>) target(%dma_start3A_85 : memref<320xi32, #tpu.memory_space<vmem>>) target_semaphore(%run_scoped3A_77 : memref<!tpu.dma_semaphore, #tpu.memory_space<semaphore_mem>>)
      %dma_wait3A = arith.constant 0 : i32
      %dma_wait3A_88 = tpu.memref_slice %arg6[%run_scoped3A_57, %dma_wait3A] : memref<2x320xi32, #tpu.memory_space<vmem>> -> memref<1x320xi32, #tpu.memory_space<vmem>>
      %dma_wait3A_89 = tpu.memref_squeeze %dma_wait3A_88 : memref<1x320xi32, #tpu.memory_space<vmem>> -> memref<320xi32, #tpu.memory_space<vmem>>
      %dma_wait3A_90 = tpu.memref_slice %arg3[%run_scoped3A_56, %mul3A_55] : memref<2x327680xi32, #tpu.memory_space<hbm>> -> memref<1x320xi32, #tpu.memory_space<hbm>>
      %dma_wait3A_91 = tpu.memref_squeeze %dma_wait3A_90 : memref<1x320xi32, #tpu.memory_space<hbm>> -> memref<320xi32, #tpu.memory_space<hbm>>
      %dma_wait3A_92 = arith.constant 0 : i32
      %dma_wait3A_93 = tpu.memref_slice %arg6[%run_scoped3A_57, %dma_wait3A_92] : memref<2x320xi32, #tpu.memory_space<vmem>> -> memref<1x320xi32, #tpu.memory_space<vmem>>
      %dma_wait3A_94 = tpu.memref_squeeze %dma_wait3A_93 : memref<1x320xi32, #tpu.memory_space<vmem>> -> memref<320xi32, #tpu.memory_space<vmem>>
      %dma_wait3A_95 = tpu.memref_slice %arg3[%run_scoped3A_56, %mul3A_55] : memref<2x327680xi32, #tpu.memory_space<hbm>> -> memref<1x320xi32, #tpu.memory_space<hbm>>
      %dma_wait3A_96 = tpu.memref_squeeze %dma_wait3A_95 : memref<1x320xi32, #tpu.memory_space<hbm>> -> memref<320xi32, #tpu.memory_space<hbm>>
      tpu.wait_dma2 semaphore(%run_scoped3A_77 : memref<!tpu.dma_semaphore, #tpu.memory_space<semaphore_mem>>) src(%dma_wait3A_96 : memref<320xi32, #tpu.memory_space<hbm>>) dst(%dma_wait3A_94 : memref<320xi32, #tpu.memory_space<vmem>>)
      tpu.yield
    }) : () -> ()
    %dma_start3A_58 = arith.constant 0 : i32
    %dma_start3A_59 = arith.constant 0 : i32
    %dma_start3A_60 = tpu.memref_slice %arg6[%dma_start3A_58, %dma_start3A_59] : memref<2x320xi32, #tpu.memory_space<vmem>> -> memref<1x320xi32, #tpu.memory_space<vmem>>
    %dma_start3A_61 = tpu.memref_squeeze %dma_start3A_60 : memref<1x320xi32, #tpu.memory_space<vmem>> -> memref<320xi32, #tpu.memory_space<vmem>>
    %dma_start3A_62 = arith.constant 0 : i32
    %dma_start3A_63 = arith.constant 0 : i32
    %dma_start3A_64 = tpu.memref_slice %arg9[%dma_start3A_62, %dma_start3A_63] : memref<10240x64xf32, #tpu.memory_space<vmem_shared>> -> memref<10240x64xf32, #tpu.memory_space<vmem_shared>>
    tpu.enqueue_indirect_dma source(%dma_start3A_64 : memref<10240x64xf32, #tpu.memory_space<vmem_shared>>) target(%arg8 : memref<320x64xf32, #tpu.memory_space<vmem>>) offsets(%dma_start3A_61 : memref<320xi32, #tpu.memory_space<vmem>>) semaphore(%arg12 : memref<!tpu.dma_semaphore, #tpu.memory_space<semaphore_mem>>)
    %scan3A_65 = arith.constant 0 : i32
    %scan3A_66 = arith.constant 0 : i32
    %scan3A_67 = arith.constant 16 : i32
    %scan3A_68 = arith.addi %scan3A_66, %scan3A_67 : i32
    %scan3A_69 = arith.constant 1 : i32
    %scan3A_70 = scf.for %scan3A_77 = %scan3A_66 to %scan3A_68 step %scan3A_69 iter_args(%scan3A_78 = %scan3A_65) -> (i32)  : i32 {
      %mul3A_79 = arith.constant 2 : i32
      %mul3A_80 = arith.muli %mul3A_79, %scan3A_77 : i32
      %add3A_81 = arith.constant 0 : i32
      %add3A_82 = arith.addi %mul3A_80, %add3A_81 : i32
      %dma_wait3A = arith.constant 0 : i32
      %dma_wait3A_83 = arith.constant 0 : i32
      %dma_wait3A_84 = tpu.memref_slice %arg5[%dma_wait3A, %dma_wait3A_83] : memref<2x320xi32, #tpu.memory_space<vmem>> -> memref<1x320xi32, #tpu.memory_space<vmem>>
      %dma_wait3A_85 = tpu.memref_squeeze %dma_wait3A_84 : memref<1x320xi32, #tpu.memory_space<vmem>> -> memref<320xi32, #tpu.memory_space<vmem>>
      %dma_wait3A_86 = arith.constant 0 : i32
      %dma_wait3A_87 = arith.constant 0 : i32
      %dma_wait3A_88 = tpu.memref_slice %arg9[%dma_wait3A_86, %dma_wait3A_87] : memref<10240x64xf32, #tpu.memory_space<vmem_shared>> -> memref<10240x64xf32, #tpu.memory_space<vmem_shared>>
      tpu.wait_indirect_dma semaphore(%arg11 : memref<!tpu.dma_semaphore, #tpu.memory_space<semaphore_mem>>) src(%dma_wait3A_88 : memref<10240x64xf32, #tpu.memory_space<vmem_shared>>) dst(%arg7 : memref<320x64xf32, #tpu.memory_space<vmem>>)
      %run_scoped3A_89 = arith.constant 1 : i32
      "tpu.region"() ({
        %run_scoped3A_114 = tpu.sem_alloc : memref<!tpu.dma_semaphore, #tpu.memory_space<semaphore_mem>>
        %dma_start3A_115 = arith.constant 0 : i32
        %dma_start3A_116 = tpu.memref_slice %arg5[%run_scoped3A_89, %dma_start3A_115] : memref<2x320xi32, #tpu.memory_space<vmem>> -> memref<1x320xi32, #tpu.memory_space<vmem>>
        %dma_start3A_117 = tpu.memref_squeeze %dma_start3A_116 : memref<1x320xi32, #tpu.memory_space<vmem>> -> memref<320xi32, #tpu.memory_space<vmem>>
        %dma_start3A_118 = arith.constant 0 : i32
        %dma_start3A_119 = arith.constant 0 : i32
        %dma_start3A_120 = tpu.memref_slice %arg10[%dma_start3A_118, %dma_start3A_119] : memref<10240x64xf32, #tpu.memory_space<vmem_shared>> -> memref<10240x64xf32, #tpu.memory_space<vmem_shared>>
        tpu.enqueue_indirect_dma source(%arg7 : memref<320x64xf32, #tpu.memory_space<vmem>>) target(%dma_start3A_120 : memref<10240x64xf32, #tpu.memory_space<vmem_shared>>) offsets(%dma_start3A_117 : memref<320xi32, #tpu.memory_space<vmem>>) semaphore(%run_scoped3A_114 : memref<!tpu.dma_semaphore, #tpu.memory_space<semaphore_mem>>) {add = true}
        %dma_wait3A_121 = arith.constant 0 : i32
        %dma_wait3A_122 = tpu.memref_slice %arg5[%run_scoped3A_89, %dma_wait3A_121] : memref<2x320xi32, #tpu.memory_space<vmem>> -> memref<1x320xi32, #tpu.memory_space<vmem>>
        %dma_wait3A_123 = tpu.memref_squeeze %dma_wait3A_122 : memref<1x320xi32, #tpu.memory_space<vmem>> -> memref<320xi32, #tpu.memory_space<vmem>>
        %dma_wait3A_124 = arith.constant 0 : i32
        %dma_wait3A_125 = arith.constant 0 : i32
        %dma_wait3A_126 = tpu.memref_slice %arg10[%dma_wait3A_124, %dma_wait3A_125] : memref<10240x64xf32, #tpu.memory_space<vmem_shared>> -> memref<10240x64xf32, #tpu.memory_space<vmem_shared>>
        tpu.wait_indirect_dma semaphore(%run_scoped3A_114 : memref<!tpu.dma_semaphore, #tpu.memory_space<semaphore_mem>>) src(%arg7 : memref<320x64xf32, #tpu.memory_space<vmem>>) dst(%dma_wait3A_126 : memref<10240x64xf32, #tpu.memory_space<vmem_shared>>)
        tpu.yield
      }) : () -> ()
      %add3A_90 = arith.constant 2 : i32
      %add3A_91 = arith.addi %add3A_82, %add3A_90 : i32
      %lt3A = arith.constant 32 : i32
      %lt3A_92 = arith.cmpi slt, %add3A_91, %lt3A : i32
      %convert_element_type3A = arith.extui %lt3A_92 : i1 to i32
      %cond3A = arith.constant 0 : i32
      %cond3A_93 = arith.cmpi ne, %convert_element_type3A, %cond3A : i32
      scf.if %cond3A_93 {
        %add3A_114 = arith.addi %mul3A_32, %add3A_82 : i32
        %add3A_115 = arith.constant 2 : i32
        %add3A_116 = arith.addi %add3A_114, %add3A_115 : i32
        %mul3A_117 = arith.constant 320 : i32
        %mul3A_118 = arith.muli %add3A_116, %mul3A_117 : i32
        %run_scoped3A_119 = arith.constant 0 : i32
        %run_scoped3A_120 = arith.constant 0 : i32
        "tpu.region"() ({
          %run_scoped3A_132 = tpu.sem_alloc : memref<!tpu.dma_semaphore, #tpu.memory_space<semaphore_mem>>
          %dma_start3A_133 = arith.constant 0 : i32
          %dma_start3A_134 = tpu.memref_slice %arg5[%run_scoped3A_120, %dma_start3A_133] : memref<2x320xi32, #tpu.memory_space<vmem>> -> memref<1x320xi32, #tpu.memory_space<vmem>>
          %dma_start3A_135 = tpu.memref_squeeze %dma_start3A_134 : memref<1x320xi32, #tpu.memory_space<vmem>> -> memref<320xi32, #tpu.memory_space<vmem>>
          %dma_start3A_136 = tpu.memref_slice %arg3[%run_scoped3A_119, %mul3A_118] : memref<2x327680xi32, #tpu.memory_space<hbm>> -> memref<1x320xi32, #tpu.memory_space<hbm>>
          %dma_start3A_137 = tpu.memref_squeeze %dma_start3A_136 : memref<1x320xi32, #tpu.memory_space<hbm>> -> memref<320xi32, #tpu.memory_space<hbm>>
          %dma_start3A_138 = arith.constant 0 : i32
          %dma_start3A_139 = tpu.memref_slice %arg5[%run_scoped3A_120, %dma_start3A_138] : memref<2x320xi32, #tpu.memory_space<vmem>> -> memref<1x320xi32, #tpu.memory_space<vmem>>
          %dma_start3A_140 = tpu.memref_squeeze %dma_start3A_139 : memref<1x320xi32, #tpu.memory_space<vmem>> -> memref<320xi32, #tpu.memory_space<vmem>>
          %dma_start3A_141 = tpu.memref_slice %arg3[%run_scoped3A_119, %mul3A_118] : memref<2x327680xi32, #tpu.memory_space<hbm>> -> memref<1x320xi32, #tpu.memory_space<hbm>>
          %dma_start3A_142 = tpu.memref_squeeze %dma_start3A_141 : memref<1x320xi32, #tpu.memory_space<hbm>> -> memref<320xi32, #tpu.memory_space<hbm>>
          tpu.enqueue_dma source(%dma_start3A_142 : memref<320xi32, #tpu.memory_space<hbm>>) target(%dma_start3A_140 : memref<320xi32, #tpu.memory_space<vmem>>) target_semaphore(%run_scoped3A_132 : memref<!tpu.dma_semaphore, #tpu.memory_space<semaphore_mem>>)
          %dma_wait3A_143 = arith.constant 0 : i32
          %dma_wait3A_144 = tpu.memref_slice %arg5[%run_scoped3A_120, %dma_wait3A_143] : memref<2x320xi32, #tpu.memory_space<vmem>> -> memref<1x320xi32, #tpu.memory_space<vmem>>
          %dma_wait3A_145 = tpu.memref_squeeze %dma_wait3A_144 : memref<1x320xi32, #tpu.memory_space<vmem>> -> memref<320xi32, #tpu.memory_space<vmem>>
          %dma_wait3A_146 = tpu.memref_slice %arg3[%run_scoped3A_119, %mul3A_118] : memref<2x327680xi32, #tpu.memory_space<hbm>> -> memref<1x320xi32, #tpu.memory_space<hbm>>
          %dma_wait3A_147 = tpu.memref_squeeze %dma_wait3A_146 : memref<1x320xi32, #tpu.memory_space<hbm>> -> memref<320xi32, #tpu.memory_space<hbm>>
          %dma_wait3A_148 = arith.constant 0 : i32
          %dma_wait3A_149 = tpu.memref_slice %arg5[%run_scoped3A_120, %dma_wait3A_148] : memref<2x320xi32, #tpu.memory_space<vmem>> -> memref<1x320xi32, #tpu.memory_space<vmem>>
          %dma_wait3A_150 = tpu.memref_squeeze %dma_wait3A_149 : memref<1x320xi32, #tpu.memory_space<vmem>> -> memref<320xi32, #tpu.memory_space<vmem>>
          %dma_wait3A_151 = tpu.memref_slice %arg3[%run_scoped3A_119, %mul3A_118] : memref<2x327680xi32, #tpu.memory_space<hbm>> -> memref<1x320xi32, #tpu.memory_space<hbm>>
          %dma_wait3A_152 = tpu.memref_squeeze %dma_wait3A_151 : memref<1x320xi32, #tpu.memory_space<hbm>> -> memref<320xi32, #tpu.memory_space<hbm>>
          tpu.wait_dma2 semaphore(%run_scoped3A_132 : memref<!tpu.dma_semaphore, #tpu.memory_space<semaphore_mem>>) src(%dma_wait3A_152 : memref<320xi32, #tpu.memory_space<hbm>>) dst(%dma_wait3A_150 : memref<320xi32, #tpu.memory_space<vmem>>)
          tpu.yield
        }) : () -> ()
        %mul3A_121 = arith.constant 320 : i32
        %mul3A_122 = arith.muli %add3A_116, %mul3A_121 : i32
        %run_scoped3A_123 = arith.constant 1 : i32
        %run_scoped3A_124 = arith.constant 1 : i32
        "tpu.region"() ({
          %run_scoped3A_132 = tpu.sem_alloc : memref<!tpu.dma_semaphore, #tpu.memory_space<semaphore_mem>>
          %dma_start3A_133 = arith.constant 0 : i32
          %dma_start3A_134 = tpu.memref_slice %arg5[%run_scoped3A_124, %dma_start3A_133] : memref<2x320xi32, #tpu.memory_space<vmem>> -> memref<1x320xi32, #tpu.memory_space<vmem>>
          %dma_start3A_135 = tpu.memref_squeeze %dma_start3A_134 : memref<1x320xi32, #tpu.memory_space<vmem>> -> memref<320xi32, #tpu.memory_space<vmem>>
          %dma_start3A_136 = tpu.memref_slice %arg3[%run_scoped3A_123, %mul3A_122] : memref<2x327680xi32, #tpu.memory_space<hbm>> -> memref<1x320xi32, #tpu.memory_space<hbm>>
          %dma_start3A_137 = tpu.memref_squeeze %dma_start3A_136 : memref<1x320xi32, #tpu.memory_space<hbm>> -> memref<320xi32, #tpu.memory_space<hbm>>
          %dma_start3A_138 = arith.constant 0 : i32
          %dma_start3A_139 = tpu.memref_slice %arg5[%run_scoped3A_124, %dma_start3A_138] : memref<2x320xi32, #tpu.memory_space<vmem>> -> memref<1x320xi32, #tpu.memory_space<vmem>>
          %dma_start3A_140 = tpu.memref_squeeze %dma_start3A_139 : memref<1x320xi32, #tpu.memory_space<vmem>> -> memref<320xi32, #tpu.memory_space<vmem>>
          %dma_start3A_141 = tpu.memref_slice %arg3[%run_scoped3A_123, %mul3A_122] : memref<2x327680xi32, #tpu.memory_space<hbm>> -> memref<1x320xi32, #tpu.memory_space<hbm>>
          %dma_start3A_142 = tpu.memref_squeeze %dma_start3A_141 : memref<1x320xi32, #tpu.memory_space<hbm>> -> memref<320xi32, #tpu.memory_space<hbm>>
          tpu.enqueue_dma source(%dma_start3A_142 : memref<320xi32, #tpu.memory_space<hbm>>) target(%dma_start3A_140 : memref<320xi32, #tpu.memory_space<vmem>>) target_semaphore(%run_scoped3A_132 : memref<!tpu.dma_semaphore, #tpu.memory_space<semaphore_mem>>)
          %dma_wait3A_143 = arith.constant 0 : i32
          %dma_wait3A_144 = tpu.memref_slice %arg5[%run_scoped3A_124, %dma_wait3A_143] : memref<2x320xi32, #tpu.memory_space<vmem>> -> memref<1x320xi32, #tpu.memory_space<vmem>>
          %dma_wait3A_145 = tpu.memref_squeeze %dma_wait3A_144 : memref<1x320xi32, #tpu.memory_space<vmem>> -> memref<320xi32, #tpu.memory_space<vmem>>
          %dma_wait3A_146 = tpu.memref_slice %arg3[%run_scoped3A_123, %mul3A_122] : memref<2x327680xi32, #tpu.memory_space<hbm>> -> memref<1x320xi32, #tpu.memory_space<hbm>>
          %dma_wait3A_147 = tpu.memref_squeeze %dma_wait3A_146 : memref<1x320xi32, #tpu.memory_space<hbm>> -> memref<320xi32, #tpu.memory_space<hbm>>
          %dma_wait3A_148 = arith.constant 0 : i32
          %dma_wait3A_149 = tpu.memref_slice %arg5[%run_scoped3A_124, %dma_wait3A_148] : memref<2x320xi32, #tpu.memory_space<vmem>> -> memref<1x320xi32, #tpu.memory_space<vmem>>
          %dma_wait3A_150 = tpu.memref_squeeze %dma_wait3A_149 : memref<1x320xi32, #tpu.memory_space<vmem>> -> memref<320xi32, #tpu.memory_space<vmem>>
          %dma_wait3A_151 = tpu.memref_slice %arg3[%run_scoped3A_123, %mul3A_122] : memref<2x327680xi32, #tpu.memory_space<hbm>> -> memref<1x320xi32, #tpu.memory_space<hbm>>
          %dma_wait3A_152 = tpu.memref_squeeze %dma_wait3A_151 : memref<1x320xi32, #tpu.memory_space<hbm>> -> memref<320xi32, #tpu.memory_space<hbm>>
          tpu.wait_dma2 semaphore(%run_scoped3A_132 : memref<!tpu.dma_semaphore, #tpu.memory_space<semaphore_mem>>) src(%dma_wait3A_152 : memref<320xi32, #tpu.memory_space<hbm>>) dst(%dma_wait3A_150 : memref<320xi32, #tpu.memory_space<vmem>>)
          tpu.yield
        }) : () -> ()
        %dma_start3A_125 = arith.constant 0 : i32
        %dma_start3A_126 = arith.constant 0 : i32
        %dma_start3A_127 = tpu.memref_slice %arg5[%dma_start3A_125, %dma_start3A_126] : memref<2x320xi32, #tpu.memory_space<vmem>> -> memref<1x320xi32, #tpu.memory_space<vmem>>
        %dma_start3A_128 = tpu.memref_squeeze %dma_start3A_127 : memref<1x320xi32, #tpu.memory_space<vmem>> -> memref<320xi32, #tpu.memory_space<vmem>>
        %dma_start3A_129 = arith.constant 0 : i32
        %dma_start3A_130 = arith.constant 0 : i32
        %dma_start3A_131 = tpu.memref_slice %arg9[%dma_start3A_129, %dma_start3A_130] : memref<10240x64xf32, #tpu.memory_space<vmem_shared>> -> memref<10240x64xf32, #tpu.memory_space<vmem_shared>>
        tpu.enqueue_indirect_dma source(%dma_start3A_131 : memref<10240x64xf32, #tpu.memory_space<vmem_shared>>) target(%arg7 : memref<320x64xf32, #tpu.memory_space<vmem>>) offsets(%dma_start3A_128 : memref<320xi32, #tpu.memory_space<vmem>>) semaphore(%arg11 : memref<!tpu.dma_semaphore, #tpu.memory_space<semaphore_mem>>)
      } else {
      }
      %mul3A_94 = arith.constant 2 : i32
      %mul3A_95 = arith.muli %mul3A_94, %scan3A_77 : i32
      %add3A_96 = arith.constant 1 : i32
      %add3A_97 = arith.addi %mul3A_95, %add3A_96 : i32
      %dma_wait3A_98 = arith.constant 0 : i32
      %dma_wait3A_99 = arith.constant 0 : i32
      %dma_wait3A_100 = tpu.memref_slice %arg6[%dma_wait3A_98, %dma_wait3A_99] : memref<2x320xi32, #tpu.memory_space<vmem>> -> memref<1x320xi32, #tpu.memory_space<vmem>>
      %dma_wait3A_101 = tpu.memref_squeeze %dma_wait3A_100 : memref<1x320xi32, #tpu.memory_space<vmem>> -> memref<320xi32, #tpu.memory_space<vmem>>
      %dma_wait3A_102 = arith.constant 0 : i32
      %dma_wait3A_103 = arith.constant 0 : i32
      %dma_wait3A_104 = tpu.memref_slice %arg9[%dma_wait3A_102, %dma_wait3A_103] : memref<10240x64xf32, #tpu.memory_space<vmem_shared>> -> memref<10240x64xf32, #tpu.memory_space<vmem_shared>>
      tpu.wait_indirect_dma semaphore(%arg12 : memref<!tpu.dma_semaphore, #tpu.memory_space<semaphore_mem>>) src(%dma_wait3A_104 : memref<10240x64xf32, #tpu.memory_space<vmem_shared>>) dst(%arg8 : memref<320x64xf32, #tpu.memory_space<vmem>>)
      %run_scoped3A_105 = arith.constant 1 : i32
      "tpu.region"() ({
        %run_scoped3A_114 = tpu.sem_alloc : memref<!tpu.dma_semaphore, #tpu.memory_space<semaphore_mem>>
        %dma_start3A_115 = arith.constant 0 : i32
        %dma_start3A_116 = tpu.memref_slice %arg6[%run_scoped3A_105, %dma_start3A_115] : memref<2x320xi32, #tpu.memory_space<vmem>> -> memref<1x320xi32, #tpu.memory_space<vmem>>
        %dma_start3A_117 = tpu.memref_squeeze %dma_start3A_116 : memref<1x320xi32, #tpu.memory_space<vmem>> -> memref<320xi32, #tpu.memory_space<vmem>>
        %dma_start3A_118 = arith.constant 0 : i32
        %dma_start3A_119 = arith.constant 0 : i32
        %dma_start3A_120 = tpu.memref_slice %arg10[%dma_start3A_118, %dma_start3A_119] : memref<10240x64xf32, #tpu.memory_space<vmem_shared>> -> memref<10240x64xf32, #tpu.memory_space<vmem_shared>>
        tpu.enqueue_indirect_dma source(%arg8 : memref<320x64xf32, #tpu.memory_space<vmem>>) target(%dma_start3A_120 : memref<10240x64xf32, #tpu.memory_space<vmem_shared>>) offsets(%dma_start3A_117 : memref<320xi32, #tpu.memory_space<vmem>>) semaphore(%run_scoped3A_114 : memref<!tpu.dma_semaphore, #tpu.memory_space<semaphore_mem>>) {add = true}
        %dma_wait3A_121 = arith.constant 0 : i32
        %dma_wait3A_122 = tpu.memref_slice %arg6[%run_scoped3A_105, %dma_wait3A_121] : memref<2x320xi32, #tpu.memory_space<vmem>> -> memref<1x320xi32, #tpu.memory_space<vmem>>
        %dma_wait3A_123 = tpu.memref_squeeze %dma_wait3A_122 : memref<1x320xi32, #tpu.memory_space<vmem>> -> memref<320xi32, #tpu.memory_space<vmem>>
        %dma_wait3A_124 = arith.constant 0 : i32
        %dma_wait3A_125 = arith.constant 0 : i32
        %dma_wait3A_126 = tpu.memref_slice %arg10[%dma_wait3A_124, %dma_wait3A_125] : memref<10240x64xf32, #tpu.memory_space<vmem_shared>> -> memref<10240x64xf32, #tpu.memory_space<vmem_shared>>
        tpu.wait_indirect_dma semaphore(%run_scoped3A_114 : memref<!tpu.dma_semaphore, #tpu.memory_space<semaphore_mem>>) src(%arg8 : memref<320x64xf32, #tpu.memory_space<vmem>>) dst(%dma_wait3A_126 : memref<10240x64xf32, #tpu.memory_space<vmem_shared>>)
        tpu.yield
      }) : () -> ()
      %add3A_106 = arith.constant 2 : i32
      %add3A_107 = arith.addi %add3A_97, %add3A_106 : i32
      %lt3A_108 = arith.constant 32 : i32
      %lt3A_109 = arith.cmpi slt, %add3A_107, %lt3A_108 : i32
      %convert_element_type3A_110 = arith.extui %lt3A_109 : i1 to i32
      %cond3A_111 = arith.constant 0 : i32
      %cond3A_112 = arith.cmpi ne, %convert_element_type3A_110, %cond3A_111 : i32
      scf.if %cond3A_112 {
        %add3A_114 = arith.addi %mul3A_32, %add3A_97 : i32
        %add3A_115 = arith.constant 2 : i32
        %add3A_116 = arith.addi %add3A_114, %add3A_115 : i32
        %mul3A_117 = arith.constant 320 : i32
        %mul3A_118 = arith.muli %add3A_116, %mul3A_117 : i32
        %run_scoped3A_119 = arith.constant 0 : i32
        %run_scoped3A_120 = arith.constant 0 : i32
        "tpu.region"() ({
          %run_scoped3A_132 = tpu.sem_alloc : memref<!tpu.dma_semaphore, #tpu.memory_space<semaphore_mem>>
          %dma_start3A_133 = arith.constant 0 : i32
          %dma_start3A_134 = tpu.memref_slice %arg6[%run_scoped3A_120, %dma_start3A_133] : memref<2x320xi32, #tpu.memory_space<vmem>> -> memref<1x320xi32, #tpu.memory_space<vmem>>
          %dma_start3A_135 = tpu.memref_squeeze %dma_start3A_134 : memref<1x320xi32, #tpu.memory_space<vmem>> -> memref<320xi32, #tpu.memory_space<vmem>>
          %dma_start3A_136 = tpu.memref_slice %arg3[%run_scoped3A_119, %mul3A_118] : memref<2x327680xi32, #tpu.memory_space<hbm>> -> memref<1x320xi32, #tpu.memory_space<hbm>>
          %dma_start3A_137 = tpu.memref_squeeze %dma_start3A_136 : memref<1x320xi32, #tpu.memory_space<hbm>> -> memref<320xi32, #tpu.memory_space<hbm>>
          %dma_start3A_138 = arith.constant 0 : i32
          %dma_start3A_139 = tpu.memref_slice %arg6[%run_scoped3A_120, %dma_start3A_138] : memref<2x320xi32, #tpu.memory_space<vmem>> -> memref<1x320xi32, #tpu.memory_space<vmem>>
          %dma_start3A_140 = tpu.memref_squeeze %dma_start3A_139 : memref<1x320xi32, #tpu.memory_space<vmem>> -> memref<320xi32, #tpu.memory_space<vmem>>
          %dma_start3A_141 = tpu.memref_slice %arg3[%run_scoped3A_119, %mul3A_118] : memref<2x327680xi32, #tpu.memory_space<hbm>> -> memref<1x320xi32, #tpu.memory_space<hbm>>
          %dma_start3A_142 = tpu.memref_squeeze %dma_start3A_141 : memref<1x320xi32, #tpu.memory_space<hbm>> -> memref<320xi32, #tpu.memory_space<hbm>>
          tpu.enqueue_dma source(%dma_start3A_142 : memref<320xi32, #tpu.memory_space<hbm>>) target(%dma_start3A_140 : memref<320xi32, #tpu.memory_space<vmem>>) target_semaphore(%run_scoped3A_132 : memref<!tpu.dma_semaphore, #tpu.memory_space<semaphore_mem>>)
          %dma_wait3A_143 = arith.constant 0 : i32
          %dma_wait3A_144 = tpu.memref_slice %arg6[%run_scoped3A_120, %dma_wait3A_143] : memref<2x320xi32, #tpu.memory_space<vmem>> -> memref<1x320xi32, #tpu.memory_space<vmem>>
          %dma_wait3A_145 = tpu.memref_squeeze %dma_wait3A_144 : memref<1x320xi32, #tpu.memory_space<vmem>> -> memref<320xi32, #tpu.memory_space<vmem>>
          %dma_wait3A_146 = tpu.memref_slice %arg3[%run_scoped3A_119, %mul3A_118] : memref<2x327680xi32, #tpu.memory_space<hbm>> -> memref<1x320xi32, #tpu.memory_space<hbm>>
          %dma_wait3A_147 = tpu.memref_squeeze %dma_wait3A_146 : memref<1x320xi32, #tpu.memory_space<hbm>> -> memref<320xi32, #tpu.memory_space<hbm>>
          %dma_wait3A_148 = arith.constant 0 : i32
          %dma_wait3A_149 = tpu.memref_slice %arg6[%run_scoped3A_120, %dma_wait3A_148] : memref<2x320xi32, #tpu.memory_space<vmem>> -> memref<1x320xi32, #tpu.memory_space<vmem>>
          %dma_wait3A_150 = tpu.memref_squeeze %dma_wait3A_149 : memref<1x320xi32, #tpu.memory_space<vmem>> -> memref<320xi32, #tpu.memory_space<vmem>>
          %dma_wait3A_151 = tpu.memref_slice %arg3[%run_scoped3A_119, %mul3A_118] : memref<2x327680xi32, #tpu.memory_space<hbm>> -> memref<1x320xi32, #tpu.memory_space<hbm>>
          %dma_wait3A_152 = tpu.memref_squeeze %dma_wait3A_151 : memref<1x320xi32, #tpu.memory_space<hbm>> -> memref<320xi32, #tpu.memory_space<hbm>>
          tpu.wait_dma2 semaphore(%run_scoped3A_132 : memref<!tpu.dma_semaphore, #tpu.memory_space<semaphore_mem>>) src(%dma_wait3A_152 : memref<320xi32, #tpu.memory_space<hbm>>) dst(%dma_wait3A_150 : memref<320xi32, #tpu.memory_space<vmem>>)
          tpu.yield
        }) : () -> ()
        %mul3A_121 = arith.constant 320 : i32
        %mul3A_122 = arith.muli %add3A_116, %mul3A_121 : i32
        %run_scoped3A_123 = arith.constant 1 : i32
        %run_scoped3A_124 = arith.constant 1 : i32
        "tpu.region"() ({
          %run_scoped3A_132 = tpu.sem_alloc : memref<!tpu.dma_semaphore, #tpu.memory_space<semaphore_mem>>
          %dma_start3A_133 = arith.constant 0 : i32
          %dma_start3A_134 = tpu.memref_slice %arg6[%run_scoped3A_124, %dma_start3A_133] : memref<2x320xi32, #tpu.memory_space<vmem>> -> memref<1x320xi32, #tpu.memory_space<vmem>>
          %dma_start3A_135 = tpu.memref_squeeze %dma_start3A_134 : memref<1x320xi32, #tpu.memory_space<vmem>> -> memref<320xi32, #tpu.memory_space<vmem>>
          %dma_start3A_136 = tpu.memref_slice %arg3[%run_scoped3A_123, %mul3A_122] : memref<2x327680xi32, #tpu.memory_space<hbm>> -> memref<1x320xi32, #tpu.memory_space<hbm>>
          %dma_start3A_137 = tpu.memref_squeeze %dma_start3A_136 : memref<1x320xi32, #tpu.memory_space<hbm>> -> memref<320xi32, #tpu.memory_space<hbm>>
          %dma_start3A_138 = arith.constant 0 : i32
          %dma_start3A_139 = tpu.memref_slice %arg6[%run_scoped3A_124, %dma_start3A_138] : memref<2x320xi32, #tpu.memory_space<vmem>> -> memref<1x320xi32, #tpu.memory_space<vmem>>
          %dma_start3A_140 = tpu.memref_squeeze %dma_start3A_139 : memref<1x320xi32, #tpu.memory_space<vmem>> -> memref<320xi32, #tpu.memory_space<vmem>>
          %dma_start3A_141 = tpu.memref_slice %arg3[%run_scoped3A_123, %mul3A_122] : memref<2x327680xi32, #tpu.memory_space<hbm>> -> memref<1x320xi32, #tpu.memory_space<hbm>>
          %dma_start3A_142 = tpu.memref_squeeze %dma_start3A_141 : memref<1x320xi32, #tpu.memory_space<hbm>> -> memref<320xi32, #tpu.memory_space<hbm>>
          tpu.enqueue_dma source(%dma_start3A_142 : memref<320xi32, #tpu.memory_space<hbm>>) target(%dma_start3A_140 : memref<320xi32, #tpu.memory_space<vmem>>) target_semaphore(%run_scoped3A_132 : memref<!tpu.dma_semaphore, #tpu.memory_space<semaphore_mem>>)
          %dma_wait3A_143 = arith.constant 0 : i32
          %dma_wait3A_144 = tpu.memref_slice %arg6[%run_scoped3A_124, %dma_wait3A_143] : memref<2x320xi32, #tpu.memory_space<vmem>> -> memref<1x320xi32, #tpu.memory_space<vmem>>
          %dma_wait3A_145 = tpu.memref_squeeze %dma_wait3A_144 : memref<1x320xi32, #tpu.memory_space<vmem>> -> memref<320xi32, #tpu.memory_space<vmem>>
          %dma_wait3A_146 = tpu.memref_slice %arg3[%run_scoped3A_123, %mul3A_122] : memref<2x327680xi32, #tpu.memory_space<hbm>> -> memref<1x320xi32, #tpu.memory_space<hbm>>
          %dma_wait3A_147 = tpu.memref_squeeze %dma_wait3A_146 : memref<1x320xi32, #tpu.memory_space<hbm>> -> memref<320xi32, #tpu.memory_space<hbm>>
          %dma_wait3A_148 = arith.constant 0 : i32
          %dma_wait3A_149 = tpu.memref_slice %arg6[%run_scoped3A_124, %dma_wait3A_148] : memref<2x320xi32, #tpu.memory_space<vmem>> -> memref<1x320xi32, #tpu.memory_space<vmem>>
          %dma_wait3A_150 = tpu.memref_squeeze %dma_wait3A_149 : memref<1x320xi32, #tpu.memory_space<vmem>> -> memref<320xi32, #tpu.memory_space<vmem>>
          %dma_wait3A_151 = tpu.memref_slice %arg3[%run_scoped3A_123, %mul3A_122] : memref<2x327680xi32, #tpu.memory_space<hbm>> -> memref<1x320xi32, #tpu.memory_space<hbm>>
          %dma_wait3A_152 = tpu.memref_squeeze %dma_wait3A_151 : memref<1x320xi32, #tpu.memory_space<hbm>> -> memref<320xi32, #tpu.memory_space<hbm>>
          tpu.wait_dma2 semaphore(%run_scoped3A_132 : memref<!tpu.dma_semaphore, #tpu.memory_space<semaphore_mem>>) src(%dma_wait3A_152 : memref<320xi32, #tpu.memory_space<hbm>>) dst(%dma_wait3A_150 : memref<320xi32, #tpu.memory_space<vmem>>)
          tpu.yield
        }) : () -> ()
        %dma_start3A_125 = arith.constant 0 : i32
        %dma_start3A_126 = arith.constant 0 : i32
        %dma_start3A_127 = tpu.memref_slice %arg6[%dma_start3A_125, %dma_start3A_126] : memref<2x320xi32, #tpu.memory_space<vmem>> -> memref<1x320xi32, #tpu.memory_space<vmem>>
        %dma_start3A_128 = tpu.memref_squeeze %dma_start3A_127 : memref<1x320xi32, #tpu.memory_space<vmem>> -> memref<320xi32, #tpu.memory_space<vmem>>
        %dma_start3A_129 = arith.constant 0 : i32
        %dma_start3A_130 = arith.constant 0 : i32
        %dma_start3A_131 = tpu.memref_slice %arg9[%dma_start3A_129, %dma_start3A_130] : memref<10240x64xf32, #tpu.memory_space<vmem_shared>> -> memref<10240x64xf32, #tpu.memory_space<vmem_shared>>
        tpu.enqueue_indirect_dma source(%dma_start3A_131 : memref<10240x64xf32, #tpu.memory_space<vmem_shared>>) target(%arg8 : memref<320x64xf32, #tpu.memory_space<vmem>>) offsets(%dma_start3A_128 : memref<320xi32, #tpu.memory_space<vmem>>) semaphore(%arg12 : memref<!tpu.dma_semaphore, #tpu.memory_space<semaphore_mem>>)
      } else {
      }
      %scan3A_113 = arith.constant 0 : i32
      scf.yield %scan3A_113 : i32
    }
    %scan3A_71 = arith.constant 16 : i32
    %barrier3A_72 = arith.constant 0 : index
    tpu.barrier barrier_id(%barrier3A_72)
    %mul3A_73 = arith.constant 640 : i32
    %mul3A_74 = arith.muli %arg1, %mul3A_73 : i32
    %mul3A_75 = arith.constant 640 : i32
    %mul3A_76 = arith.muli %arg1, %mul3A_75 : i32
    "tpu.region"() ({
      %run_scoped3A_77 = tpu.sem_alloc : memref<!tpu.dma_semaphore, #tpu.memory_space<semaphore_mem>>
      %dma_start3A_78 = arith.constant 0 : i32
      %dma_start3A_79 = tpu.memref_slice %arg4[%arg0, %mul3A_76, %dma_start3A_78] : memref<2x10240x64xf32, #tpu.memory_space<hbm>> -> memref<1x640x64xf32, #tpu.memory_space<hbm>>
      %dma_start3A_80 = tpu.memref_squeeze %dma_start3A_79 : memref<1x640x64xf32, #tpu.memory_space<hbm>> -> memref<640x64xf32, #tpu.memory_space<hbm>>
      %dma_start3A_81 = arith.constant 0 : i32
      %dma_start3A_82 = tpu.memref_slice %arg10[%mul3A_74, %dma_start3A_81] : memref<10240x64xf32, #tpu.memory_space<vmem_shared>> -> memref<640x64xf32, #tpu.memory_space<vmem_shared>>
      tpu.enqueue_dma source(%dma_start3A_82 : memref<640x64xf32, #tpu.memory_space<vmem_shared>>) target(%dma_start3A_80 : memref<640x64xf32, #tpu.memory_space<hbm>>) target_semaphore(%run_scoped3A_77 : memref<!tpu.dma_semaphore, #tpu.memory_space<semaphore_mem>>)
      %dma_wait3A = arith.constant 0 : i32
      %dma_wait3A_83 = tpu.memref_slice %arg4[%arg0, %mul3A_76, %dma_wait3A] : memref<2x10240x64xf32, #tpu.memory_space<hbm>> -> memref<1x640x64xf32, #tpu.memory_space<hbm>>
      %dma_wait3A_84 = tpu.memref_squeeze %dma_wait3A_83 : memref<1x640x64xf32, #tpu.memory_space<hbm>> -> memref<640x64xf32, #tpu.memory_space<hbm>>
      %dma_wait3A_85 = arith.constant 0 : i32
      %dma_wait3A_86 = tpu.memref_slice %arg10[%mul3A_74, %dma_wait3A_85] : memref<10240x64xf32, #tpu.memory_space<vmem_shared>> -> memref<640x64xf32, #tpu.memory_space<vmem_shared>>
      tpu.wait_dma2 semaphore(%run_scoped3A_77 : memref<!tpu.dma_semaphore, #tpu.memory_space<semaphore_mem>>) src(%dma_wait3A_86 : memref<640x64xf32, #tpu.memory_space<vmem_shared>>) dst(%dma_wait3A_84 : memref<640x64xf32, #tpu.memory_space<hbm>>)
      tpu.yield
    }) : () -> ()
    return
  }
}

#map = affine_map<(d0, d1) -> (0, 0, 0)>
#map1 = affine_map<(d0, d1) -> (0, 0)>
module attributes {stable_mosaic.version = 14 : i64} {
  func.func @agg(%arg0: i32, %arg1: i32, %arg2: memref<2x10000x64xf32, #tpu.memory_space<hbm>>, %arg3: memref<2x327680xi32, #tpu.memory_space<hbm>>, %arg4: memref<2x10240x64xf32, #tpu.memory_space<hbm>>, %arg5: memref<2x320xi32, #tpu.memory_space<vmem>>, %arg6: memref<2x320xi32, #tpu.memory_space<vmem>>, %arg7: memref<320x64xf32, #tpu.memory_space<vmem>>, %arg8: memref<320x64xf32, #tpu.memory_space<vmem>>, %arg9: memref<10240x64xf32, #tpu.memory_space<vmem_shared>>, %arg10: memref<10240x64xf32, #tpu.memory_space<vmem_shared>>, %arg11: memref<!tpu.dma_semaphore, #tpu.memory_space<semaphore_mem>>, %arg12: memref<!tpu.dma_semaphore, #tpu.memory_space<semaphore_mem>>) attributes {dimension_semantics = [#tpu.dimension_semantics<core_parallel>, #tpu.dimension_semantics<subcore_parallel>], iteration_bounds = array<i64: 2, 16>, scalar_prefetch = 0 : i64, scratch_operands = 8 : i64, tpu.core_type = #tpu.core_type<sc_vector_subcore>, window_params = [{transform_indices = #map}, {transform_indices = #map1}, {transform_indices = #map}]} {
    %mul3A = arith.constant 625 : i32
    %mul3A_0 = arith.muli %arg1, %mul3A : i32
    %mul3A_1 = arith.constant 625 : i32
    %mul3A_2 = arith.muli %arg1, %mul3A_1 : i32
    "tpu.region"() ({
      %run_scoped3A_74 = tpu.sem_alloc : memref<!tpu.dma_semaphore, #tpu.memory_space<semaphore_mem>>
      %dma_start3A_75 = arith.constant 0 : i32
      %dma_start3A_76 = tpu.memref_slice %arg9[%mul3A_2, %dma_start3A_75] : memref<10240x64xf32, #tpu.memory_space<vmem_shared>> -> memref<625x64xf32, #tpu.memory_space<vmem_shared>>
      %dma_start3A_77 = arith.constant 0 : i32
      %dma_start3A_78 = tpu.memref_slice %arg2[%arg0, %mul3A_0, %dma_start3A_77] : memref<2x10000x64xf32, #tpu.memory_space<hbm>> -> memref<1x625x64xf32, #tpu.memory_space<hbm>>
      %dma_start3A_79 = tpu.memref_squeeze %dma_start3A_78 : memref<1x625x64xf32, #tpu.memory_space<hbm>> -> memref<625x64xf32, #tpu.memory_space<hbm>>
      tpu.enqueue_dma source(%dma_start3A_79 : memref<625x64xf32, #tpu.memory_space<hbm>>) target(%dma_start3A_76 : memref<625x64xf32, #tpu.memory_space<vmem_shared>>) target_semaphore(%run_scoped3A_74 : memref<!tpu.dma_semaphore, #tpu.memory_space<semaphore_mem>>)
      %dma_wait3A = arith.constant 0 : i32
      %dma_wait3A_80 = tpu.memref_slice %arg9[%mul3A_2, %dma_wait3A] : memref<10240x64xf32, #tpu.memory_space<vmem_shared>> -> memref<625x64xf32, #tpu.memory_space<vmem_shared>>
      %dma_wait3A_81 = arith.constant 0 : i32
      %dma_wait3A_82 = tpu.memref_slice %arg2[%arg0, %mul3A_0, %dma_wait3A_81] : memref<2x10000x64xf32, #tpu.memory_space<hbm>> -> memref<1x625x64xf32, #tpu.memory_space<hbm>>
      %dma_wait3A_83 = tpu.memref_squeeze %dma_wait3A_82 : memref<1x625x64xf32, #tpu.memory_space<hbm>> -> memref<625x64xf32, #tpu.memory_space<hbm>>
      tpu.wait_dma2 semaphore(%run_scoped3A_74 : memref<!tpu.dma_semaphore, #tpu.memory_space<semaphore_mem>>) src(%dma_wait3A_83 : memref<625x64xf32, #tpu.memory_space<hbm>>) dst(%dma_wait3A_80 : memref<625x64xf32, #tpu.memory_space<vmem_shared>>)
      tpu.yield
    }) : () -> ()
    %scan3A = arith.constant 0 : i32
    %scan3A_3 = arith.constant 0 : i32
    %scan3A_4 = arith.constant 128 : i32
    %scan3A_5 = arith.addi %scan3A_3, %scan3A_4 : i32
    %scan3A_6 = arith.constant 1 : i32
    %scan3A_7 = scf.for %scan3A_74 = %scan3A_3 to %scan3A_5 step %scan3A_6 iter_args(%scan3A_75 = %scan3A) -> (i32)  : i32 {
      %broadcast_in_dim3A = arith.constant 0.000000e+00 : f32
      %broadcast_in_dim3A_76 = vector.broadcast %broadcast_in_dim3A : f32 to vector<16xf32>
      %swap3A = arith.index_cast %scan3A_74 : i32 to index
      %swap3A_77 = arith.constant 0 : index
      %swap3A_78 = tpu.vector_load %arg7[%swap3A, %swap3A_77] {strides = array<i32>} : memref<320x64xf32, #tpu.memory_space<vmem>>, vector<1x16xf32>,
      %swap3A_79 = vector.shape_cast %swap3A_78 : vector<1x16xf32> to vector<16xf32>
      %swap3A_80 = vector.shape_cast %broadcast_in_dim3A_76 : vector<16xf32> to vector<1x16xf32>
      tpu.vector_store %arg7[%swap3A, %swap3A_77], %swap3A_80 {strides = array<i32>} : memref<320x64xf32, #tpu.memory_space<vmem>>, vector<1x16xf32>,
      %broadcast_in_dim3A_81 = arith.constant 0.000000e+00 : f32
      %broadcast_in_dim3A_82 = vector.broadcast %broadcast_in_dim3A_81 : f32 to vector<16xf32>
      %swap3A_83 = arith.index_cast %scan3A_74 : i32 to index
      %swap3A_84 = arith.constant 16 : index
      %swap3A_85 = tpu.vector_load %arg7[%swap3A_83, %swap3A_84] {strides = array<i32>} : memref<320x64xf32, #tpu.memory_space<vmem>>, vector<1x16xf32>,
      %swap3A_86 = vector.shape_cast %swap3A_85 : vector<1x16xf32> to vector<16xf32>
      %swap3A_87 = vector.shape_cast %broadcast_in_dim3A_82 : vector<16xf32> to vector<1x16xf32>
      tpu.vector_store %arg7[%swap3A_83, %swap3A_84], %swap3A_87 {strides = array<i32>} : memref<320x64xf32, #tpu.memory_space<vmem>>, vector<1x16xf32>,
      %broadcast_in_dim3A_88 = arith.constant 0.000000e+00 : f32
      %broadcast_in_dim3A_89 = vector.broadcast %broadcast_in_dim3A_88 : f32 to vector<16xf32>
      %swap3A_90 = arith.index_cast %scan3A_74 : i32 to index
      %swap3A_91 = arith.constant 32 : index
      %swap3A_92 = tpu.vector_load %arg7[%swap3A_90, %swap3A_91] {strides = array<i32>} : memref<320x64xf32, #tpu.memory_space<vmem>>, vector<1x16xf32>,
      %swap3A_93 = vector.shape_cast %swap3A_92 : vector<1x16xf32> to vector<16xf32>
      %swap3A_94 = vector.shape_cast %broadcast_in_dim3A_89 : vector<16xf32> to vector<1x16xf32>
      tpu.vector_store %arg7[%swap3A_90, %swap3A_91], %swap3A_94 {strides = array<i32>} : memref<320x64xf32, #tpu.memory_space<vmem>>, vector<1x16xf32>,
      %broadcast_in_dim3A_95 = arith.constant 0.000000e+00 : f32
      %broadcast_in_dim3A_96 = vector.broadcast %broadcast_in_dim3A_95 : f32 to vector<16xf32>
      %swap3A_97 = arith.index_cast %scan3A_74 : i32 to index
      %swap3A_98 = arith.constant 48 : index
      %swap3A_99 = tpu.vector_load %arg7[%swap3A_97, %swap3A_98] {strides = array<i32>} : memref<320x64xf32, #tpu.memory_space<vmem>>, vector<1x16xf32>,
      %swap3A_100 = vector.shape_cast %swap3A_99 : vector<1x16xf32> to vector<16xf32>
      %swap3A_101 = vector.shape_cast %broadcast_in_dim3A_96 : vector<16xf32> to vector<1x16xf32>
      tpu.vector_store %arg7[%swap3A_97, %swap3A_98], %swap3A_101 {strides = array<i32>} : memref<320x64xf32, #tpu.memory_space<vmem>>, vector<1x16xf32>,
      %scan3A_102 = arith.constant 0 : i32
      scf.yield %scan3A_102 : i32
    }
    %scan3A_8 = arith.constant 128 : i32
    %mul3A_9 = arith.constant 640 : i32
    %mul3A_10 = arith.muli %arg1, %mul3A_9 : i32
    %add3A = arith.constant 0 : i32
    %add3A_11 = arith.addi %mul3A_10, %add3A : i32
    "tpu.region"() ({
      %run_scoped3A_74 = tpu.sem_alloc : memref<!tpu.dma_semaphore, #tpu.memory_space<semaphore_mem>>
      %dma_start3A_75 = arith.constant 0 : i32
      %dma_start3A_76 = arith.constant 0 : i32
      %dma_start3A_77 = tpu.memref_slice %arg7[%dma_start3A_75, %dma_start3A_76] : memref<320x64xf32, #tpu.memory_space<vmem>> -> memref<128x64xf32, #tpu.memory_space<vmem>>
      %dma_start3A_78 = arith.constant 0 : i32
      %dma_start3A_79 = tpu.memref_slice %arg10[%add3A_11, %dma_start3A_78] : memref<10240x64xf32, #tpu.memory_space<vmem_shared>> -> memref<128x64xf32, #tpu.memory_space<vmem_shared>>
      %dma_start3A_80 = arith.constant 0 : i32
      %dma_start3A_81 = tpu.memref_slice %arg10[%add3A_11, %dma_start3A_80] : memref<10240x64xf32, #tpu.memory_space<vmem_shared>> -> memref<128x64xf32, #tpu.memory_space<vmem_shared>>
      %dma_start3A_82 = arith.constant 0 : i32
      %dma_start3A_83 = arith.constant 0 : i32
      %dma_start3A_84 = tpu.memref_slice %arg7[%dma_start3A_82, %dma_start3A_83] : memref<320x64xf32, #tpu.memory_space<vmem>> -> memref<128x64xf32, #tpu.memory_space<vmem>>
      tpu.enqueue_dma source(%dma_start3A_84 : memref<128x64xf32, #tpu.memory_space<vmem>>) target(%dma_start3A_81 : memref<128x64xf32, #tpu.memory_space<vmem_shared>>) target_semaphore(%run_scoped3A_74 : memref<!tpu.dma_semaphore, #tpu.memory_space<semaphore_mem>>)
      %dma_wait3A = arith.constant 0 : i32
      %dma_wait3A_85 = arith.constant 0 : i32
      %dma_wait3A_86 = tpu.memref_slice %arg7[%dma_wait3A, %dma_wait3A_85] : memref<320x64xf32, #tpu.memory_space<vmem>> -> memref<128x64xf32, #tpu.memory_space<vmem>>
      %dma_wait3A_87 = arith.constant 0 : i32
      %dma_wait3A_88 = tpu.memref_slice %arg10[%add3A_11, %dma_wait3A_87] : memref<10240x64xf32, #tpu.memory_space<vmem_shared>> -> memref<128x64xf32, #tpu.memory_space<vmem_shared>>
      %dma_wait3A_89 = arith.constant 0 : i32
      %dma_wait3A_90 = tpu.memref_slice %arg10[%add3A_11, %dma_wait3A_89] : memref<10240x64xf32, #tpu.memory_space<vmem_shared>> -> memref<128x64xf32, #tpu.memory_space<vmem_shared>>
      %dma_wait3A_91 = arith.constant 0 : i32
      %dma_wait3A_92 = arith.constant 0 : i32
      %dma_wait3A_93 = tpu.memref_slice %arg7[%dma_wait3A_91, %dma_wait3A_92] : memref<320x64xf32, #tpu.memory_space<vmem>> -> memref<128x64xf32, #tpu.memory_space<vmem>>
      tpu.wait_dma2 semaphore(%run_scoped3A_74 : memref<!tpu.dma_semaphore, #tpu.memory_space<semaphore_mem>>) src(%dma_wait3A_93 : memref<128x64xf32, #tpu.memory_space<vmem>>) dst(%dma_wait3A_90 : memref<128x64xf32, #tpu.memory_space<vmem_shared>>)
      tpu.yield
    }) : () -> ()
    %mul3A_12 = arith.constant 640 : i32
    %mul3A_13 = arith.muli %arg1, %mul3A_12 : i32
    %add3A_14 = arith.constant 128 : i32
    %add3A_15 = arith.addi %mul3A_13, %add3A_14 : i32
    "tpu.region"() ({
      %run_scoped3A_74 = tpu.sem_alloc : memref<!tpu.dma_semaphore, #tpu.memory_space<semaphore_mem>>
      %dma_start3A_75 = arith.constant 0 : i32
      %dma_start3A_76 = arith.constant 0 : i32
      %dma_start3A_77 = tpu.memref_slice %arg7[%dma_start3A_75, %dma_start3A_76] : memref<320x64xf32, #tpu.memory_space<vmem>> -> memref<128x64xf32, #tpu.memory_space<vmem>>
      %dma_start3A_78 = arith.constant 0 : i32
      %dma_start3A_79 = tpu.memref_slice %arg10[%add3A_15, %dma_start3A_78] : memref<10240x64xf32, #tpu.memory_space<vmem_shared>> -> memref<128x64xf32, #tpu.memory_space<vmem_shared>>
      %dma_start3A_80 = arith.constant 0 : i32
      %dma_start3A_81 = tpu.memref_slice %arg10[%add3A_15, %dma_start3A_80] : memref<10240x64xf32, #tpu.memory_space<vmem_shared>> -> memref<128x64xf32, #tpu.memory_space<vmem_shared>>
      %dma_start3A_82 = arith.constant 0 : i32
      %dma_start3A_83 = arith.constant 0 : i32
      %dma_start3A_84 = tpu.memref_slice %arg7[%dma_start3A_82, %dma_start3A_83] : memref<320x64xf32, #tpu.memory_space<vmem>> -> memref<128x64xf32, #tpu.memory_space<vmem>>
      tpu.enqueue_dma source(%dma_start3A_84 : memref<128x64xf32, #tpu.memory_space<vmem>>) target(%dma_start3A_81 : memref<128x64xf32, #tpu.memory_space<vmem_shared>>) target_semaphore(%run_scoped3A_74 : memref<!tpu.dma_semaphore, #tpu.memory_space<semaphore_mem>>)
      %dma_wait3A = arith.constant 0 : i32
      %dma_wait3A_85 = arith.constant 0 : i32
      %dma_wait3A_86 = tpu.memref_slice %arg7[%dma_wait3A, %dma_wait3A_85] : memref<320x64xf32, #tpu.memory_space<vmem>> -> memref<128x64xf32, #tpu.memory_space<vmem>>
      %dma_wait3A_87 = arith.constant 0 : i32
      %dma_wait3A_88 = tpu.memref_slice %arg10[%add3A_15, %dma_wait3A_87] : memref<10240x64xf32, #tpu.memory_space<vmem_shared>> -> memref<128x64xf32, #tpu.memory_space<vmem_shared>>
      %dma_wait3A_89 = arith.constant 0 : i32
      %dma_wait3A_90 = tpu.memref_slice %arg10[%add3A_15, %dma_wait3A_89] : memref<10240x64xf32, #tpu.memory_space<vmem_shared>> -> memref<128x64xf32, #tpu.memory_space<vmem_shared>>
      %dma_wait3A_91 = arith.constant 0 : i32
      %dma_wait3A_92 = arith.constant 0 : i32
      %dma_wait3A_93 = tpu.memref_slice %arg7[%dma_wait3A_91, %dma_wait3A_92] : memref<320x64xf32, #tpu.memory_space<vmem>> -> memref<128x64xf32, #tpu.memory_space<vmem>>
      tpu.wait_dma2 semaphore(%run_scoped3A_74 : memref<!tpu.dma_semaphore, #tpu.memory_space<semaphore_mem>>) src(%dma_wait3A_93 : memref<128x64xf32, #tpu.memory_space<vmem>>) dst(%dma_wait3A_90 : memref<128x64xf32, #tpu.memory_space<vmem_shared>>)
      tpu.yield
    }) : () -> ()
    %mul3A_16 = arith.constant 640 : i32
    %mul3A_17 = arith.muli %arg1, %mul3A_16 : i32
    %add3A_18 = arith.constant 256 : i32
    %add3A_19 = arith.addi %mul3A_17, %add3A_18 : i32
    "tpu.region"() ({
      %run_scoped3A_74 = tpu.sem_alloc : memref<!tpu.dma_semaphore, #tpu.memory_space<semaphore_mem>>
      %dma_start3A_75 = arith.constant 0 : i32
      %dma_start3A_76 = arith.constant 0 : i32
      %dma_start3A_77 = tpu.memref_slice %arg7[%dma_start3A_75, %dma_start3A_76] : memref<320x64xf32, #tpu.memory_space<vmem>> -> memref<128x64xf32, #tpu.memory_space<vmem>>
      %dma_start3A_78 = arith.constant 0 : i32
      %dma_start3A_79 = tpu.memref_slice %arg10[%add3A_19, %dma_start3A_78] : memref<10240x64xf32, #tpu.memory_space<vmem_shared>> -> memref<128x64xf32, #tpu.memory_space<vmem_shared>>
      %dma_start3A_80 = arith.constant 0 : i32
      %dma_start3A_81 = tpu.memref_slice %arg10[%add3A_19, %dma_start3A_80] : memref<10240x64xf32, #tpu.memory_space<vmem_shared>> -> memref<128x64xf32, #tpu.memory_space<vmem_shared>>
      %dma_start3A_82 = arith.constant 0 : i32
      %dma_start3A_83 = arith.constant 0 : i32
      %dma_start3A_84 = tpu.memref_slice %arg7[%dma_start3A_82, %dma_start3A_83] : memref<320x64xf32, #tpu.memory_space<vmem>> -> memref<128x64xf32, #tpu.memory_space<vmem>>
      tpu.enqueue_dma source(%dma_start3A_84 : memref<128x64xf32, #tpu.memory_space<vmem>>) target(%dma_start3A_81 : memref<128x64xf32, #tpu.memory_space<vmem_shared>>) target_semaphore(%run_scoped3A_74 : memref<!tpu.dma_semaphore, #tpu.memory_space<semaphore_mem>>)
      %dma_wait3A = arith.constant 0 : i32
      %dma_wait3A_85 = arith.constant 0 : i32
      %dma_wait3A_86 = tpu.memref_slice %arg7[%dma_wait3A, %dma_wait3A_85] : memref<320x64xf32, #tpu.memory_space<vmem>> -> memref<128x64xf32, #tpu.memory_space<vmem>>
      %dma_wait3A_87 = arith.constant 0 : i32
      %dma_wait3A_88 = tpu.memref_slice %arg10[%add3A_19, %dma_wait3A_87] : memref<10240x64xf32, #tpu.memory_space<vmem_shared>> -> memref<128x64xf32, #tpu.memory_space<vmem_shared>>
      %dma_wait3A_89 = arith.constant 0 : i32
      %dma_wait3A_90 = tpu.memref_slice %arg10[%add3A_19, %dma_wait3A_89] : memref<10240x64xf32, #tpu.memory_space<vmem_shared>> -> memref<128x64xf32, #tpu.memory_space<vmem_shared>>
      %dma_wait3A_91 = arith.constant 0 : i32
      %dma_wait3A_92 = arith.constant 0 : i32
      %dma_wait3A_93 = tpu.memref_slice %arg7[%dma_wait3A_91, %dma_wait3A_92] : memref<320x64xf32, #tpu.memory_space<vmem>> -> memref<128x64xf32, #tpu.memory_space<vmem>>
      tpu.wait_dma2 semaphore(%run_scoped3A_74 : memref<!tpu.dma_semaphore, #tpu.memory_space<semaphore_mem>>) src(%dma_wait3A_93 : memref<128x64xf32, #tpu.memory_space<vmem>>) dst(%dma_wait3A_90 : memref<128x64xf32, #tpu.memory_space<vmem_shared>>)
      tpu.yield
    }) : () -> ()
    %mul3A_20 = arith.constant 640 : i32
    %mul3A_21 = arith.muli %arg1, %mul3A_20 : i32
    %add3A_22 = arith.constant 384 : i32
    %add3A_23 = arith.addi %mul3A_21, %add3A_22 : i32
    "tpu.region"() ({
      %run_scoped3A_74 = tpu.sem_alloc : memref<!tpu.dma_semaphore, #tpu.memory_space<semaphore_mem>>
      %dma_start3A_75 = arith.constant 0 : i32
      %dma_start3A_76 = arith.constant 0 : i32
      %dma_start3A_77 = tpu.memref_slice %arg7[%dma_start3A_75, %dma_start3A_76] : memref<320x64xf32, #tpu.memory_space<vmem>> -> memref<128x64xf32, #tpu.memory_space<vmem>>
      %dma_start3A_78 = arith.constant 0 : i32
      %dma_start3A_79 = tpu.memref_slice %arg10[%add3A_23, %dma_start3A_78] : memref<10240x64xf32, #tpu.memory_space<vmem_shared>> -> memref<128x64xf32, #tpu.memory_space<vmem_shared>>
      %dma_start3A_80 = arith.constant 0 : i32
      %dma_start3A_81 = tpu.memref_slice %arg10[%add3A_23, %dma_start3A_80] : memref<10240x64xf32, #tpu.memory_space<vmem_shared>> -> memref<128x64xf32, #tpu.memory_space<vmem_shared>>
      %dma_start3A_82 = arith.constant 0 : i32
      %dma_start3A_83 = arith.constant 0 : i32
      %dma_start3A_84 = tpu.memref_slice %arg7[%dma_start3A_82, %dma_start3A_83] : memref<320x64xf32, #tpu.memory_space<vmem>> -> memref<128x64xf32, #tpu.memory_space<vmem>>
      tpu.enqueue_dma source(%dma_start3A_84 : memref<128x64xf32, #tpu.memory_space<vmem>>) target(%dma_start3A_81 : memref<128x64xf32, #tpu.memory_space<vmem_shared>>) target_semaphore(%run_scoped3A_74 : memref<!tpu.dma_semaphore, #tpu.memory_space<semaphore_mem>>)
      %dma_wait3A = arith.constant 0 : i32
      %dma_wait3A_85 = arith.constant 0 : i32
      %dma_wait3A_86 = tpu.memref_slice %arg7[%dma_wait3A, %dma_wait3A_85] : memref<320x64xf32, #tpu.memory_space<vmem>> -> memref<128x64xf32, #tpu.memory_space<vmem>>
      %dma_wait3A_87 = arith.constant 0 : i32
      %dma_wait3A_88 = tpu.memref_slice %arg10[%add3A_23, %dma_wait3A_87] : memref<10240x64xf32, #tpu.memory_space<vmem_shared>> -> memref<128x64xf32, #tpu.memory_space<vmem_shared>>
      %dma_wait3A_89 = arith.constant 0 : i32
      %dma_wait3A_90 = tpu.memref_slice %arg10[%add3A_23, %dma_wait3A_89] : memref<10240x64xf32, #tpu.memory_space<vmem_shared>> -> memref<128x64xf32, #tpu.memory_space<vmem_shared>>
      %dma_wait3A_91 = arith.constant 0 : i32
      %dma_wait3A_92 = arith.constant 0 : i32
      %dma_wait3A_93 = tpu.memref_slice %arg7[%dma_wait3A_91, %dma_wait3A_92] : memref<320x64xf32, #tpu.memory_space<vmem>> -> memref<128x64xf32, #tpu.memory_space<vmem>>
      tpu.wait_dma2 semaphore(%run_scoped3A_74 : memref<!tpu.dma_semaphore, #tpu.memory_space<semaphore_mem>>) src(%dma_wait3A_93 : memref<128x64xf32, #tpu.memory_space<vmem>>) dst(%dma_wait3A_90 : memref<128x64xf32, #tpu.memory_space<vmem_shared>>)
      tpu.yield
    }) : () -> ()
    %mul3A_24 = arith.constant 640 : i32
    %mul3A_25 = arith.muli %arg1, %mul3A_24 : i32
    %add3A_26 = arith.constant 512 : i32
    %add3A_27 = arith.addi %mul3A_25, %add3A_26 : i32
    "tpu.region"() ({
      %run_scoped3A_74 = tpu.sem_alloc : memref<!tpu.dma_semaphore, #tpu.memory_space<semaphore_mem>>
      %dma_start3A_75 = arith.constant 0 : i32
      %dma_start3A_76 = arith.constant 0 : i32
      %dma_start3A_77 = tpu.memref_slice %arg7[%dma_start3A_75, %dma_start3A_76] : memref<320x64xf32, #tpu.memory_space<vmem>> -> memref<128x64xf32, #tpu.memory_space<vmem>>
      %dma_start3A_78 = arith.constant 0 : i32
      %dma_start3A_79 = tpu.memref_slice %arg10[%add3A_27, %dma_start3A_78] : memref<10240x64xf32, #tpu.memory_space<vmem_shared>> -> memref<128x64xf32, #tpu.memory_space<vmem_shared>>
      %dma_start3A_80 = arith.constant 0 : i32
      %dma_start3A_81 = tpu.memref_slice %arg10[%add3A_27, %dma_start3A_80] : memref<10240x64xf32, #tpu.memory_space<vmem_shared>> -> memref<128x64xf32, #tpu.memory_space<vmem_shared>>
      %dma_start3A_82 = arith.constant 0 : i32
      %dma_start3A_83 = arith.constant 0 : i32
      %dma_start3A_84 = tpu.memref_slice %arg7[%dma_start3A_82, %dma_start3A_83] : memref<320x64xf32, #tpu.memory_space<vmem>> -> memref<128x64xf32, #tpu.memory_space<vmem>>
      tpu.enqueue_dma source(%dma_start3A_84 : memref<128x64xf32, #tpu.memory_space<vmem>>) target(%dma_start3A_81 : memref<128x64xf32, #tpu.memory_space<vmem_shared>>) target_semaphore(%run_scoped3A_74 : memref<!tpu.dma_semaphore, #tpu.memory_space<semaphore_mem>>)
      %dma_wait3A = arith.constant 0 : i32
      %dma_wait3A_85 = arith.constant 0 : i32
      %dma_wait3A_86 = tpu.memref_slice %arg7[%dma_wait3A, %dma_wait3A_85] : memref<320x64xf32, #tpu.memory_space<vmem>> -> memref<128x64xf32, #tpu.memory_space<vmem>>
      %dma_wait3A_87 = arith.constant 0 : i32
      %dma_wait3A_88 = tpu.memref_slice %arg10[%add3A_27, %dma_wait3A_87] : memref<10240x64xf32, #tpu.memory_space<vmem_shared>> -> memref<128x64xf32, #tpu.memory_space<vmem_shared>>
      %dma_wait3A_89 = arith.constant 0 : i32
      %dma_wait3A_90 = tpu.memref_slice %arg10[%add3A_27, %dma_wait3A_89] : memref<10240x64xf32, #tpu.memory_space<vmem_shared>> -> memref<128x64xf32, #tpu.memory_space<vmem_shared>>
      %dma_wait3A_91 = arith.constant 0 : i32
      %dma_wait3A_92 = arith.constant 0 : i32
      %dma_wait3A_93 = tpu.memref_slice %arg7[%dma_wait3A_91, %dma_wait3A_92] : memref<320x64xf32, #tpu.memory_space<vmem>> -> memref<128x64xf32, #tpu.memory_space<vmem>>
      tpu.wait_dma2 semaphore(%run_scoped3A_74 : memref<!tpu.dma_semaphore, #tpu.memory_space<semaphore_mem>>) src(%dma_wait3A_93 : memref<128x64xf32, #tpu.memory_space<vmem>>) dst(%dma_wait3A_90 : memref<128x64xf32, #tpu.memory_space<vmem_shared>>)
      tpu.yield
    }) : () -> ()
    %barrier3A = arith.constant 0 : index
    tpu.barrier barrier_id(%barrier3A)
    %mul3A_28 = arith.constant 64 : i32
    %mul3A_29 = arith.muli %arg1, %mul3A_28 : i32
    %add3A_30 = arith.constant 0 : i32
    %add3A_31 = arith.addi %mul3A_29, %add3A_30 : i32
    %mul3A_32 = arith.constant 320 : i32
    %mul3A_33 = arith.muli %add3A_31, %mul3A_32 : i32
    %run_scoped3A = arith.constant 0 : i32
    %run_scoped3A_34 = arith.constant 0 : i32
    "tpu.region"() ({
      %run_scoped3A_74 = tpu.sem_alloc : memref<!tpu.dma_semaphore, #tpu.memory_space<semaphore_mem>>
      %dma_start3A_75 = arith.constant 0 : i32
      %dma_start3A_76 = tpu.memref_slice %arg5[%run_scoped3A_34, %dma_start3A_75] : memref<2x320xi32, #tpu.memory_space<vmem>> -> memref<1x320xi32, #tpu.memory_space<vmem>>
      %dma_start3A_77 = tpu.memref_squeeze %dma_start3A_76 : memref<1x320xi32, #tpu.memory_space<vmem>> -> memref<320xi32, #tpu.memory_space<vmem>>
      %dma_start3A_78 = tpu.memref_slice %arg3[%run_scoped3A, %mul3A_33] : memref<2x327680xi32, #tpu.memory_space<hbm>> -> memref<1x320xi32, #tpu.memory_space<hbm>>
      %dma_start3A_79 = tpu.memref_squeeze %dma_start3A_78 : memref<1x320xi32, #tpu.memory_space<hbm>> -> memref<320xi32, #tpu.memory_space<hbm>>
      %dma_start3A_80 = arith.constant 0 : i32
      %dma_start3A_81 = tpu.memref_slice %arg5[%run_scoped3A_34, %dma_start3A_80] : memref<2x320xi32, #tpu.memory_space<vmem>> -> memref<1x320xi32, #tpu.memory_space<vmem>>
      %dma_start3A_82 = tpu.memref_squeeze %dma_start3A_81 : memref<1x320xi32, #tpu.memory_space<vmem>> -> memref<320xi32, #tpu.memory_space<vmem>>
      %dma_start3A_83 = tpu.memref_slice %arg3[%run_scoped3A, %mul3A_33] : memref<2x327680xi32, #tpu.memory_space<hbm>> -> memref<1x320xi32, #tpu.memory_space<hbm>>
      %dma_start3A_84 = tpu.memref_squeeze %dma_start3A_83 : memref<1x320xi32, #tpu.memory_space<hbm>> -> memref<320xi32, #tpu.memory_space<hbm>>
      tpu.enqueue_dma source(%dma_start3A_84 : memref<320xi32, #tpu.memory_space<hbm>>) target(%dma_start3A_82 : memref<320xi32, #tpu.memory_space<vmem>>) target_semaphore(%run_scoped3A_74 : memref<!tpu.dma_semaphore, #tpu.memory_space<semaphore_mem>>)
      %dma_wait3A = arith.constant 0 : i32
      %dma_wait3A_85 = tpu.memref_slice %arg5[%run_scoped3A_34, %dma_wait3A] : memref<2x320xi32, #tpu.memory_space<vmem>> -> memref<1x320xi32, #tpu.memory_space<vmem>>
      %dma_wait3A_86 = tpu.memref_squeeze %dma_wait3A_85 : memref<1x320xi32, #tpu.memory_space<vmem>> -> memref<320xi32, #tpu.memory_space<vmem>>
      %dma_wait3A_87 = tpu.memref_slice %arg3[%run_scoped3A, %mul3A_33] : memref<2x327680xi32, #tpu.memory_space<hbm>> -> memref<1x320xi32, #tpu.memory_space<hbm>>
      %dma_wait3A_88 = tpu.memref_squeeze %dma_wait3A_87 : memref<1x320xi32, #tpu.memory_space<hbm>> -> memref<320xi32, #tpu.memory_space<hbm>>
      %dma_wait3A_89 = arith.constant 0 : i32
      %dma_wait3A_90 = tpu.memref_slice %arg5[%run_scoped3A_34, %dma_wait3A_89] : memref<2x320xi32, #tpu.memory_space<vmem>> -> memref<1x320xi32, #tpu.memory_space<vmem>>
      %dma_wait3A_91 = tpu.memref_squeeze %dma_wait3A_90 : memref<1x320xi32, #tpu.memory_space<vmem>> -> memref<320xi32, #tpu.memory_space<vmem>>
      %dma_wait3A_92 = tpu.memref_slice %arg3[%run_scoped3A, %mul3A_33] : memref<2x327680xi32, #tpu.memory_space<hbm>> -> memref<1x320xi32, #tpu.memory_space<hbm>>
      %dma_wait3A_93 = tpu.memref_squeeze %dma_wait3A_92 : memref<1x320xi32, #tpu.memory_space<hbm>> -> memref<320xi32, #tpu.memory_space<hbm>>
      tpu.wait_dma2 semaphore(%run_scoped3A_74 : memref<!tpu.dma_semaphore, #tpu.memory_space<semaphore_mem>>) src(%dma_wait3A_93 : memref<320xi32, #tpu.memory_space<hbm>>) dst(%dma_wait3A_91 : memref<320xi32, #tpu.memory_space<vmem>>)
      tpu.yield
    }) : () -> ()
    %mul3A_35 = arith.constant 320 : i32
    %mul3A_36 = arith.muli %add3A_31, %mul3A_35 : i32
    %run_scoped3A_37 = arith.constant 1 : i32
    %run_scoped3A_38 = arith.constant 1 : i32
    "tpu.region"() ({
      %run_scoped3A_74 = tpu.sem_alloc : memref<!tpu.dma_semaphore, #tpu.memory_space<semaphore_mem>>
      %dma_start3A_75 = arith.constant 0 : i32
      %dma_start3A_76 = tpu.memref_slice %arg5[%run_scoped3A_38, %dma_start3A_75] : memref<2x320xi32, #tpu.memory_space<vmem>> -> memref<1x320xi32, #tpu.memory_space<vmem>>
      %dma_start3A_77 = tpu.memref_squeeze %dma_start3A_76 : memref<1x320xi32, #tpu.memory_space<vmem>> -> memref<320xi32, #tpu.memory_space<vmem>>
      %dma_start3A_78 = tpu.memref_slice %arg3[%run_scoped3A_37, %mul3A_36] : memref<2x327680xi32, #tpu.memory_space<hbm>> -> memref<1x320xi32, #tpu.memory_space<hbm>>
      %dma_start3A_79 = tpu.memref_squeeze %dma_start3A_78 : memref<1x320xi32, #tpu.memory_space<hbm>> -> memref<320xi32, #tpu.memory_space<hbm>>
      %dma_start3A_80 = arith.constant 0 : i32
      %dma_start3A_81 = tpu.memref_slice %arg5[%run_scoped3A_38, %dma_start3A_80] : memref<2x320xi32, #tpu.memory_space<vmem>> -> memref<1x320xi32, #tpu.memory_space<vmem>>
      %dma_start3A_82 = tpu.memref_squeeze %dma_start3A_81 : memref<1x320xi32, #tpu.memory_space<vmem>> -> memref<320xi32, #tpu.memory_space<vmem>>
      %dma_start3A_83 = tpu.memref_slice %arg3[%run_scoped3A_37, %mul3A_36] : memref<2x327680xi32, #tpu.memory_space<hbm>> -> memref<1x320xi32, #tpu.memory_space<hbm>>
      %dma_start3A_84 = tpu.memref_squeeze %dma_start3A_83 : memref<1x320xi32, #tpu.memory_space<hbm>> -> memref<320xi32, #tpu.memory_space<hbm>>
      tpu.enqueue_dma source(%dma_start3A_84 : memref<320xi32, #tpu.memory_space<hbm>>) target(%dma_start3A_82 : memref<320xi32, #tpu.memory_space<vmem>>) target_semaphore(%run_scoped3A_74 : memref<!tpu.dma_semaphore, #tpu.memory_space<semaphore_mem>>)
      %dma_wait3A = arith.constant 0 : i32
      %dma_wait3A_85 = tpu.memref_slice %arg5[%run_scoped3A_38, %dma_wait3A] : memref<2x320xi32, #tpu.memory_space<vmem>> -> memref<1x320xi32, #tpu.memory_space<vmem>>
      %dma_wait3A_86 = tpu.memref_squeeze %dma_wait3A_85 : memref<1x320xi32, #tpu.memory_space<vmem>> -> memref<320xi32, #tpu.memory_space<vmem>>
      %dma_wait3A_87 = tpu.memref_slice %arg3[%run_scoped3A_37, %mul3A_36] : memref<2x327680xi32, #tpu.memory_space<hbm>> -> memref<1x320xi32, #tpu.memory_space<hbm>>
      %dma_wait3A_88 = tpu.memref_squeeze %dma_wait3A_87 : memref<1x320xi32, #tpu.memory_space<hbm>> -> memref<320xi32, #tpu.memory_space<hbm>>
      %dma_wait3A_89 = arith.constant 0 : i32
      %dma_wait3A_90 = tpu.memref_slice %arg5[%run_scoped3A_38, %dma_wait3A_89] : memref<2x320xi32, #tpu.memory_space<vmem>> -> memref<1x320xi32, #tpu.memory_space<vmem>>
      %dma_wait3A_91 = tpu.memref_squeeze %dma_wait3A_90 : memref<1x320xi32, #tpu.memory_space<vmem>> -> memref<320xi32, #tpu.memory_space<vmem>>
      %dma_wait3A_92 = tpu.memref_slice %arg3[%run_scoped3A_37, %mul3A_36] : memref<2x327680xi32, #tpu.memory_space<hbm>> -> memref<1x320xi32, #tpu.memory_space<hbm>>
      %dma_wait3A_93 = tpu.memref_squeeze %dma_wait3A_92 : memref<1x320xi32, #tpu.memory_space<hbm>> -> memref<320xi32, #tpu.memory_space<hbm>>
      tpu.wait_dma2 semaphore(%run_scoped3A_74 : memref<!tpu.dma_semaphore, #tpu.memory_space<semaphore_mem>>) src(%dma_wait3A_93 : memref<320xi32, #tpu.memory_space<hbm>>) dst(%dma_wait3A_91 : memref<320xi32, #tpu.memory_space<vmem>>)
      tpu.yield
    }) : () -> ()
    %dma_start3A = arith.constant 0 : i32
    %dma_start3A_39 = arith.constant 0 : i32
    %dma_start3A_40 = tpu.memref_slice %arg5[%dma_start3A, %dma_start3A_39] : memref<2x320xi32, #tpu.memory_space<vmem>> -> memref<1x320xi32, #tpu.memory_space<vmem>>
    %dma_start3A_41 = tpu.memref_squeeze %dma_start3A_40 : memref<1x320xi32, #tpu.memory_space<vmem>> -> memref<320xi32, #tpu.memory_space<vmem>>
    %dma_start3A_42 = arith.constant 0 : i32
    %dma_start3A_43 = arith.constant 0 : i32
    %dma_start3A_44 = tpu.memref_slice %arg9[%dma_start3A_42, %dma_start3A_43] : memref<10240x64xf32, #tpu.memory_space<vmem_shared>> -> memref<10240x64xf32, #tpu.memory_space<vmem_shared>>
    tpu.enqueue_indirect_dma source(%dma_start3A_44 : memref<10240x64xf32, #tpu.memory_space<vmem_shared>>) target(%arg7 : memref<320x64xf32, #tpu.memory_space<vmem>>) offsets(%dma_start3A_41 : memref<320xi32, #tpu.memory_space<vmem>>) semaphore(%arg11 : memref<!tpu.dma_semaphore, #tpu.memory_space<semaphore_mem>>)
    %add3A_45 = arith.constant 1 : i32
    %add3A_46 = arith.addi %mul3A_29, %add3A_45 : i32
    %mul3A_47 = arith.constant 320 : i32
    %mul3A_48 = arith.muli %add3A_46, %mul3A_47 : i32
    %run_scoped3A_49 = arith.constant 0 : i32
    %run_scoped3A_50 = arith.constant 0 : i32
    "tpu.region"() ({
      %run_scoped3A_74 = tpu.sem_alloc : memref<!tpu.dma_semaphore, #tpu.memory_space<semaphore_mem>>
      %dma_start3A_75 = arith.constant 0 : i32
      %dma_start3A_76 = tpu.memref_slice %arg6[%run_scoped3A_50, %dma_start3A_75] : memref<2x320xi32, #tpu.memory_space<vmem>> -> memref<1x320xi32, #tpu.memory_space<vmem>>
      %dma_start3A_77 = tpu.memref_squeeze %dma_start3A_76 : memref<1x320xi32, #tpu.memory_space<vmem>> -> memref<320xi32, #tpu.memory_space<vmem>>
      %dma_start3A_78 = tpu.memref_slice %arg3[%run_scoped3A_49, %mul3A_48] : memref<2x327680xi32, #tpu.memory_space<hbm>> -> memref<1x320xi32, #tpu.memory_space<hbm>>
      %dma_start3A_79 = tpu.memref_squeeze %dma_start3A_78 : memref<1x320xi32, #tpu.memory_space<hbm>> -> memref<320xi32, #tpu.memory_space<hbm>>
      %dma_start3A_80 = arith.constant 0 : i32
      %dma_start3A_81 = tpu.memref_slice %arg6[%run_scoped3A_50, %dma_start3A_80] : memref<2x320xi32, #tpu.memory_space<vmem>> -> memref<1x320xi32, #tpu.memory_space<vmem>>
      %dma_start3A_82 = tpu.memref_squeeze %dma_start3A_81 : memref<1x320xi32, #tpu.memory_space<vmem>> -> memref<320xi32, #tpu.memory_space<vmem>>
      %dma_start3A_83 = tpu.memref_slice %arg3[%run_scoped3A_49, %mul3A_48] : memref<2x327680xi32, #tpu.memory_space<hbm>> -> memref<1x320xi32, #tpu.memory_space<hbm>>
      %dma_start3A_84 = tpu.memref_squeeze %dma_start3A_83 : memref<1x320xi32, #tpu.memory_space<hbm>> -> memref<320xi32, #tpu.memory_space<hbm>>
      tpu.enqueue_dma source(%dma_start3A_84 : memref<320xi32, #tpu.memory_space<hbm>>) target(%dma_start3A_82 : memref<320xi32, #tpu.memory_space<vmem>>) target_semaphore(%run_scoped3A_74 : memref<!tpu.dma_semaphore, #tpu.memory_space<semaphore_mem>>)
      %dma_wait3A = arith.constant 0 : i32
      %dma_wait3A_85 = tpu.memref_slice %arg6[%run_scoped3A_50, %dma_wait3A] : memref<2x320xi32, #tpu.memory_space<vmem>> -> memref<1x320xi32, #tpu.memory_space<vmem>>
      %dma_wait3A_86 = tpu.memref_squeeze %dma_wait3A_85 : memref<1x320xi32, #tpu.memory_space<vmem>> -> memref<320xi32, #tpu.memory_space<vmem>>
      %dma_wait3A_87 = tpu.memref_slice %arg3[%run_scoped3A_49, %mul3A_48] : memref<2x327680xi32, #tpu.memory_space<hbm>> -> memref<1x320xi32, #tpu.memory_space<hbm>>
      %dma_wait3A_88 = tpu.memref_squeeze %dma_wait3A_87 : memref<1x320xi32, #tpu.memory_space<hbm>> -> memref<320xi32, #tpu.memory_space<hbm>>
      %dma_wait3A_89 = arith.constant 0 : i32
      %dma_wait3A_90 = tpu.memref_slice %arg6[%run_scoped3A_50, %dma_wait3A_89] : memref<2x320xi32, #tpu.memory_space<vmem>> -> memref<1x320xi32, #tpu.memory_space<vmem>>
      %dma_wait3A_91 = tpu.memref_squeeze %dma_wait3A_90 : memref<1x320xi32, #tpu.memory_space<vmem>> -> memref<320xi32, #tpu.memory_space<vmem>>
      %dma_wait3A_92 = tpu.memref_slice %arg3[%run_scoped3A_49, %mul3A_48] : memref<2x327680xi32, #tpu.memory_space<hbm>> -> memref<1x320xi32, #tpu.memory_space<hbm>>
      %dma_wait3A_93 = tpu.memref_squeeze %dma_wait3A_92 : memref<1x320xi32, #tpu.memory_space<hbm>> -> memref<320xi32, #tpu.memory_space<hbm>>
      tpu.wait_dma2 semaphore(%run_scoped3A_74 : memref<!tpu.dma_semaphore, #tpu.memory_space<semaphore_mem>>) src(%dma_wait3A_93 : memref<320xi32, #tpu.memory_space<hbm>>) dst(%dma_wait3A_91 : memref<320xi32, #tpu.memory_space<vmem>>)
      tpu.yield
    }) : () -> ()
    %mul3A_51 = arith.constant 320 : i32
    %mul3A_52 = arith.muli %add3A_46, %mul3A_51 : i32
    %run_scoped3A_53 = arith.constant 1 : i32
    %run_scoped3A_54 = arith.constant 1 : i32
    "tpu.region"() ({
      %run_scoped3A_74 = tpu.sem_alloc : memref<!tpu.dma_semaphore, #tpu.memory_space<semaphore_mem>>
      %dma_start3A_75 = arith.constant 0 : i32
      %dma_start3A_76 = tpu.memref_slice %arg6[%run_scoped3A_54, %dma_start3A_75] : memref<2x320xi32, #tpu.memory_space<vmem>> -> memref<1x320xi32, #tpu.memory_space<vmem>>
      %dma_start3A_77 = tpu.memref_squeeze %dma_start3A_76 : memref<1x320xi32, #tpu.memory_space<vmem>> -> memref<320xi32, #tpu.memory_space<vmem>>
      %dma_start3A_78 = tpu.memref_slice %arg3[%run_scoped3A_53, %mul3A_52] : memref<2x327680xi32, #tpu.memory_space<hbm>> -> memref<1x320xi32, #tpu.memory_space<hbm>>
      %dma_start3A_79 = tpu.memref_squeeze %dma_start3A_78 : memref<1x320xi32, #tpu.memory_space<hbm>> -> memref<320xi32, #tpu.memory_space<hbm>>
      %dma_start3A_80 = arith.constant 0 : i32
      %dma_start3A_81 = tpu.memref_slice %arg6[%run_scoped3A_54, %dma_start3A_80] : memref<2x320xi32, #tpu.memory_space<vmem>> -> memref<1x320xi32, #tpu.memory_space<vmem>>
      %dma_start3A_82 = tpu.memref_squeeze %dma_start3A_81 : memref<1x320xi32, #tpu.memory_space<vmem>> -> memref<320xi32, #tpu.memory_space<vmem>>
      %dma_start3A_83 = tpu.memref_slice %arg3[%run_scoped3A_53, %mul3A_52] : memref<2x327680xi32, #tpu.memory_space<hbm>> -> memref<1x320xi32, #tpu.memory_space<hbm>>
      %dma_start3A_84 = tpu.memref_squeeze %dma_start3A_83 : memref<1x320xi32, #tpu.memory_space<hbm>> -> memref<320xi32, #tpu.memory_space<hbm>>
      tpu.enqueue_dma source(%dma_start3A_84 : memref<320xi32, #tpu.memory_space<hbm>>) target(%dma_start3A_82 : memref<320xi32, #tpu.memory_space<vmem>>) target_semaphore(%run_scoped3A_74 : memref<!tpu.dma_semaphore, #tpu.memory_space<semaphore_mem>>)
      %dma_wait3A = arith.constant 0 : i32
      %dma_wait3A_85 = tpu.memref_slice %arg6[%run_scoped3A_54, %dma_wait3A] : memref<2x320xi32, #tpu.memory_space<vmem>> -> memref<1x320xi32, #tpu.memory_space<vmem>>
      %dma_wait3A_86 = tpu.memref_squeeze %dma_wait3A_85 : memref<1x320xi32, #tpu.memory_space<vmem>> -> memref<320xi32, #tpu.memory_space<vmem>>
      %dma_wait3A_87 = tpu.memref_slice %arg3[%run_scoped3A_53, %mul3A_52] : memref<2x327680xi32, #tpu.memory_space<hbm>> -> memref<1x320xi32, #tpu.memory_space<hbm>>
      %dma_wait3A_88 = tpu.memref_squeeze %dma_wait3A_87 : memref<1x320xi32, #tpu.memory_space<hbm>> -> memref<320xi32, #tpu.memory_space<hbm>>
      %dma_wait3A_89 = arith.constant 0 : i32
      %dma_wait3A_90 = tpu.memref_slice %arg6[%run_scoped3A_54, %dma_wait3A_89] : memref<2x320xi32, #tpu.memory_space<vmem>> -> memref<1x320xi32, #tpu.memory_space<vmem>>
      %dma_wait3A_91 = tpu.memref_squeeze %dma_wait3A_90 : memref<1x320xi32, #tpu.memory_space<vmem>> -> memref<320xi32, #tpu.memory_space<vmem>>
      %dma_wait3A_92 = tpu.memref_slice %arg3[%run_scoped3A_53, %mul3A_52] : memref<2x327680xi32, #tpu.memory_space<hbm>> -> memref<1x320xi32, #tpu.memory_space<hbm>>
      %dma_wait3A_93 = tpu.memref_squeeze %dma_wait3A_92 : memref<1x320xi32, #tpu.memory_space<hbm>> -> memref<320xi32, #tpu.memory_space<hbm>>
      tpu.wait_dma2 semaphore(%run_scoped3A_74 : memref<!tpu.dma_semaphore, #tpu.memory_space<semaphore_mem>>) src(%dma_wait3A_93 : memref<320xi32, #tpu.memory_space<hbm>>) dst(%dma_wait3A_91 : memref<320xi32, #tpu.memory_space<vmem>>)
      tpu.yield
    }) : () -> ()
    %dma_start3A_55 = arith.constant 0 : i32
    %dma_start3A_56 = arith.constant 0 : i32
    %dma_start3A_57 = tpu.memref_slice %arg6[%dma_start3A_55, %dma_start3A_56] : memref<2x320xi32, #tpu.memory_space<vmem>> -> memref<1x320xi32, #tpu.memory_space<vmem>>
    %dma_start3A_58 = tpu.memref_squeeze %dma_start3A_57 : memref<1x320xi32, #tpu.memory_space<vmem>> -> memref<320xi32, #tpu.memory_space<vmem>>
    %dma_start3A_59 = arith.constant 0 : i32
    %dma_start3A_60 = arith.constant 0 : i32
    %dma_start3A_61 = tpu.memref_slice %arg9[%dma_start3A_59, %dma_start3A_60] : memref<10240x64xf32, #tpu.memory_space<vmem_shared>> -> memref<10240x64xf32, #tpu.memory_space<vmem_shared>>
    tpu.enqueue_indirect_dma source(%dma_start3A_61 : memref<10240x64xf32, #tpu.memory_space<vmem_shared>>) target(%arg8 : memref<320x64xf32, #tpu.memory_space<vmem>>) offsets(%dma_start3A_58 : memref<320xi32, #tpu.memory_space<vmem>>) semaphore(%arg12 : memref<!tpu.dma_semaphore, #tpu.memory_space<semaphore_mem>>)
    %scan3A_62 = arith.constant 0 : i32
    %scan3A_63 = arith.constant 0 : i32
    %scan3A_64 = arith.constant 32 : i32
    %scan3A_65 = arith.addi %scan3A_63, %scan3A_64 : i32
    %scan3A_66 = arith.constant 1 : i32
    %scan3A_67 = scf.for %scan3A_74 = %scan3A_63 to %scan3A_65 step %scan3A_66 iter_args(%scan3A_75 = %scan3A_62) -> (i32)  : i32 {
      %mul3A_76 = arith.constant 2 : i32
      %mul3A_77 = arith.muli %mul3A_76, %scan3A_74 : i32
      %add3A_78 = arith.constant 0 : i32
      %add3A_79 = arith.addi %mul3A_77, %add3A_78 : i32
      %dma_wait3A = arith.constant 0 : i32
      %dma_wait3A_80 = arith.constant 0 : i32
      %dma_wait3A_81 = tpu.memref_slice %arg5[%dma_wait3A, %dma_wait3A_80] : memref<2x320xi32, #tpu.memory_space<vmem>> -> memref<1x320xi32, #tpu.memory_space<vmem>>
      %dma_wait3A_82 = tpu.memref_squeeze %dma_wait3A_81 : memref<1x320xi32, #tpu.memory_space<vmem>> -> memref<320xi32, #tpu.memory_space<vmem>>
      %dma_wait3A_83 = arith.constant 0 : i32
      %dma_wait3A_84 = arith.constant 0 : i32
      %dma_wait3A_85 = tpu.memref_slice %arg9[%dma_wait3A_83, %dma_wait3A_84] : memref<10240x64xf32, #tpu.memory_space<vmem_shared>> -> memref<10240x64xf32, #tpu.memory_space<vmem_shared>>
      tpu.wait_indirect_dma semaphore(%arg11 : memref<!tpu.dma_semaphore, #tpu.memory_space<semaphore_mem>>) src(%dma_wait3A_85 : memref<10240x64xf32, #tpu.memory_space<vmem_shared>>) dst(%arg7 : memref<320x64xf32, #tpu.memory_space<vmem>>)
      %run_scoped3A_86 = arith.constant 1 : i32
      "tpu.region"() ({
        %run_scoped3A_111 = tpu.sem_alloc : memref<!tpu.dma_semaphore, #tpu.memory_space<semaphore_mem>>
        %dma_start3A_112 = arith.constant 0 : i32
        %dma_start3A_113 = tpu.memref_slice %arg5[%run_scoped3A_86, %dma_start3A_112] : memref<2x320xi32, #tpu.memory_space<vmem>> -> memref<1x320xi32, #tpu.memory_space<vmem>>
        %dma_start3A_114 = tpu.memref_squeeze %dma_start3A_113 : memref<1x320xi32, #tpu.memory_space<vmem>> -> memref<320xi32, #tpu.memory_space<vmem>>
        %dma_start3A_115 = arith.constant 0 : i32
        %dma_start3A_116 = arith.constant 0 : i32
        %dma_start3A_117 = tpu.memref_slice %arg10[%dma_start3A_115, %dma_start3A_116] : memref<10240x64xf32, #tpu.memory_space<vmem_shared>> -> memref<10240x64xf32, #tpu.memory_space<vmem_shared>>
        tpu.enqueue_indirect_dma source(%arg7 : memref<320x64xf32, #tpu.memory_space<vmem>>) target(%dma_start3A_117 : memref<10240x64xf32, #tpu.memory_space<vmem_shared>>) offsets(%dma_start3A_114 : memref<320xi32, #tpu.memory_space<vmem>>) semaphore(%run_scoped3A_111 : memref<!tpu.dma_semaphore, #tpu.memory_space<semaphore_mem>>) {add = true}
        %dma_wait3A_118 = arith.constant 0 : i32
        %dma_wait3A_119 = tpu.memref_slice %arg5[%run_scoped3A_86, %dma_wait3A_118] : memref<2x320xi32, #tpu.memory_space<vmem>> -> memref<1x320xi32, #tpu.memory_space<vmem>>
        %dma_wait3A_120 = tpu.memref_squeeze %dma_wait3A_119 : memref<1x320xi32, #tpu.memory_space<vmem>> -> memref<320xi32, #tpu.memory_space<vmem>>
        %dma_wait3A_121 = arith.constant 0 : i32
        %dma_wait3A_122 = arith.constant 0 : i32
        %dma_wait3A_123 = tpu.memref_slice %arg10[%dma_wait3A_121, %dma_wait3A_122] : memref<10240x64xf32, #tpu.memory_space<vmem_shared>> -> memref<10240x64xf32, #tpu.memory_space<vmem_shared>>
        tpu.wait_indirect_dma semaphore(%run_scoped3A_111 : memref<!tpu.dma_semaphore, #tpu.memory_space<semaphore_mem>>) src(%arg7 : memref<320x64xf32, #tpu.memory_space<vmem>>) dst(%dma_wait3A_123 : memref<10240x64xf32, #tpu.memory_space<vmem_shared>>)
        tpu.yield
      }) : () -> ()
      %add3A_87 = arith.constant 2 : i32
      %add3A_88 = arith.addi %add3A_79, %add3A_87 : i32
      %lt3A = arith.constant 64 : i32
      %lt3A_89 = arith.cmpi slt, %add3A_88, %lt3A : i32
      %convert_element_type3A = arith.extui %lt3A_89 : i1 to i32
      %cond3A = arith.constant 0 : i32
      %cond3A_90 = arith.cmpi ne, %convert_element_type3A, %cond3A : i32
      scf.if %cond3A_90 {
        %add3A_111 = arith.addi %mul3A_29, %add3A_79 : i32
        %add3A_112 = arith.constant 2 : i32
        %add3A_113 = arith.addi %add3A_111, %add3A_112 : i32
        %mul3A_114 = arith.constant 320 : i32
        %mul3A_115 = arith.muli %add3A_113, %mul3A_114 : i32
        %run_scoped3A_116 = arith.constant 0 : i32
        %run_scoped3A_117 = arith.constant 0 : i32
        "tpu.region"() ({
          %run_scoped3A_129 = tpu.sem_alloc : memref<!tpu.dma_semaphore, #tpu.memory_space<semaphore_mem>>
          %dma_start3A_130 = arith.constant 0 : i32
          %dma_start3A_131 = tpu.memref_slice %arg5[%run_scoped3A_117, %dma_start3A_130] : memref<2x320xi32, #tpu.memory_space<vmem>> -> memref<1x320xi32, #tpu.memory_space<vmem>>
          %dma_start3A_132 = tpu.memref_squeeze %dma_start3A_131 : memref<1x320xi32, #tpu.memory_space<vmem>> -> memref<320xi32, #tpu.memory_space<vmem>>
          %dma_start3A_133 = tpu.memref_slice %arg3[%run_scoped3A_116, %mul3A_115] : memref<2x327680xi32, #tpu.memory_space<hbm>> -> memref<1x320xi32, #tpu.memory_space<hbm>>
          %dma_start3A_134 = tpu.memref_squeeze %dma_start3A_133 : memref<1x320xi32, #tpu.memory_space<hbm>> -> memref<320xi32, #tpu.memory_space<hbm>>
          %dma_start3A_135 = arith.constant 0 : i32
          %dma_start3A_136 = tpu.memref_slice %arg5[%run_scoped3A_117, %dma_start3A_135] : memref<2x320xi32, #tpu.memory_space<vmem>> -> memref<1x320xi32, #tpu.memory_space<vmem>>
          %dma_start3A_137 = tpu.memref_squeeze %dma_start3A_136 : memref<1x320xi32, #tpu.memory_space<vmem>> -> memref<320xi32, #tpu.memory_space<vmem>>
          %dma_start3A_138 = tpu.memref_slice %arg3[%run_scoped3A_116, %mul3A_115] : memref<2x327680xi32, #tpu.memory_space<hbm>> -> memref<1x320xi32, #tpu.memory_space<hbm>>
          %dma_start3A_139 = tpu.memref_squeeze %dma_start3A_138 : memref<1x320xi32, #tpu.memory_space<hbm>> -> memref<320xi32, #tpu.memory_space<hbm>>
          tpu.enqueue_dma source(%dma_start3A_139 : memref<320xi32, #tpu.memory_space<hbm>>) target(%dma_start3A_137 : memref<320xi32, #tpu.memory_space<vmem>>) target_semaphore(%run_scoped3A_129 : memref<!tpu.dma_semaphore, #tpu.memory_space<semaphore_mem>>)
          %dma_wait3A_140 = arith.constant 0 : i32
          %dma_wait3A_141 = tpu.memref_slice %arg5[%run_scoped3A_117, %dma_wait3A_140] : memref<2x320xi32, #tpu.memory_space<vmem>> -> memref<1x320xi32, #tpu.memory_space<vmem>>
          %dma_wait3A_142 = tpu.memref_squeeze %dma_wait3A_141 : memref<1x320xi32, #tpu.memory_space<vmem>> -> memref<320xi32, #tpu.memory_space<vmem>>
          %dma_wait3A_143 = tpu.memref_slice %arg3[%run_scoped3A_116, %mul3A_115] : memref<2x327680xi32, #tpu.memory_space<hbm>> -> memref<1x320xi32, #tpu.memory_space<hbm>>
          %dma_wait3A_144 = tpu.memref_squeeze %dma_wait3A_143 : memref<1x320xi32, #tpu.memory_space<hbm>> -> memref<320xi32, #tpu.memory_space<hbm>>
          %dma_wait3A_145 = arith.constant 0 : i32
          %dma_wait3A_146 = tpu.memref_slice %arg5[%run_scoped3A_117, %dma_wait3A_145] : memref<2x320xi32, #tpu.memory_space<vmem>> -> memref<1x320xi32, #tpu.memory_space<vmem>>
          %dma_wait3A_147 = tpu.memref_squeeze %dma_wait3A_146 : memref<1x320xi32, #tpu.memory_space<vmem>> -> memref<320xi32, #tpu.memory_space<vmem>>
          %dma_wait3A_148 = tpu.memref_slice %arg3[%run_scoped3A_116, %mul3A_115] : memref<2x327680xi32, #tpu.memory_space<hbm>> -> memref<1x320xi32, #tpu.memory_space<hbm>>
          %dma_wait3A_149 = tpu.memref_squeeze %dma_wait3A_148 : memref<1x320xi32, #tpu.memory_space<hbm>> -> memref<320xi32, #tpu.memory_space<hbm>>
          tpu.wait_dma2 semaphore(%run_scoped3A_129 : memref<!tpu.dma_semaphore, #tpu.memory_space<semaphore_mem>>) src(%dma_wait3A_149 : memref<320xi32, #tpu.memory_space<hbm>>) dst(%dma_wait3A_147 : memref<320xi32, #tpu.memory_space<vmem>>)
          tpu.yield
        }) : () -> ()
        %mul3A_118 = arith.constant 320 : i32
        %mul3A_119 = arith.muli %add3A_113, %mul3A_118 : i32
        %run_scoped3A_120 = arith.constant 1 : i32
        %run_scoped3A_121 = arith.constant 1 : i32
        "tpu.region"() ({
          %run_scoped3A_129 = tpu.sem_alloc : memref<!tpu.dma_semaphore, #tpu.memory_space<semaphore_mem>>
          %dma_start3A_130 = arith.constant 0 : i32
          %dma_start3A_131 = tpu.memref_slice %arg5[%run_scoped3A_121, %dma_start3A_130] : memref<2x320xi32, #tpu.memory_space<vmem>> -> memref<1x320xi32, #tpu.memory_space<vmem>>
          %dma_start3A_132 = tpu.memref_squeeze %dma_start3A_131 : memref<1x320xi32, #tpu.memory_space<vmem>> -> memref<320xi32, #tpu.memory_space<vmem>>
          %dma_start3A_133 = tpu.memref_slice %arg3[%run_scoped3A_120, %mul3A_119] : memref<2x327680xi32, #tpu.memory_space<hbm>> -> memref<1x320xi32, #tpu.memory_space<hbm>>
          %dma_start3A_134 = tpu.memref_squeeze %dma_start3A_133 : memref<1x320xi32, #tpu.memory_space<hbm>> -> memref<320xi32, #tpu.memory_space<hbm>>
          %dma_start3A_135 = arith.constant 0 : i32
          %dma_start3A_136 = tpu.memref_slice %arg5[%run_scoped3A_121, %dma_start3A_135] : memref<2x320xi32, #tpu.memory_space<vmem>> -> memref<1x320xi32, #tpu.memory_space<vmem>>
          %dma_start3A_137 = tpu.memref_squeeze %dma_start3A_136 : memref<1x320xi32, #tpu.memory_space<vmem>> -> memref<320xi32, #tpu.memory_space<vmem>>
          %dma_start3A_138 = tpu.memref_slice %arg3[%run_scoped3A_120, %mul3A_119] : memref<2x327680xi32, #tpu.memory_space<hbm>> -> memref<1x320xi32, #tpu.memory_space<hbm>>
          %dma_start3A_139 = tpu.memref_squeeze %dma_start3A_138 : memref<1x320xi32, #tpu.memory_space<hbm>> -> memref<320xi32, #tpu.memory_space<hbm>>
          tpu.enqueue_dma source(%dma_start3A_139 : memref<320xi32, #tpu.memory_space<hbm>>) target(%dma_start3A_137 : memref<320xi32, #tpu.memory_space<vmem>>) target_semaphore(%run_scoped3A_129 : memref<!tpu.dma_semaphore, #tpu.memory_space<semaphore_mem>>)
          %dma_wait3A_140 = arith.constant 0 : i32
          %dma_wait3A_141 = tpu.memref_slice %arg5[%run_scoped3A_121, %dma_wait3A_140] : memref<2x320xi32, #tpu.memory_space<vmem>> -> memref<1x320xi32, #tpu.memory_space<vmem>>
          %dma_wait3A_142 = tpu.memref_squeeze %dma_wait3A_141 : memref<1x320xi32, #tpu.memory_space<vmem>> -> memref<320xi32, #tpu.memory_space<vmem>>
          %dma_wait3A_143 = tpu.memref_slice %arg3[%run_scoped3A_120, %mul3A_119] : memref<2x327680xi32, #tpu.memory_space<hbm>> -> memref<1x320xi32, #tpu.memory_space<hbm>>
          %dma_wait3A_144 = tpu.memref_squeeze %dma_wait3A_143 : memref<1x320xi32, #tpu.memory_space<hbm>> -> memref<320xi32, #tpu.memory_space<hbm>>
          %dma_wait3A_145 = arith.constant 0 : i32
          %dma_wait3A_146 = tpu.memref_slice %arg5[%run_scoped3A_121, %dma_wait3A_145] : memref<2x320xi32, #tpu.memory_space<vmem>> -> memref<1x320xi32, #tpu.memory_space<vmem>>
          %dma_wait3A_147 = tpu.memref_squeeze %dma_wait3A_146 : memref<1x320xi32, #tpu.memory_space<vmem>> -> memref<320xi32, #tpu.memory_space<vmem>>
          %dma_wait3A_148 = tpu.memref_slice %arg3[%run_scoped3A_120, %mul3A_119] : memref<2x327680xi32, #tpu.memory_space<hbm>> -> memref<1x320xi32, #tpu.memory_space<hbm>>
          %dma_wait3A_149 = tpu.memref_squeeze %dma_wait3A_148 : memref<1x320xi32, #tpu.memory_space<hbm>> -> memref<320xi32, #tpu.memory_space<hbm>>
          tpu.wait_dma2 semaphore(%run_scoped3A_129 : memref<!tpu.dma_semaphore, #tpu.memory_space<semaphore_mem>>) src(%dma_wait3A_149 : memref<320xi32, #tpu.memory_space<hbm>>) dst(%dma_wait3A_147 : memref<320xi32, #tpu.memory_space<vmem>>)
          tpu.yield
        }) : () -> ()
        %dma_start3A_122 = arith.constant 0 : i32
        %dma_start3A_123 = arith.constant 0 : i32
        %dma_start3A_124 = tpu.memref_slice %arg5[%dma_start3A_122, %dma_start3A_123] : memref<2x320xi32, #tpu.memory_space<vmem>> -> memref<1x320xi32, #tpu.memory_space<vmem>>
        %dma_start3A_125 = tpu.memref_squeeze %dma_start3A_124 : memref<1x320xi32, #tpu.memory_space<vmem>> -> memref<320xi32, #tpu.memory_space<vmem>>
        %dma_start3A_126 = arith.constant 0 : i32
        %dma_start3A_127 = arith.constant 0 : i32
        %dma_start3A_128 = tpu.memref_slice %arg9[%dma_start3A_126, %dma_start3A_127] : memref<10240x64xf32, #tpu.memory_space<vmem_shared>> -> memref<10240x64xf32, #tpu.memory_space<vmem_shared>>
        tpu.enqueue_indirect_dma source(%dma_start3A_128 : memref<10240x64xf32, #tpu.memory_space<vmem_shared>>) target(%arg7 : memref<320x64xf32, #tpu.memory_space<vmem>>) offsets(%dma_start3A_125 : memref<320xi32, #tpu.memory_space<vmem>>) semaphore(%arg11 : memref<!tpu.dma_semaphore, #tpu.memory_space<semaphore_mem>>)
      } else {
      }
      %mul3A_91 = arith.constant 2 : i32
      %mul3A_92 = arith.muli %mul3A_91, %scan3A_74 : i32
      %add3A_93 = arith.constant 1 : i32
      %add3A_94 = arith.addi %mul3A_92, %add3A_93 : i32
      %dma_wait3A_95 = arith.constant 0 : i32
      %dma_wait3A_96 = arith.constant 0 : i32
      %dma_wait3A_97 = tpu.memref_slice %arg6[%dma_wait3A_95, %dma_wait3A_96] : memref<2x320xi32, #tpu.memory_space<vmem>> -> memref<1x320xi32, #tpu.memory_space<vmem>>
      %dma_wait3A_98 = tpu.memref_squeeze %dma_wait3A_97 : memref<1x320xi32, #tpu.memory_space<vmem>> -> memref<320xi32, #tpu.memory_space<vmem>>
      %dma_wait3A_99 = arith.constant 0 : i32
      %dma_wait3A_100 = arith.constant 0 : i32
      %dma_wait3A_101 = tpu.memref_slice %arg9[%dma_wait3A_99, %dma_wait3A_100] : memref<10240x64xf32, #tpu.memory_space<vmem_shared>> -> memref<10240x64xf32, #tpu.memory_space<vmem_shared>>
      tpu.wait_indirect_dma semaphore(%arg12 : memref<!tpu.dma_semaphore, #tpu.memory_space<semaphore_mem>>) src(%dma_wait3A_101 : memref<10240x64xf32, #tpu.memory_space<vmem_shared>>) dst(%arg8 : memref<320x64xf32, #tpu.memory_space<vmem>>)
      %run_scoped3A_102 = arith.constant 1 : i32
      "tpu.region"() ({
        %run_scoped3A_111 = tpu.sem_alloc : memref<!tpu.dma_semaphore, #tpu.memory_space<semaphore_mem>>
        %dma_start3A_112 = arith.constant 0 : i32
        %dma_start3A_113 = tpu.memref_slice %arg6[%run_scoped3A_102, %dma_start3A_112] : memref<2x320xi32, #tpu.memory_space<vmem>> -> memref<1x320xi32, #tpu.memory_space<vmem>>
        %dma_start3A_114 = tpu.memref_squeeze %dma_start3A_113 : memref<1x320xi32, #tpu.memory_space<vmem>> -> memref<320xi32, #tpu.memory_space<vmem>>
        %dma_start3A_115 = arith.constant 0 : i32
        %dma_start3A_116 = arith.constant 0 : i32
        %dma_start3A_117 = tpu.memref_slice %arg10[%dma_start3A_115, %dma_start3A_116] : memref<10240x64xf32, #tpu.memory_space<vmem_shared>> -> memref<10240x64xf32, #tpu.memory_space<vmem_shared>>
        tpu.enqueue_indirect_dma source(%arg8 : memref<320x64xf32, #tpu.memory_space<vmem>>) target(%dma_start3A_117 : memref<10240x64xf32, #tpu.memory_space<vmem_shared>>) offsets(%dma_start3A_114 : memref<320xi32, #tpu.memory_space<vmem>>) semaphore(%run_scoped3A_111 : memref<!tpu.dma_semaphore, #tpu.memory_space<semaphore_mem>>) {add = true}
        %dma_wait3A_118 = arith.constant 0 : i32
        %dma_wait3A_119 = tpu.memref_slice %arg6[%run_scoped3A_102, %dma_wait3A_118] : memref<2x320xi32, #tpu.memory_space<vmem>> -> memref<1x320xi32, #tpu.memory_space<vmem>>
        %dma_wait3A_120 = tpu.memref_squeeze %dma_wait3A_119 : memref<1x320xi32, #tpu.memory_space<vmem>> -> memref<320xi32, #tpu.memory_space<vmem>>
        %dma_wait3A_121 = arith.constant 0 : i32
        %dma_wait3A_122 = arith.constant 0 : i32
        %dma_wait3A_123 = tpu.memref_slice %arg10[%dma_wait3A_121, %dma_wait3A_122] : memref<10240x64xf32, #tpu.memory_space<vmem_shared>> -> memref<10240x64xf32, #tpu.memory_space<vmem_shared>>
        tpu.wait_indirect_dma semaphore(%run_scoped3A_111 : memref<!tpu.dma_semaphore, #tpu.memory_space<semaphore_mem>>) src(%arg8 : memref<320x64xf32, #tpu.memory_space<vmem>>) dst(%dma_wait3A_123 : memref<10240x64xf32, #tpu.memory_space<vmem_shared>>)
        tpu.yield
      }) : () -> ()
      %add3A_103 = arith.constant 2 : i32
      %add3A_104 = arith.addi %add3A_94, %add3A_103 : i32
      %lt3A_105 = arith.constant 64 : i32
      %lt3A_106 = arith.cmpi slt, %add3A_104, %lt3A_105 : i32
      %convert_element_type3A_107 = arith.extui %lt3A_106 : i1 to i32
      %cond3A_108 = arith.constant 0 : i32
      %cond3A_109 = arith.cmpi ne, %convert_element_type3A_107, %cond3A_108 : i32
      scf.if %cond3A_109 {
        %add3A_111 = arith.addi %mul3A_29, %add3A_94 : i32
        %add3A_112 = arith.constant 2 : i32
        %add3A_113 = arith.addi %add3A_111, %add3A_112 : i32
        %mul3A_114 = arith.constant 320 : i32
        %mul3A_115 = arith.muli %add3A_113, %mul3A_114 : i32
        %run_scoped3A_116 = arith.constant 0 : i32
        %run_scoped3A_117 = arith.constant 0 : i32
        "tpu.region"() ({
          %run_scoped3A_129 = tpu.sem_alloc : memref<!tpu.dma_semaphore, #tpu.memory_space<semaphore_mem>>
          %dma_start3A_130 = arith.constant 0 : i32
          %dma_start3A_131 = tpu.memref_slice %arg6[%run_scoped3A_117, %dma_start3A_130] : memref<2x320xi32, #tpu.memory_space<vmem>> -> memref<1x320xi32, #tpu.memory_space<vmem>>
          %dma_start3A_132 = tpu.memref_squeeze %dma_start3A_131 : memref<1x320xi32, #tpu.memory_space<vmem>> -> memref<320xi32, #tpu.memory_space<vmem>>
          %dma_start3A_133 = tpu.memref_slice %arg3[%run_scoped3A_116, %mul3A_115] : memref<2x327680xi32, #tpu.memory_space<hbm>> -> memref<1x320xi32, #tpu.memory_space<hbm>>
          %dma_start3A_134 = tpu.memref_squeeze %dma_start3A_133 : memref<1x320xi32, #tpu.memory_space<hbm>> -> memref<320xi32, #tpu.memory_space<hbm>>
          %dma_start3A_135 = arith.constant 0 : i32
          %dma_start3A_136 = tpu.memref_slice %arg6[%run_scoped3A_117, %dma_start3A_135] : memref<2x320xi32, #tpu.memory_space<vmem>> -> memref<1x320xi32, #tpu.memory_space<vmem>>
          %dma_start3A_137 = tpu.memref_squeeze %dma_start3A_136 : memref<1x320xi32, #tpu.memory_space<vmem>> -> memref<320xi32, #tpu.memory_space<vmem>>
          %dma_start3A_138 = tpu.memref_slice %arg3[%run_scoped3A_116, %mul3A_115] : memref<2x327680xi32, #tpu.memory_space<hbm>> -> memref<1x320xi32, #tpu.memory_space<hbm>>
          %dma_start3A_139 = tpu.memref_squeeze %dma_start3A_138 : memref<1x320xi32, #tpu.memory_space<hbm>> -> memref<320xi32, #tpu.memory_space<hbm>>
          tpu.enqueue_dma source(%dma_start3A_139 : memref<320xi32, #tpu.memory_space<hbm>>) target(%dma_start3A_137 : memref<320xi32, #tpu.memory_space<vmem>>) target_semaphore(%run_scoped3A_129 : memref<!tpu.dma_semaphore, #tpu.memory_space<semaphore_mem>>)
          %dma_wait3A_140 = arith.constant 0 : i32
          %dma_wait3A_141 = tpu.memref_slice %arg6[%run_scoped3A_117, %dma_wait3A_140] : memref<2x320xi32, #tpu.memory_space<vmem>> -> memref<1x320xi32, #tpu.memory_space<vmem>>
          %dma_wait3A_142 = tpu.memref_squeeze %dma_wait3A_141 : memref<1x320xi32, #tpu.memory_space<vmem>> -> memref<320xi32, #tpu.memory_space<vmem>>
          %dma_wait3A_143 = tpu.memref_slice %arg3[%run_scoped3A_116, %mul3A_115] : memref<2x327680xi32, #tpu.memory_space<hbm>> -> memref<1x320xi32, #tpu.memory_space<hbm>>
          %dma_wait3A_144 = tpu.memref_squeeze %dma_wait3A_143 : memref<1x320xi32, #tpu.memory_space<hbm>> -> memref<320xi32, #tpu.memory_space<hbm>>
          %dma_wait3A_145 = arith.constant 0 : i32
          %dma_wait3A_146 = tpu.memref_slice %arg6[%run_scoped3A_117, %dma_wait3A_145] : memref<2x320xi32, #tpu.memory_space<vmem>> -> memref<1x320xi32, #tpu.memory_space<vmem>>
          %dma_wait3A_147 = tpu.memref_squeeze %dma_wait3A_146 : memref<1x320xi32, #tpu.memory_space<vmem>> -> memref<320xi32, #tpu.memory_space<vmem>>
          %dma_wait3A_148 = tpu.memref_slice %arg3[%run_scoped3A_116, %mul3A_115] : memref<2x327680xi32, #tpu.memory_space<hbm>> -> memref<1x320xi32, #tpu.memory_space<hbm>>
          %dma_wait3A_149 = tpu.memref_squeeze %dma_wait3A_148 : memref<1x320xi32, #tpu.memory_space<hbm>> -> memref<320xi32, #tpu.memory_space<hbm>>
          tpu.wait_dma2 semaphore(%run_scoped3A_129 : memref<!tpu.dma_semaphore, #tpu.memory_space<semaphore_mem>>) src(%dma_wait3A_149 : memref<320xi32, #tpu.memory_space<hbm>>) dst(%dma_wait3A_147 : memref<320xi32, #tpu.memory_space<vmem>>)
          tpu.yield
        }) : () -> ()
        %mul3A_118 = arith.constant 320 : i32
        %mul3A_119 = arith.muli %add3A_113, %mul3A_118 : i32
        %run_scoped3A_120 = arith.constant 1 : i32
        %run_scoped3A_121 = arith.constant 1 : i32
        "tpu.region"() ({
          %run_scoped3A_129 = tpu.sem_alloc : memref<!tpu.dma_semaphore, #tpu.memory_space<semaphore_mem>>
          %dma_start3A_130 = arith.constant 0 : i32
          %dma_start3A_131 = tpu.memref_slice %arg6[%run_scoped3A_121, %dma_start3A_130] : memref<2x320xi32, #tpu.memory_space<vmem>> -> memref<1x320xi32, #tpu.memory_space<vmem>>
          %dma_start3A_132 = tpu.memref_squeeze %dma_start3A_131 : memref<1x320xi32, #tpu.memory_space<vmem>> -> memref<320xi32, #tpu.memory_space<vmem>>
          %dma_start3A_133 = tpu.memref_slice %arg3[%run_scoped3A_120, %mul3A_119] : memref<2x327680xi32, #tpu.memory_space<hbm>> -> memref<1x320xi32, #tpu.memory_space<hbm>>
          %dma_start3A_134 = tpu.memref_squeeze %dma_start3A_133 : memref<1x320xi32, #tpu.memory_space<hbm>> -> memref<320xi32, #tpu.memory_space<hbm>>
          %dma_start3A_135 = arith.constant 0 : i32
          %dma_start3A_136 = tpu.memref_slice %arg6[%run_scoped3A_121, %dma_start3A_135] : memref<2x320xi32, #tpu.memory_space<vmem>> -> memref<1x320xi32, #tpu.memory_space<vmem>>
          %dma_start3A_137 = tpu.memref_squeeze %dma_start3A_136 : memref<1x320xi32, #tpu.memory_space<vmem>> -> memref<320xi32, #tpu.memory_space<vmem>>
          %dma_start3A_138 = tpu.memref_slice %arg3[%run_scoped3A_120, %mul3A_119] : memref<2x327680xi32, #tpu.memory_space<hbm>> -> memref<1x320xi32, #tpu.memory_space<hbm>>
          %dma_start3A_139 = tpu.memref_squeeze %dma_start3A_138 : memref<1x320xi32, #tpu.memory_space<hbm>> -> memref<320xi32, #tpu.memory_space<hbm>>
          tpu.enqueue_dma source(%dma_start3A_139 : memref<320xi32, #tpu.memory_space<hbm>>) target(%dma_start3A_137 : memref<320xi32, #tpu.memory_space<vmem>>) target_semaphore(%run_scoped3A_129 : memref<!tpu.dma_semaphore, #tpu.memory_space<semaphore_mem>>)
          %dma_wait3A_140 = arith.constant 0 : i32
          %dma_wait3A_141 = tpu.memref_slice %arg6[%run_scoped3A_121, %dma_wait3A_140] : memref<2x320xi32, #tpu.memory_space<vmem>> -> memref<1x320xi32, #tpu.memory_space<vmem>>
          %dma_wait3A_142 = tpu.memref_squeeze %dma_wait3A_141 : memref<1x320xi32, #tpu.memory_space<vmem>> -> memref<320xi32, #tpu.memory_space<vmem>>
          %dma_wait3A_143 = tpu.memref_slice %arg3[%run_scoped3A_120, %mul3A_119] : memref<2x327680xi32, #tpu.memory_space<hbm>> -> memref<1x320xi32, #tpu.memory_space<hbm>>
          %dma_wait3A_144 = tpu.memref_squeeze %dma_wait3A_143 : memref<1x320xi32, #tpu.memory_space<hbm>> -> memref<320xi32, #tpu.memory_space<hbm>>
          %dma_wait3A_145 = arith.constant 0 : i32
          %dma_wait3A_146 = tpu.memref_slice %arg6[%run_scoped3A_121, %dma_wait3A_145] : memref<2x320xi32, #tpu.memory_space<vmem>> -> memref<1x320xi32, #tpu.memory_space<vmem>>
          %dma_wait3A_147 = tpu.memref_squeeze %dma_wait3A_146 : memref<1x320xi32, #tpu.memory_space<vmem>> -> memref<320xi32, #tpu.memory_space<vmem>>
          %dma_wait3A_148 = tpu.memref_slice %arg3[%run_scoped3A_120, %mul3A_119] : memref<2x327680xi32, #tpu.memory_space<hbm>> -> memref<1x320xi32, #tpu.memory_space<hbm>>
          %dma_wait3A_149 = tpu.memref_squeeze %dma_wait3A_148 : memref<1x320xi32, #tpu.memory_space<hbm>> -> memref<320xi32, #tpu.memory_space<hbm>>
          tpu.wait_dma2 semaphore(%run_scoped3A_129 : memref<!tpu.dma_semaphore, #tpu.memory_space<semaphore_mem>>) src(%dma_wait3A_149 : memref<320xi32, #tpu.memory_space<hbm>>) dst(%dma_wait3A_147 : memref<320xi32, #tpu.memory_space<vmem>>)
          tpu.yield
        }) : () -> ()
        %dma_start3A_122 = arith.constant 0 : i32
        %dma_start3A_123 = arith.constant 0 : i32
        %dma_start3A_124 = tpu.memref_slice %arg6[%dma_start3A_122, %dma_start3A_123] : memref<2x320xi32, #tpu.memory_space<vmem>> -> memref<1x320xi32, #tpu.memory_space<vmem>>
        %dma_start3A_125 = tpu.memref_squeeze %dma_start3A_124 : memref<1x320xi32, #tpu.memory_space<vmem>> -> memref<320xi32, #tpu.memory_space<vmem>>
        %dma_start3A_126 = arith.constant 0 : i32
        %dma_start3A_127 = arith.constant 0 : i32
        %dma_start3A_128 = tpu.memref_slice %arg9[%dma_start3A_126, %dma_start3A_127] : memref<10240x64xf32, #tpu.memory_space<vmem_shared>> -> memref<10240x64xf32, #tpu.memory_space<vmem_shared>>
        tpu.enqueue_indirect_dma source(%dma_start3A_128 : memref<10240x64xf32, #tpu.memory_space<vmem_shared>>) target(%arg8 : memref<320x64xf32, #tpu.memory_space<vmem>>) offsets(%dma_start3A_125 : memref<320xi32, #tpu.memory_space<vmem>>) semaphore(%arg12 : memref<!tpu.dma_semaphore, #tpu.memory_space<semaphore_mem>>)
      } else {
      }
      %scan3A_110 = arith.constant 0 : i32
      scf.yield %scan3A_110 : i32
    }
    %scan3A_68 = arith.constant 32 : i32
    %barrier3A_69 = arith.constant 0 : index
    tpu.barrier barrier_id(%barrier3A_69)
    %mul3A_70 = arith.constant 640 : i32
    %mul3A_71 = arith.muli %arg1, %mul3A_70 : i32
    %mul3A_72 = arith.constant 640 : i32
    %mul3A_73 = arith.muli %arg1, %mul3A_72 : i32
    "tpu.region"() ({
      %run_scoped3A_74 = tpu.sem_alloc : memref<!tpu.dma_semaphore, #tpu.memory_space<semaphore_mem>>
      %dma_start3A_75 = arith.constant 0 : i32
      %dma_start3A_76 = tpu.memref_slice %arg4[%arg0, %mul3A_73, %dma_start3A_75] : memref<2x10240x64xf32, #tpu.memory_space<hbm>> -> memref<1x640x64xf32, #tpu.memory_space<hbm>>
      %dma_start3A_77 = tpu.memref_squeeze %dma_start3A_76 : memref<1x640x64xf32, #tpu.memory_space<hbm>> -> memref<640x64xf32, #tpu.memory_space<hbm>>
      %dma_start3A_78 = arith.constant 0 : i32
      %dma_start3A_79 = tpu.memref_slice %arg10[%mul3A_71, %dma_start3A_78] : memref<10240x64xf32, #tpu.memory_space<vmem_shared>> -> memref<640x64xf32, #tpu.memory_space<vmem_shared>>
      tpu.enqueue_dma source(%dma_start3A_79 : memref<640x64xf32, #tpu.memory_space<vmem_shared>>) target(%dma_start3A_77 : memref<640x64xf32, #tpu.memory_space<hbm>>) target_semaphore(%run_scoped3A_74 : memref<!tpu.dma_semaphore, #tpu.memory_space<semaphore_mem>>)
      %dma_wait3A = arith.constant 0 : i32
      %dma_wait3A_80 = tpu.memref_slice %arg4[%arg0, %mul3A_73, %dma_wait3A] : memref<2x10240x64xf32, #tpu.memory_space<hbm>> -> memref<1x640x64xf32, #tpu.memory_space<hbm>>
      %dma_wait3A_81 = tpu.memref_squeeze %dma_wait3A_80 : memref<1x640x64xf32, #tpu.memory_space<hbm>> -> memref<640x64xf32, #tpu.memory_space<hbm>>
      %dma_wait3A_82 = arith.constant 0 : i32
      %dma_wait3A_83 = tpu.memref_slice %arg10[%mul3A_71, %dma_wait3A_82] : memref<10240x64xf32, #tpu.memory_space<vmem_shared>> -> memref<640x64xf32, #tpu.memory_space<vmem_shared>>
      tpu.wait_dma2 semaphore(%run_scoped3A_74 : memref<!tpu.dma_semaphore, #tpu.memory_space<semaphore_mem>>) src(%dma_wait3A_83 : memref<640x64xf32, #tpu.memory_space<vmem_shared>>) dst(%dma_wait3A_81 : memref<640x64xf32, #tpu.memory_space<hbm>>)
      tpu.yield
    }) : () -> ()
    return
  }
}

module attributes {stable_mosaic.version = 14 : i64} {
  func.func @_tc1a_body(%arg0: i32, %arg1: memref<2000x128xf32, #tpu.memory_space<vmem>>, %arg2: memref<128x128xf32, #tpu.memory_space<vmem>>, %arg3: memref<2000x128xf32, #tpu.memory_space<vmem>>) attributes {dimension_semantics = [#tpu.dimension_semantics<arbitrary>], iteration_bounds = array<i64: 5>, scalar_prefetch = 0 : i64, scratch_operands = 0 : i64, tpu.core_type = #tpu.core_type<tc>, window_params = [{transform_indices = @transform_0, window_bounds = array<i64: 2000, 128>}, {pipeline_mode = #tpu.pipeline_mode<synchronous>, transform_indices = @transform_1, window_bounds = array<i64: 128, 128>}, {transform_indices = @transform_2, window_bounds = array<i64: 2000, 128>}]} {
    %get3A = arith.constant 0 : index
    %get3A_0 = arith.constant 0 : index
    %get3A_1 = vector.load %arg1[%get3A, %get3A_0] : memref<2000x128xf32, #tpu.memory_space<vmem>>, vector<2000x128xf32>
    %get3A_2 = arith.constant 0 : index
    %get3A_3 = arith.constant 0 : index
    %get3A_4 = vector.load %arg2[%get3A_2, %get3A_3] : memref<128x128xf32, #tpu.memory_space<vmem>>, vector<128x128xf32>
    %dot_general3A = arith.constant dense<0.000000e+00> : vector<2000x128xf32>
    %dot_general3A_5 = tpu.matmul %get3A_1, %get3A_4, %dot_general3A {dimension_numbers = #tpu.dot_dimension_numbers<[1], [0], [0], [1], [0, 0, 1, 1], [], []>, transpose_lhs_hint = false} : vector<2000x128xf32>, vector<128x128xf32>, vector<2000x128xf32> -> vector<2000x128xf32>
    %swap3A = arith.constant 0 : index
    %swap3A_6 = arith.constant 0 : index
    %swap3A_7 = vector.load %arg3[%swap3A, %swap3A_6] : memref<2000x128xf32, #tpu.memory_space<vmem>>, vector<2000x128xf32>
    tpu.vector_store %arg3[%swap3A, %swap3A_6], %dot_general3A_5 {strides = array<i32>} : memref<2000x128xf32, #tpu.memory_space<vmem>>, vector<2000x128xf32>,
    return
  }
  func.func @transform_0(%arg0: i32) -> (i32, i32) {
    %c0_i32 = arith.constant 0 : i32
    %c0_i32_0 = arith.constant 0 : i32
    return %arg0, %c0_i32 : i32, i32
  }
  func.func @transform_1(%arg0: i32) -> (i32, i32) {
    %c0_i32 = arith.constant 0 : i32
    %c0_i32_0 = arith.constant 0 : i32
    %c0_i32_1 = arith.constant 0 : i32
    return %c0_i32, %c0_i32_0 : i32, i32
  }
  func.func @transform_2(%arg0: i32) -> (i32, i32) {
    %c0_i32 = arith.constant 0 : i32
    %c0_i32_0 = arith.constant 0 : i32
    return %arg0, %c0_i32 : i32, i32
  }
}

module attributes {stable_mosaic.version = 14 : i64} {
  func.func @_tc1b_body(%arg0: i32, %arg1: memref<2x2000x16xf32, #tpu.memory_space<vmem>>, %arg2: memref<2000x128xf32, #tpu.memory_space<vmem>>, %arg3: memref<2x2000x64xf32, #tpu.memory_space<vmem>>) attributes {dimension_semantics = [#tpu.dimension_semantics<arbitrary>], iteration_bounds = array<i64: 5>, scalar_prefetch = 0 : i64, scratch_operands = 0 : i64, tpu.core_type = #tpu.core_type<tc>, window_params = [{transform_indices = @transform_0, window_bounds = array<i64: 2, 2000, 16>}, {transform_indices = @transform_1, window_bounds = array<i64: 2000, 128>}, {transform_indices = @transform_2, window_bounds = array<i64: 2, 2000, 64>}]} {
    %get3A = arith.constant 0 : index
    %get3A_0 = arith.constant 0 : index
    %get3A_1 = arith.constant 0 : index
    %get3A_2 = vector.load %arg1[%get3A, %get3A_0, %get3A_1] : memref<2x2000x16xf32, #tpu.memory_space<vmem>>, vector<2x2000x16xf32>
    %slice3A = vector.extract_strided_slice %get3A_2 {offsets = [0, 0, 0], sizes = [1, 2000, 1], strides = [1, 1, 1]} : vector<2x2000x16xf32> to vector<1x2000x1xf32>
    %squeeze3A = vector.shape_cast %slice3A : vector<1x2000x1xf32> to vector<2000x1xf32>
    %slice3A_3 = vector.extract_strided_slice %get3A_2 {offsets = [1, 0, 0], sizes = [1, 2000, 1], strides = [1, 1, 1]} : vector<2x2000x16xf32> to vector<1x2000x1xf32>
    %squeeze3A_4 = vector.shape_cast %slice3A_3 : vector<1x2000x1xf32> to vector<2000x1xf32>
    %add3A = arith.addf %squeeze3A, %squeeze3A_4 : vector<2000x1xf32>
    %add3A_5 = arith.constant 1.000000e+00 : f32
    %add3A_6 = vector.broadcast %add3A_5 : f32 to vector<2000x1xf32>
    %add3A_7 = arith.addf %add3A, %add3A_6 : vector<2000x1xf32>
    %rsqrt3A = math.rsqrt %add3A_7 : vector<2000x1xf32>
    %get3A_8 = arith.constant 0 : index
    %get3A_9 = arith.constant 0 : index
    %get3A_10 = vector.load %arg2[%get3A_8, %get3A_9] : memref<2000x128xf32, #tpu.memory_space<vmem>>, vector<2000x128xf32>
    %slice3A_11 = vector.extract_strided_slice %get3A_10 {offsets = [0, 0], sizes = [2000, 64], strides = [1, 1]} : vector<2000x128xf32> to vector<2000x64xf32>
    %mul3A = vector.broadcast %rsqrt3A : vector<2000x1xf32> to vector<2000x64xf32>
    %mul3A_12 = arith.mulf %mul3A, %slice3A_11 : vector<2000x64xf32>
    %swap3A = arith.constant 0 : index
    %swap3A_13 = arith.constant 0 : index
    %swap3A_14 = arith.constant 0 : index
    %swap3A_15 = vector.load %arg3[%swap3A, %swap3A_13, %swap3A_14] : memref<2x2000x64xf32, #tpu.memory_space<vmem>>, vector<1x2000x64xf32>
    %swap3A_16 = vector.shape_cast %swap3A_15 : vector<1x2000x64xf32> to vector<2000x64xf32>
    %swap3A_17 = vector.shape_cast %mul3A_12 : vector<2000x64xf32> to vector<1x2000x64xf32>
    tpu.vector_store %arg3[%swap3A, %swap3A_13, %swap3A_14], %swap3A_17 {strides = array<i32>} : memref<2x2000x64xf32, #tpu.memory_space<vmem>>, vector<1x2000x64xf32>,
    %slice3A_18 = vector.extract_strided_slice %get3A_10 {offsets = [0, 64], sizes = [2000, 64], strides = [1, 1]} : vector<2000x128xf32> to vector<2000x64xf32>
    %mul3A_19 = vector.broadcast %rsqrt3A : vector<2000x1xf32> to vector<2000x64xf32>
    %mul3A_20 = arith.mulf %mul3A_19, %slice3A_18 : vector<2000x64xf32>
    %swap3A_21 = arith.constant 1 : index
    %swap3A_22 = arith.constant 0 : index
    %swap3A_23 = arith.constant 0 : index
    %swap3A_24 = vector.load %arg3[%swap3A_21, %swap3A_22, %swap3A_23] : memref<2x2000x64xf32, #tpu.memory_space<vmem>>, vector<1x2000x64xf32>
    %swap3A_25 = vector.shape_cast %swap3A_24 : vector<1x2000x64xf32> to vector<2000x64xf32>
    %swap3A_26 = vector.shape_cast %mul3A_20 : vector<2000x64xf32> to vector<1x2000x64xf32>
    tpu.vector_store %arg3[%swap3A_21, %swap3A_22, %swap3A_23], %swap3A_26 {strides = array<i32>} : memref<2x2000x64xf32, #tpu.memory_space<vmem>>, vector<1x2000x64xf32>,
    return
  }
  func.func @transform_0(%arg0: i32) -> (i32, i32, i32) {
    %c0_i32 = arith.constant 0 : i32
    %c0_i32_0 = arith.constant 0 : i32
    %c0_i32_1 = arith.constant 0 : i32
    return %c0_i32, %arg0, %c0_i32_0 : i32, i32, i32
  }
  func.func @transform_1(%arg0: i32) -> (i32, i32) {
    %c0_i32 = arith.constant 0 : i32
    %c0_i32_0 = arith.constant 0 : i32
    return %arg0, %c0_i32 : i32, i32
  }
  func.func @transform_2(%arg0: i32) -> (i32, i32, i32) {
    %c0_i32 = arith.constant 0 : i32
    %c0_i32_0 = arith.constant 0 : i32
    %c0_i32_1 = arith.constant 0 : i32
    return %c0_i32, %arg0, %c0_i32_0 : i32, i32, i32
  }
}

module attributes {stable_mosaic.version = 14 : i64} {
  func.func @_tc2_body(%arg0: i32, %arg1: memref<2x2000x16xf32, #tpu.memory_space<vmem>>, %arg2: memref<2x2000x64xf32, #tpu.memory_space<vmem>>, %arg3: memref<2x2000x64xf32, #tpu.memory_space<vmem>>, %arg4: memref<1x128xf32, #tpu.memory_space<vmem>>, %arg5: memref<128x64xf32, #tpu.memory_space<vmem>>, %arg6: memref<2000x64xf32, #tpu.memory_space<vmem>>) attributes {dimension_semantics = [#tpu.dimension_semantics<arbitrary>], iteration_bounds = array<i64: 5>, scalar_prefetch = 0 : i64, scratch_operands = 0 : i64, tpu.core_type = #tpu.core_type<tc>, window_params = [{transform_indices = @transform_0, window_bounds = array<i64: 2, 2000, 16>}, {transform_indices = @transform_1, window_bounds = array<i64: 2, 2000, 64>}, {transform_indices = @transform_2, window_bounds = array<i64: 2, 2000, 64>}, {pipeline_mode = #tpu.pipeline_mode<synchronous>, transform_indices = @transform_3, window_bounds = array<i64: 1, 128>}, {pipeline_mode = #tpu.pipeline_mode<synchronous>, transform_indices = @transform_4, window_bounds = array<i64: 128, 64>}, {transform_indices = @transform_5, window_bounds = array<i64: 2000, 64>}]} {
    %get3A = arith.constant 0 : index
    %get3A_0 = arith.constant 0 : index
    %get3A_1 = arith.constant 0 : index
    %get3A_2 = vector.load %arg1[%get3A, %get3A_0, %get3A_1] : memref<2x2000x16xf32, #tpu.memory_space<vmem>>, vector<2x2000x16xf32>
    %slice3A = vector.extract_strided_slice %get3A_2 {offsets = [0, 0, 0], sizes = [1, 2000, 1], strides = [1, 1, 1]} : vector<2x2000x16xf32> to vector<1x2000x1xf32>
    %squeeze3A = vector.shape_cast %slice3A : vector<1x2000x1xf32> to vector<2000x1xf32>
    %slice3A_3 = vector.extract_strided_slice %get3A_2 {offsets = [1, 0, 0], sizes = [1, 2000, 1], strides = [1, 1, 1]} : vector<2x2000x16xf32> to vector<1x2000x1xf32>
    %squeeze3A_4 = vector.shape_cast %slice3A_3 : vector<1x2000x1xf32> to vector<2000x1xf32>
    %add3A = arith.addf %squeeze3A, %squeeze3A_4 : vector<2000x1xf32>
    %add3A_5 = arith.constant 1.000000e+00 : f32
    %add3A_6 = vector.broadcast %add3A_5 : f32 to vector<2000x1xf32>
    %add3A_7 = arith.addf %add3A, %add3A_6 : vector<2000x1xf32>
    %rsqrt3A = math.rsqrt %add3A_7 : vector<2000x1xf32>
    %get3A_8 = arith.constant 0 : index
    %get3A_9 = arith.constant 0 : index
    %get3A_10 = arith.constant 0 : index
    %get3A_11 = vector.load %arg2[%get3A_8, %get3A_9, %get3A_10] : memref<2x2000x64xf32, #tpu.memory_space<vmem>>, vector<1x2000x64xf32>
    %get3A_12 = vector.shape_cast %get3A_11 : vector<1x2000x64xf32> to vector<2000x64xf32>
    %get3A_13 = arith.constant 0 : index
    %get3A_14 = arith.constant 0 : index
    %get3A_15 = arith.constant 0 : index
    %get3A_16 = vector.load %arg3[%get3A_13, %get3A_14, %get3A_15] : memref<2x2000x64xf32, #tpu.memory_space<vmem>>, vector<1x2000x64xf32>
    %get3A_17 = vector.shape_cast %get3A_16 : vector<1x2000x64xf32> to vector<2000x64xf32>
    %add3A_18 = arith.addf %get3A_12, %get3A_17 : vector<2000x64xf32>
    %mul3A = vector.broadcast %rsqrt3A : vector<2000x1xf32> to vector<2000x64xf32>
    %mul3A_19 = arith.mulf %mul3A, %add3A_18 : vector<2000x64xf32>
    %get3A_20 = arith.constant 0 : index
    %get3A_21 = arith.constant 0 : index
    %get3A_22 = vector.load %arg4[%get3A_20, %get3A_21] : memref<1x128xf32, #tpu.memory_space<vmem>>, vector<1x64xf32>
    %add3A_23 = vector.broadcast %get3A_22 : vector<1x64xf32> to vector<2000x64xf32>
    %add3A_24 = arith.addf %mul3A_19, %add3A_23 : vector<2000x64xf32>
    %get3A_25 = arith.constant 1 : index
    %get3A_26 = arith.constant 0 : index
    %get3A_27 = arith.constant 0 : index
    %get3A_28 = vector.load %arg2[%get3A_25, %get3A_26, %get3A_27] : memref<2x2000x64xf32, #tpu.memory_space<vmem>>, vector<1x2000x64xf32>
    %get3A_29 = vector.shape_cast %get3A_28 : vector<1x2000x64xf32> to vector<2000x64xf32>
    %get3A_30 = arith.constant 1 : index
    %get3A_31 = arith.constant 0 : index
    %get3A_32 = arith.constant 0 : index
    %get3A_33 = vector.load %arg3[%get3A_30, %get3A_31, %get3A_32] : memref<2x2000x64xf32, #tpu.memory_space<vmem>>, vector<1x2000x64xf32>
    %get3A_34 = vector.shape_cast %get3A_33 : vector<1x2000x64xf32> to vector<2000x64xf32>
    %add3A_35 = arith.addf %get3A_29, %get3A_34 : vector<2000x64xf32>
    %mul3A_36 = vector.broadcast %rsqrt3A : vector<2000x1xf32> to vector<2000x64xf32>
    %mul3A_37 = arith.mulf %mul3A_36, %add3A_35 : vector<2000x64xf32>
    %get3A_38 = arith.constant 0 : index
    %get3A_39 = arith.constant 64 : index
    %get3A_40 = vector.load %arg4[%get3A_38, %get3A_39] : memref<1x128xf32, #tpu.memory_space<vmem>>, vector<1x64xf32>
    %add3A_41 = vector.broadcast %get3A_40 : vector<1x64xf32> to vector<2000x64xf32>
    %add3A_42 = arith.addf %mul3A_37, %add3A_41 : vector<2000x64xf32>
    %max3A = arith.constant 0.000000e+00 : f32
    %max3A_43 = vector.broadcast %max3A : f32 to vector<2000x64xf32>
    %max3A_44 = arith.maximumf %add3A_24, %max3A_43 : vector<2000x64xf32>
    %max3A_45 = arith.constant 0.000000e+00 : f32
    %max3A_46 = vector.broadcast %max3A_45 : f32 to vector<2000x64xf32>
    %max3A_47 = arith.maximumf %add3A_42, %max3A_46 : vector<2000x64xf32>
    %concatenate3A = tpu.concatenate %max3A_44, %max3A_47 in 1 : vector<2000x64xf32>, vector<2000x64xf32> -> vector<2000x128xf32>
    %get3A_48 = arith.constant 0 : index
    %get3A_49 = arith.constant 0 : index
    %get3A_50 = vector.load %arg5[%get3A_48, %get3A_49] : memref<128x64xf32, #tpu.memory_space<vmem>>, vector<128x64xf32>
    %dot_general3A = arith.constant dense<0.000000e+00> : vector<2000x64xf32>
    %dot_general3A_51 = tpu.matmul %concatenate3A, %get3A_50, %dot_general3A {dimension_numbers = #tpu.dot_dimension_numbers<[1], [0], [0], [1], [0, 0, 1, 1], [], []>, transpose_lhs_hint = false} : vector<2000x128xf32>, vector<128x64xf32>, vector<2000x64xf32> -> vector<2000x64xf32>
    %mul3A_52 = vector.broadcast %rsqrt3A : vector<2000x1xf32> to vector<2000x64xf32>
    %mul3A_53 = arith.mulf %mul3A_52, %dot_general3A_51 : vector<2000x64xf32>
    %swap3A = arith.constant 0 : index
    %swap3A_54 = arith.constant 0 : index
    %swap3A_55 = vector.load %arg6[%swap3A, %swap3A_54] : memref<2000x64xf32, #tpu.memory_space<vmem>>, vector<2000x64xf32>
    tpu.vector_store %arg6[%swap3A, %swap3A_54], %mul3A_53 {strides = array<i32>} : memref<2000x64xf32, #tpu.memory_space<vmem>>, vector<2000x64xf32>,
    return
  }
  func.func @transform_0(%arg0: i32) -> (i32, i32, i32) {
    %c0_i32 = arith.constant 0 : i32
    %c0_i32_0 = arith.constant 0 : i32
    %c0_i32_1 = arith.constant 0 : i32
    return %c0_i32, %arg0, %c0_i32_0 : i32, i32, i32
  }
  func.func @transform_1(%arg0: i32) -> (i32, i32, i32) {
    %c0_i32 = arith.constant 0 : i32
    %c0_i32_0 = arith.constant 0 : i32
    %c0_i32_1 = arith.constant 0 : i32
    return %c0_i32, %arg0, %c0_i32_0 : i32, i32, i32
  }
  func.func @transform_2(%arg0: i32) -> (i32, i32, i32) {
    %c0_i32 = arith.constant 0 : i32
    %c0_i32_0 = arith.constant 0 : i32
    %c0_i32_1 = arith.constant 0 : i32
    return %c0_i32, %arg0, %c0_i32_0 : i32, i32, i32
  }
  func.func @transform_3(%arg0: i32) -> (i32, i32) {
    %c0_i32 = arith.constant 0 : i32
    %c0_i32_0 = arith.constant 0 : i32
    %c0_i32_1 = arith.constant 0 : i32
    return %c0_i32, %c0_i32_0 : i32, i32
  }
  func.func @transform_4(%arg0: i32) -> (i32, i32) {
    %c0_i32 = arith.constant 0 : i32
    %c0_i32_0 = arith.constant 0 : i32
    %c0_i32_1 = arith.constant 0 : i32
    return %c0_i32, %c0_i32_0 : i32, i32
  }
  func.func @transform_5(%arg0: i32) -> (i32, i32) {
    %c0_i32 = arith.constant 0 : i32
    %c0_i32_0 = arith.constant 0 : i32
    return %arg0, %c0_i32 : i32, i32
  }
}

module attributes {stable_mosaic.version = 14 : i64} {
  func.func @_tc3_body(%arg0: i32, %arg1: memref<2x2000x16xf32, #tpu.memory_space<vmem>>, %arg2: memref<2x2000x64xf32, #tpu.memory_space<vmem>>, %arg3: memref<2000x64xf32, #tpu.memory_space<vmem>>, %arg4: memref<1x64xf32, #tpu.memory_space<vmem>>, %arg5: memref<2000x64xf32, #tpu.memory_space<vmem>>) attributes {dimension_semantics = [#tpu.dimension_semantics<arbitrary>], iteration_bounds = array<i64: 5>, scalar_prefetch = 0 : i64, scratch_operands = 0 : i64, tpu.core_type = #tpu.core_type<tc>, window_params = [{transform_indices = @transform_0, window_bounds = array<i64: 2, 2000, 16>}, {transform_indices = @transform_1, window_bounds = array<i64: 2, 2000, 64>}, {transform_indices = @transform_2, window_bounds = array<i64: 2000, 64>}, {pipeline_mode = #tpu.pipeline_mode<synchronous>, transform_indices = @transform_3, window_bounds = array<i64: 1, 64>}, {transform_indices = @transform_4, window_bounds = array<i64: 2000, 64>}]} {
    %get3A = arith.constant 0 : index
    %get3A_0 = arith.constant 0 : index
    %get3A_1 = arith.constant 0 : index
    %get3A_2 = vector.load %arg1[%get3A, %get3A_0, %get3A_1] : memref<2x2000x16xf32, #tpu.memory_space<vmem>>, vector<2x2000x16xf32>
    %slice3A = vector.extract_strided_slice %get3A_2 {offsets = [0, 0, 0], sizes = [1, 2000, 1], strides = [1, 1, 1]} : vector<2x2000x16xf32> to vector<1x2000x1xf32>
    %squeeze3A = vector.shape_cast %slice3A : vector<1x2000x1xf32> to vector<2000x1xf32>
    %slice3A_3 = vector.extract_strided_slice %get3A_2 {offsets = [1, 0, 0], sizes = [1, 2000, 1], strides = [1, 1, 1]} : vector<2x2000x16xf32> to vector<1x2000x1xf32>
    %squeeze3A_4 = vector.shape_cast %slice3A_3 : vector<1x2000x1xf32> to vector<2000x1xf32>
    %add3A = arith.addf %squeeze3A, %squeeze3A_4 : vector<2000x1xf32>
    %add3A_5 = arith.constant 1.000000e+00 : f32
    %add3A_6 = vector.broadcast %add3A_5 : f32 to vector<2000x1xf32>
    %add3A_7 = arith.addf %add3A, %add3A_6 : vector<2000x1xf32>
    %rsqrt3A = math.rsqrt %add3A_7 : vector<2000x1xf32>
    %get3A_8 = arith.constant 0 : index
    %get3A_9 = arith.constant 0 : index
    %get3A_10 = arith.constant 0 : index
    %get3A_11 = vector.load %arg2[%get3A_8, %get3A_9, %get3A_10] : memref<2x2000x64xf32, #tpu.memory_space<vmem>>, vector<1x2000x64xf32>
    %get3A_12 = vector.shape_cast %get3A_11 : vector<1x2000x64xf32> to vector<2000x64xf32>
    %get3A_13 = arith.constant 1 : index
    %get3A_14 = arith.constant 0 : index
    %get3A_15 = arith.constant 0 : index
    %get3A_16 = vector.load %arg2[%get3A_13, %get3A_14, %get3A_15] : memref<2x2000x64xf32, #tpu.memory_space<vmem>>, vector<1x2000x64xf32>
    %get3A_17 = vector.shape_cast %get3A_16 : vector<1x2000x64xf32> to vector<2000x64xf32>
    %add3A_18 = arith.addf %get3A_12, %get3A_17 : vector<2000x64xf32>
    %get3A_19 = arith.constant 0 : index
    %get3A_20 = arith.constant 0 : index
    %get3A_21 = vector.load %arg3[%get3A_19, %get3A_20] : memref<2000x64xf32, #tpu.memory_space<vmem>>, vector<2000x64xf32>
    %add3A_22 = arith.addf %add3A_18, %get3A_21 : vector<2000x64xf32>
    %mul3A = vector.broadcast %rsqrt3A : vector<2000x1xf32> to vector<2000x64xf32>
    %mul3A_23 = arith.mulf %mul3A, %add3A_22 : vector<2000x64xf32>
    %get3A_24 = arith.constant 0 : index
    %get3A_25 = arith.constant 0 : index
    %get3A_26 = vector.load %arg4[%get3A_24, %get3A_25] : memref<1x64xf32, #tpu.memory_space<vmem>>, vector<1x64xf32>
    %add3A_27 = vector.broadcast %get3A_26 : vector<1x64xf32> to vector<2000x64xf32>
    %add3A_28 = arith.addf %mul3A_23, %add3A_27 : vector<2000x64xf32>
    %swap3A = arith.constant 0 : index
    %swap3A_29 = arith.constant 0 : index
    %swap3A_30 = vector.load %arg5[%swap3A, %swap3A_29] : memref<2000x64xf32, #tpu.memory_space<vmem>>, vector<2000x64xf32>
    tpu.vector_store %arg5[%swap3A, %swap3A_29], %add3A_28 {strides = array<i32>} : memref<2000x64xf32, #tpu.memory_space<vmem>>, vector<2000x64xf32>,
    return
  }
  func.func @transform_0(%arg0: i32) -> (i32, i32, i32) {
    %c0_i32 = arith.constant 0 : i32
    %c0_i32_0 = arith.constant 0 : i32
    %c0_i32_1 = arith.constant 0 : i32
    return %c0_i32, %arg0, %c0_i32_0 : i32, i32, i32
  }
  func.func @transform_1(%arg0: i32) -> (i32, i32, i32) {
    %c0_i32 = arith.constant 0 : i32
    %c0_i32_0 = arith.constant 0 : i32
    %c0_i32_1 = arith.constant 0 : i32
    return %c0_i32, %arg0, %c0_i32_0 : i32, i32, i32
  }
  func.func @transform_2(%arg0: i32) -> (i32, i32) {
    %c0_i32 = arith.constant 0 : i32
    %c0_i32_0 = arith.constant 0 : i32
    return %arg0, %c0_i32 : i32, i32
  }
  func.func @transform_3(%arg0: i32) -> (i32, i32) {
    %c0_i32 = arith.constant 0 : i32
    %c0_i32_0 = arith.constant 0 : i32
    %c0_i32_1 = arith.constant 0 : i32
    return %c0_i32, %c0_i32_0 : i32, i32
  }
  func.func @transform_4(%arg0: i32) -> (i32, i32) {
    %c0_i32 = arith.constant 0 : i32
    %c0_i32_0 = arith.constant 0 : i32
    return %arg0, %c0_i32 : i32, i32
  }
}

</mosaic_0001>

<sc_bundles>
// kernel: kernel.12.cloned.1.call-start
scs
__scs_entry_jumppad:
0x0: {  	(pc) =	sbr.rel $0x88, $3  }
0x1: {  	(tag) =	ssettag $0x0;
	lr =	simm.s32 $0x1  }
0x2: {  	[smem:$0x3F9B] =	sst lr;
	_ =	strace $0xD0000000  }
0x3: {  	_ = 	snop  }
0x4: {  	_ = 	snop  }
0x5: {  	_ = 	snop  }
0x6: {  	_ = 	snop  }
0x7: {  	_ = 	snop  }
__scs_overlays_trampoline_lowered:
0x8: {  	[smem:$0x3FAA] =	sst s0  }
0x9: {  	[smem:$0x3FAB] =	sst s1  }
0xa: {  	[smem:$0x3FAC] =	sst s2  }
0xb: {  	[smem:$0x3FAD] =	sst s3  }
0xc: {  	[smem:$0x3FAE] =	sst s4  }
0xd: {  	[smem:$0x3FAF] =	sst s5  }
0xe: {  	[smem:$0x3FB0] =	sst s6  }
0xf: {  	[smem:$0x3FB1] =	sst s7  }
0x10: {  	[smem:$0x3FB2] =	sst s8  }
0x11: {  	[smem:$0x3FB3] =	sst s9;
	s0 =	simm.s32 @!p0 $0x0  }
0x12: {  	s1 =	sld [smem:$0x3F99];
	s0 =	simm.s32 @p0 $0x1  }
0x13: {  	[smem:$0x3FB4] =	sst s0;
	s0 =	simm.s32 @!p1 $0x0  }
0x14: {  	s2 =	sld [smem:$0x3F98];
	s0 =	simm.s32 @p1 $0x1  }
0x15: {  	[smem:$0x3FB5] =	sst s0;
	s0 =	simm.s32 @!p2 $0x0  }
0x16: {  	s3 =	sld [smem:$0x3FDB];
	s0 =	simm.s32 @p2 $0x1  }
0x17: {  	s4 =	simm.s32 $0x1BF5;
	[smem:$0x3FB7] =	sst s0  }
0x18: {  	s0 =	sld [smem:$0x3F9A];
	_ =	swait.ge [sflag:s4], $0x0  }
0x19: {  	s7 =	sld [smem:$0x3F9B]  }
0x1a: {  	s8 =	sadd.s32 $0xFFFFE003, lr  }
0x1b: {  	s9 =	sadd.s32 $0xFFFFFEF7, lr;
	s5 =	simm.s32 $0xFFFFFFFF;
	p2 =	slt.u32 s8, $0xFFFFF086  }
0x1c: {  	p1 =	slt.u32 s9, $0xF7A;
	s5 =	simm.s32 @!p2 $0x0  }
0x1d: {  	s5 =	simm.s32 @p1 $0x1;
	p0 =	seq.s32 s7, s2  }
0x1e: {  	s7 =	smul.u32 @!p0 $0xF7A, s2;
	p2 =	seq.s32 @!p0 s5, $0x0  }
0x1f: {  	s9 =	smul.u32 $0xF7A, s1;
	s8 =	simm.s32 @!p0 $0x1BF5;
	p2 =	por !p2, p0  }
0x20: {  	[sflag:s8] =	ssyncset.s32 @!p0 $0xFFFFF086;
	s6 =	sadd.s32 @!p0 s3, s7;
	s7 =	simm.s32 @!p0 $0x108  }
0x21: {  	s3 =	sadd.s32 s3, s9;
	s6 =	sadd.s32 @!p0 $0x88, s6;
	s7 =	simm.s32 @p2 $0x1082  }
0x22: {  	[simem:s7], [sflag:s8] =	dma.local @!p0 [hbm:s6], $0xF7A  }
0x23: {  	s9 =	sor.u32 $0xD0000000, s2;
	s6 =	simm.s32 $0x108;
	_ =	swait.ge @!p0 [sflag:s8], $0x0  }
0x24: {  	s3 =	sadd.s32 $0x88, s3;
	s6 =	simm.s32 @!p1 $0x1082;
	[sflag:s4] =	ssyncset.s32 $0xFFFFF086  }
0x25: {  	[simem:s6], [sflag:s4] =	dma.local [hbm:s3], $0xF7A  }
0x26: {  	[smem:$0x3F9B] =	sst s1;
	(tag) =	ssettag s2;
	_ =	strace s9  }
0x27: {  	s1 =	sld [smem:$0x3FAB]  }
0x28: {  	s2 =	sld [smem:$0x3FAC]  }
0x29: {  	s4 =	sld [smem:$0x3FAE]  }
0x2a: {  	p0 =	seq.s32 s5, $0x0;
	s5 =	sld [smem:$0x3FAF]  }
0x2b: {  	s6 =	sld [smem:$0x3FB0]  }
0x2c: {  	s7 =	sld [smem:$0x3FB1]  }
0x2d: {  	s3 =	simm.s32 $0x108;
	s8 =	sld [smem:$0x3FB2]  }
0x2e: {  	s3 =	simm.s32 @!p0 $0x1082;
	s9 =	sld [smem:$0x3FB3]  }
0x2f: {  	lr =	sadd.s32 s0, s3;
	s0 =	sld [smem:$0x3FAA]  }
0x30: {  	s3 =	sld [smem:$0x3FAD]  }
0x31: {  	[smem:$0x3FB6] =	sst s10  }
0x32: {  	s10 =	sld [smem:$0x3FB4];
	_ =	sdelay $0x3  }
0x33: {  	p0 =	seq.s32 s10, $0x1;
	s10 =	sld [smem:$0x3FB6];
	_ =	sdelay $0x3  }
0x34: {  	[smem:$0x3FB6] =	sst s10  }
0x35: {  	s10 =	sld [smem:$0x3FB5];
	_ =	sdelay $0x3  }
0x36: {  	p1 =	seq.s32 s10, $0x1;
	s10 =	sld [smem:$0x3FB6];
	_ =	sdelay $0x3  }
0x37: {  	[smem:$0x3FB6] =	sst s10  }
0x38: {  	s10 =	sld [smem:$0x3FB7]  }
0x39: {  	_ = 	snop;
	(pc) =	sbr.ind lr, $3  }
0x3a: {  	_ = 	snop  }
0x3b: {  	_ = 	snop  }
0x3c: {  	p2 =	seq.s32 s10, $0x1;
	s10 =	sld [smem:$0x3FB6]  }
0x3d: {  	_ =	shalt  }
0x3e: {  	_ =	shalt  }
0x3f: {  	_ =	shalt  }
0x40: {  	_ =	shalt  }
0x41: {  	_ =	shalt  }
0x42: {  	_ =	shalt  }
0x43: {  	_ =	shalt  }
0x44: {  	_ =	shalt  }
0x45: {  	_ =	shalt  }
0x46: {  	_ =	shalt  }
0x47: {  	_ =	shalt  }
0x48: {  	_ =	shalt  }
0x49: {  	_ =	shalt  }
0x4a: {  	_ =	shalt  }
0x4b: {  	_ =	shalt  }
0x4c: {  	_ =	shalt  }
0x4d: {  	_ =	shalt  }
0x4e: {  	_ =	shalt  }
0x4f: {  	_ =	shalt  }
0x50: {  	_ =	shalt  }
0x51: {  	_ =	shalt  }
0x52: {  	_ =	shalt  }
0x53: {  	_ =	shalt  }
0x54: {  	_ =	shalt  }
0x55: {  	_ =	shalt  }
0x56: {  	_ =	shalt  }
0x57: {  	_ =	shalt  }
0x58: {  	_ =	shalt  }
0x59: {  	_ =	shalt  }
0x5a: {  	_ =	shalt  }
0x5b: {  	_ =	shalt  }
0x5c: {  	_ =	shalt  }
0x5d: {  	_ =	shalt  }
0x5e: {  	_ =	shalt  }
0x5f: {  	_ =	shalt  }
0x60: {  	_ =	shalt  }
0x61: {  	_ =	shalt  }
0x62: {  	_ =	shalt  }
0x63: {  	_ =	shalt  }
0x64: {  	_ =	shalt  }
0x65: {  	_ =	shalt  }
0x66: {  	_ =	shalt  }
0x67: {  	_ =	shalt  }
0x68: {  	_ =	shalt  }
0x69: {  	_ =	shalt  }
0x6a: {  	_ =	shalt  }
0x6b: {  	_ =	shalt  }
0x6c: {  	_ =	shalt  }
0x6d: {  	_ =	shalt  }
0x6e: {  	_ =	shalt  }
0x6f: {  	_ =	shalt  }
0x70: {  	_ =	shalt  }
0x71: {  	_ =	shalt  }
0x72: {  	_ =	shalt  }
0x73: {  	_ =	shalt  }
0x74: {  	_ =	shalt  }
0x75: {  	_ =	shalt  }
0x76: {  	_ =	shalt  }
0x77: {  	_ =	shalt  }
0x78: {  	_ =	shalt  }
0x79: {  	_ =	shalt  }
0x7a: {  	_ =	shalt  }
0x7b: {  	_ =	shalt  }
0x7c: {  	_ =	shalt  }
0x7d: {  	_ =	shalt  }
0x7e: {  	_ =	shalt  }
0x7f: {  	_ =	shalt  }
0x80: {  	_ =	shalt  }
0x81: {  	_ =	shalt  }
0x82: {  	_ =	shalt  }
0x83: {  	_ =	shalt  }
0x84: {  	_ =	shalt  }
0x85: {  	_ =	shalt  }
0x86: {  	_ =	shalt  }
0x87: {  	_ =	shalt  }
.Lfunc_end0:
.L_simem_size_0:
called_computation.1_lowered:
.L_overlay_start_0:
0x88: {  	s2 =	sld [smem:$0x3FD9]  }
0x89: {  	s3 =	sld [smem:$0x3FFE];
	_ =	sdelay $0x1  }
0x8a: {  	s1 =	srdreg.scid  }
0x8b: {  	s0 =	sand.u32 $0x1, s1  }
0x8c: {  	s16 =	sshll.u32 s0, $0xA;
	s2 =	sadd.s32 s3, s2  }
0x8d: {  	s2 =	sadd.s32 s2, s16  }
0x8e: {  	[smem:$0x3FC2] =	sst s2  }
0x8f: {  	_ = 	snop  }
0x90: {  	(tm) =	ssettm $0x1  }
0x91: {  	s17 =	sld [smem:$0x3FFB];
	_ =	sdelay $0x3  }
0x92: {  	_ =	strace s17  }
0x93: {  	s2 =	sld [smem:$0x3FFC];
	_ =	sdelay $0x3  }
0x94: {  	_ =	strace s2  }
0x95: {  	s2 =	sld [smem:$0x3FFD];
	_ =	sdelay $0x3  }
0x96: {  	_ =	strace s2  }
0x97: {  	_ =	strace $0x8FFFFFFF  }
0x98: {  	s18 =	sld [smem:$0x3FDB];
	_ =	sdelay $0x1  }
0x99: {  	s19 =	simm.s32 $_scs_section_size  }
0x9a: {  	s4 =	simm.s32 $_size__tile_overlayer_lowered;
	s5 =	simm.s32 $_tile_overlayer_lowered  }
0x9b: {  	s22 =	simm.s32 $0x1BFF;
	s21 =	sshll.u32 s5, $0x1;
	s2 =	sadd.s32 s19, s18  }
0x9c: {  	s6 =	simm.s32 $0x0;
	s20 =	sshll.u32 s4, $0x1;
	s4 =	sadd.s32 s21, s2  }
0x9d: {  	[timem:s6], [sflag:s22] =	dma.local [hbm:s4], s20  }
0x9e: {  	_ =	swait.ge [sflag:s22], s20  }
0x9f: {  	s3 =	ssub.s32 $0x0, s20;
	[sflag:s22] =	ssyncset.done $0x0  }
0xa0: {  	[sflag:s22] =	ssyncadd.s32 s3;
	_ =	sdelay $0x1  }
0xa1: {  	s23 =	simm.s32 $0x1B8B  }
0xa2: {  	_ =	swait.ge [sflag:s23], $0x1  }
0xa3: {  	[sflag:s23] =	ssyncset.done $0x0  }
0xa4: {  	s25 =	simm.s32 $0x1B8E;
	s24 =	sld [smem:$0x3FFE];
	[sflag:s23] =	ssyncadd.s32 $0xFFFFFFFF  }
0xa5: {  	s26 =	simm.s32 $execute0_lowered;
	[smem:$0x3FD2] =	sst s25  }
0xa6: {  	s4 =	sshll.u32 s26, $0x1;
	_ =	strace $0x80000049;
	[dreg:$0x1] =	wrdreg $0xFFFFFFFF  }
0xa7: {  	s28 =	simm.s32 $_size_execute0_lowered;
	s2 =	sadd.s32 s2, s4;
	[dreg:$0x0] =	wrdreg $0x0  }
0xa8: {  	s4 =	sshll.u32 s28, $0x1;
	[dreg:$0x2] =	wrdreg s2  }
0xa9: {  	[dreg:$0x3] =	wrdreg s4  }
0xaa: {  	[dreg:$0x4] =	wrdreg $0xC0  }
0xab: {  	_ =	task [dreg:s6], $0x5FFFF  }
0xac: {  	[dreg:$0x1] =	wrdreg $0xFFFFFFFF  }
0xad: {  	[dreg:$0x0] =	wrdreg $0x60  }
0xae: {  	[dreg:$0x2] =	wrdreg s24  }
0xaf: {  	[dreg:$0x3] =	wrdreg $0xA5000  }
0xb0: {  	[dreg:$0x4] =	wrdreg $0x145000  }
0xb1: {  	[dreg:$0x5] =	wrdreg $0x9  }
0xb2: {  	_ =	task.clear_ibuf [dreg:s6], $0x6FFFF;
	_ =	strace $0x90000049  }
0xb3: {  	s29 =	simm.s32 $0x9;
	_ =	strace $0x8000004B  }
0xb4: {  	_ =	swait.ge [sflag:s29], $0x1  }
0xb5: {  	[sflag:s29] =	ssyncadd.s32 $0xFFFFFFFF  }
0xb6: {  	_ =	strace $0x9000004B  }
0xb7: {  	_ =	sfence  }
0xb8: {  	s30 =	sld [smem:$0x0];
	_ =	sdelay $0x2  }
0xb9: {  	s31 =	sshll.u32 s1, $0xD;
	s1 =	sshrl.u32 s1, $0x2  }
0xba: {  	s3 =	sand.u32 $0x4000, s31;
	s1 =	sadd.s32 s1, s30  }
0xbb: {  	s0 =	sor.u32 s3, s0;
	s1 =	sshll.u32 s1, $0x11  }
0xbc: {  	s0 =	sor.u32 s1, s0  }
0xbd: {  	s0 =	sadd.s32 $0x8F2B, s0  }
0xbe: {  	[sflag:s0] =	ssyncadd.remote.s32 $0x1  }
0xbf: {  	_ =	sfence.sel $0xFFFF  }
0xc0: {  	[dreg:$0x0] =	wrdreg $0xFFFFFFFF;
	(pc) =	sbr.abs _section_cstart, $3  }
0xc1: {  	[dreg:$0x1] =	wrdreg $0xFFFFFFFF  }
0xc2: {  	_ =	task.clear_ibuf [dreg:s6], $0x2FFFF;
	_ =	strace $0x9FFFFFFF  }
0xc3: {  	(tm) =	ssettm $0x7FFFFFFF  }
tec
execute0_lowered:
.L_overlay_start_1:
0x0: {  	(tag) =	ssettag $0x1  }
0x1: {  	s5 =	rddreg [dreg:$0x0]  }
0x2: {  	s0 =	srdreg.scid;
	s2 =	rddreg [dreg:$0x1]  }
0x3: {  	s3 =	rddreg [dreg:$0x2];
	s6 =	sand.u32 $0x1, s0  }
0x4: {  	s0 =	stileid.u32;
	s7 =	smul.u32 $0x9C400, s6  }
0x5: {  	s4 =	simm.s32 $0x0;
	s21 =	simm.s32 $0x500;
	s8 =	smul.u32 $0x9C40, s0  }
0x6: {  	s22 =	simm.s32 $0x140;
	s23 =	simm.s32 $0x280;
	s9 =	smul.u32 $0xA000, s0  }
0x7: {  	s24 =	simm.s32 $0x3C0;
	s28 =	simm.s32 $0x2;
	s10 =	smul.u32 $0xA0000, s6  }
0x8: {  	s29 =	simm.s32 $0x0;
	[smem:$0x7FF] =	sst s4;
	s12 =	smul.u32 $0x28000, s0  }
0x9: {  	s18 =	sadd.s32 $0x2800, s5;
	_ =	strace $0x8000004A;
	s30 =	smul.u32 $0x5000, s0  }
0xa: {  	s6 =	ssub.s32 $0x2, s6;
	s25 =	sshll.u32 s0, $0x6;
	s20 =	smul.u32 $0xA00, s0  }
0xb: {  	s11 =	sshrl.u32 s6, $0x1;
	s7 =	sadd.s32 s8, s7;
	s10 =	sadd.s32 s9, s10  }
0xc: {  	s17 =	ssub.s32 s6, s11;
	s19 =	sadd.s32 s8, s2;
	s26 =	sshrl.u32 s12, $0x2  }
0xd: {  	s6 =	sor.u32 $0x1C03, s25;
	s31 =	sshrl.u32 s30, $0x3;
	s25 =	simm.s32 $0x5500  }
0xe: {  	s7 =	sshrl.u32 s7, $0x3;
	s10 =	sshrl.u32 s10, $0x3;
	s12 =	sadd.s32 s26, s3  }
0xf: {  	s11 =	sadd.s32 s18, s31;
	s17 =	smax.u32 s17, $0x1;
	s18 =	sadd.s32 s20, s18  }
0x10: {  	s19 =	sshrl.u32 s19, $0x3;
	s20 =	simm.s32 $0x3;
	s26 =	simm.s32 $0x1  }
0x11: {  	s7 =	sadd.s32 s7, s5;
	s16 =	sadd.s32 s10, s5;
	s8 =	sadd.s32 $0x2000, s12  }
0x12: {  	s10 =	sadd.s32 $0x6000, s12;
	s13 =	sadd.s32 $0xA000, s11;
	s14 =	sadd.s32 $0x28, s11  }
0x13: {  	s15 =	sadd.s32 $0xA028, s11;
	s5 =	sadd.s32 $0x66800, s7;
	s7 =	sadd.s32 s9, s3  }
0x14: {  	v0 =	vimm.f32 $0.0e+00;
	s9 =	sadd.s32 $0x4000, s12;
	s12 =	sadd.s32 $0x8000, s12;
	s16 =	sadd.s32 $0x8DA00, s16  }
.LBB2_1:
0x15: {  	[spmem:s19], [sflag:s6] =	dma.local [hbm:s5], $0x1388  }
0x16: {  	_ =	swait.ge [sflag:s20], $0x1388  }
0x17: {  	[sflag:s20] =	ssyncset.done $0x0  }
0x18: {  	s31 =	simm.s32 $0x100;
	s30 =	simm.s32 $0x0;
	[sflag:s20] =	ssyncadd.s32 $0xFFFFEC78  }
.LBB2_2:
0x19: {  	p0 =	sne.s32 s31, $0x7F00;
	[tilespmem:s30+$0x530] =	vst v0;
	s1 =	smov.u32 s31;
	s31 =	sadd.s32 $0x100, s31  }
.Ltmp0:
0x1a: {  	[tilespmem:s30+$0x520] =	vst v0;
	(pc) =	sbr.rel @p0 .LBB2_2-.Ltmp0, $3  }
0x1b: {  	[tilespmem:s30+$0x500] =	vst v0  }
0x1c: {  	[tilespmem:s30+$0x510] =	vst v0;
	_ =	sdelay $0x1  }
0x1d: {  	s30 =	sshra.s32 s1, $0x2  }
0x1e: {  	[tilespmem:s30+$0x530] =	vst v0  }
0x1f: {  	[tilespmem:s30+$0x520] =	vst v0  }
0x20: {  	[tilespmem:s30+$0x500] =	vst v0  }
0x21: {  	[tilespmem:s30+$0x510] =	vst v0  }
0x22: {  	[spmem:s7] =	stream.linear.scatter [tilespmem:s21], [sflag:$0x3], $0x2000, $0x38;
	[tilespmem:$0x1E500] =	vst v63  }
0x23: {  	_ =	swait.ge [sflag:s20], $0x2000  }
0x24: {  	[sflag:s20] =	ssyncset.done $0x0  }
0x25: {  	[sflag:s20] =	ssyncadd.s32 $0xFFFFE000  }
0x26: {  	[spmem:s8] =	stream.linear.scatter [tilespmem:s21], [sflag:$0x3], $0x2000, $0x38;
	[tilespmem:$0x1E500] =	vst v63  }
0x27: {  	_ =	swait.ge [sflag:s20], $0x2000  }
0x28: {  	[sflag:s20] =	ssyncset.done $0x0  }
0x29: {  	[sflag:s20] =	ssyncadd.s32 $0xFFFFE000  }
0x2a: {  	[spmem:s9] =	stream.linear.scatter [tilespmem:s21], [sflag:$0x3], $0x2000, $0x38;
	[tilespmem:$0x1E500] =	vst v63  }
0x2b: {  	_ =	swait.ge [sflag:s20], $0x2000  }
0x2c: {  	[sflag:s20] =	ssyncset.done $0x0  }
0x2d: {  	[sflag:s20] =	ssyncadd.s32 $0xFFFFE000  }
0x2e: {  	[spmem:s10] =	stream.linear.scatter [tilespmem:s21], [sflag:$0x3], $0x2000, $0x38;
	[tilespmem:$0x1E500] =	vst v63  }
0x2f: {  	_ =	swait.ge [sflag:s20], $0x2000  }
0x30: {  	[sflag:s20] =	ssyncset.done $0x0  }
0x31: {  	[sflag:s20] =	ssyncadd.s32 $0xFFFFE000  }
0x32: {  	[spmem:s12] =	stream.linear.scatter [tilespmem:s21], [sflag:$0x3], $0x2000, $0x38;
	[tilespmem:$0x1E500] =	vst v63  }
0x33: {  	_ =	swait.ge [sflag:s20], $0x2000  }
0x34: {  	[sflag:s20] =	ssyncset.done $0x0  }
0x35: {  	[sflag:s20] =	ssyncadd.s32 $0xFFFFE000  }
0x36: {  	[bflag:$0x0] =	sbarrier.arrive $0xFFFF  }
0x37: {  	[tilespmem:s4], [sflag:$0x3] =	stream.linear.gather [hbm4b:s11+s4], $0x140, $0x38;
	[tilespmem:$0x1E500] =	vst v63  }
0x38: {  	_ =	swait.ge [sflag:s20], $0x140  }
0x39: {  	[sflag:s20] =	ssyncset.done $0x0  }
0x3a: {  	[sflag:s20] =	ssyncadd.s32 $0xFFFFFEC0  }
0x3b: {  	[tilespmem:s22], [sflag:$0x3] =	stream.linear.gather [hbm4b:s13+s4], $0x140, $0x38;
	[tilespmem:$0x1E500] =	vst v63  }
0x3c: {  	_ =	swait.ge [sflag:s20], $0x140  }
0x3d: {  	[sflag:s20] =	ssyncset.done $0x0  }
0x3e: {  	[sflag:s20] =	ssyncadd.s32 $0xFFFFFEC0  }
0x3f: {  	[tilespmem:s21], [sflag:$0x1] =	stream.indirect.gather [spmem:s2], $0x40, s4, s22, $0xb8;
	[tilespmem:$0x1E500] =	vst v63  }
0x40: {  	_ = 	snop  }
0x41: {  	[tilespmem:s23], [sflag:$0x3] =	stream.linear.gather [hbm4b:s14+s4], $0x140, $0x38;
	[tilespmem:$0x1E500] =	vst v63  }
0x42: {  	_ =	swait.ge [sflag:s20], $0x140  }
0x43: {  	[sflag:s20] =	ssyncset.done $0x0  }
0x44: {  	[sflag:s20] =	ssyncadd.s32 $0xFFFFFEC0  }
0x45: {  	[tilespmem:s24], [sflag:$0x3] =	stream.linear.gather [hbm4b:s15+s4], $0x140, $0x38;
	[tilespmem:$0x1E500] =	vst v63  }
0x46: {  	_ =	swait.ge [sflag:s20], $0x140  }
0x47: {  	[sflag:s20] =	ssyncset.done $0x0  }
0x48: {  	[sflag:s20] =	ssyncadd.s32 $0xFFFFFEC0  }
0x49: {  	[tilespmem:s25], [sflag:$0x2] =	stream.indirect.gather [spmem:s2], $0x40, s23, s22, $0xb8;
	[tilespmem:$0x1E500] =	vst v63  }
0x4a: {  	_ =	swait.ge [sflag:s26], $0x5000  }
0x4b: {  	[sflag:s26] =	ssyncset.done $0x0  }
0x4c: {  	[sflag:s26] =	ssyncadd.s32 $0xFFFFB000  }
0x4d: {  	[spmem:s3] =	stream.indirect.scatter.add.f32 [tilespmem:s21], [sflag:$0x3], $0x40, s22, s22, $0xb8;
	[tilespmem:$0x1E500] =	vst v63  }
0x4e: {  	_ =	swait.ge [sflag:s20], $0x5000  }
0x4f: {  	s1 =	sadd.s32 $0xFFFFF650, s18;
	[sflag:s20] =	ssyncset.done $0x0  }
0x50: {  	s30 =	sadd.s32 $0xA00, s1;
	[sflag:s20] =	ssyncadd.s32 $0xFFFFB000  }
0x51: {  	[tilespmem:s4], [sflag:$0x3] =	stream.linear.gather [hbm4b:s30+s4], $0x140, $0x38;
	[tilespmem:$0x1E500] =	vst v63  }
0x52: {  	_ =	swait.ge [sflag:s20], $0x140  }
0x53: {  	[sflag:s20] =	ssyncset.done $0x0  }
0x54: {  	s30 =	sadd.s32 $0xAA00, s1;
	[sflag:s20] =	ssyncadd.s32 $0xFFFFFEC0  }
0x55: {  	[tilespmem:s22], [sflag:$0x3] =	stream.linear.gather [hbm4b:s30+s4], $0x140, $0x38;
	[tilespmem:$0x1E500] =	vst v63  }
0x56: {  	_ =	swait.ge [sflag:s20], $0x140  }
0x57: {  	[sflag:s20] =	ssyncset.done $0x0  }
0x58: {  	[sflag:s20] =	ssyncadd.s32 $0xFFFFFEC0  }
0x59: {  	[tilespmem:s21], [sflag:$0x1] =	stream.indirect.gather [spmem:s2], $0x40, s4, s22, $0xb8;
	[tilespmem:$0x1E500] =	vst v63  }
0x5a: {  	_ =	swait.ge [sflag:s28], $0x5000  }
0x5b: {  	[sflag:s28] =	ssyncset.done $0x0  }
0x5c: {  	[sflag:s28] =	ssyncadd.s32 $0xFFFFB000  }
0x5d: {  	[spmem:s3] =	stream.indirect.scatter.add.f32 [tilespmem:s25], [sflag:$0x3], $0x40, s24, s22, $0xb8;
	[tilespmem:$0x1E500] =	vst v63  }
0x5e: {  	_ =	swait.ge [sflag:s20], $0x5000  }
0x5f: {  	[sflag:s20] =	ssyncset.done $0x0  }
0x60: {  	s30 =	sadd.s32 $0xA28, s1;
	[sflag:s20] =	ssyncadd.s32 $0xFFFFB000  }
0x61: {  	[tilespmem:s23], [sflag:$0x3] =	stream.linear.gather [hbm4b:s30+s4], $0x140, $0x38;
	[tilespmem:$0x1E500] =	vst v63  }
0x62: {  	_ =	swait.ge [sflag:s20], $0x140  }
0x63: {  	[sflag:s20] =	ssyncset.done $0x0  }
0x64: {  	s1 =	sadd.s32 $0xAA28, s1;
	[sflag:s20] =	ssyncadd.s32 $0xFFFFFEC0  }
0x65: {  	[tilespmem:s24], [sflag:$0x3] =	stream.linear.gather [hbm4b:s1+s4], $0x140, $0x38;
	[tilespmem:$0x1E500] =	vst v63  }
0x66: {  	_ =	swait.ge [sflag:s20], $0x140  }
0x67: {  	[sflag:s20] =	ssyncset.done $0x0  }
0x68: {  	s30 =	simm.s32 $0xFFFFF6A0;
	[sflag:s20] =	ssyncadd.s32 $0xFFFFFEC0  }
.LBB2_4:
0x69: {  	[tilespmem:s25], [sflag:$0x2] =	stream.indirect.gather [spmem:s2], $0x40, s23, s22, $0xb8;
	[tilespmem:$0x1E500] =	vst v63  }
0x6a: {  	s1 =	smov.u32 s30  }
0x6b: {  	p0 =	sne.s32 s30, $0xFFFFFFB0;
	s30 =	sadd.s32 $0x50, s30;
	_ =	swait.ge [sflag:s26], $0x5000  }
0x6c: {  	[sflag:s26] =	ssyncset.done $0x0  }
0x6d: {  	[sflag:s26] =	ssyncadd.s32 $0xFFFFB000  }
0x6e: {  	[spmem:s3] =	stream.indirect.scatter.add.f32 [tilespmem:s21], [sflag:$0x3], $0x40, s22, s22, $0xb8;
	[tilespmem:$0x1E500] =	vst v63  }
0x6f: {  	_ =	swait.ge [sflag:s20], $0x5000  }
0x70: {  	s1 =	sadd.s32 s1, s18;
	[sflag:s20] =	ssyncset.done $0x0  }
0x71: {  	s31 =	sadd.s32 $0xA00, s1;
	[sflag:s20] =	ssyncadd.s32 $0xFFFFB000  }
0x72: {  	[tilespmem:s4], [sflag:$0x3] =	stream.linear.gather [hbm4b:s31+s4], $0x140, $0x38;
	[tilespmem:$0x1E500] =	vst v63  }
0x73: {  	_ =	swait.ge [sflag:s20], $0x140  }
0x74: {  	[sflag:s20] =	ssyncset.done $0x0  }
0x75: {  	s31 =	sadd.s32 $0xAA00, s1;
	[sflag:s20] =	ssyncadd.s32 $0xFFFFFEC0  }
0x76: {  	[tilespmem:s22], [sflag:$0x3] =	stream.linear.gather [hbm4b:s31+s4], $0x140, $0x38;
	[tilespmem:$0x1E500] =	vst v63  }
0x77: {  	_ =	swait.ge [sflag:s20], $0x140  }
0x78: {  	[sflag:s20] =	ssyncset.done $0x0  }
0x79: {  	[sflag:s20] =	ssyncadd.s32 $0xFFFFFEC0  }
0x7a: {  	[tilespmem:s21], [sflag:$0x1] =	stream.indirect.gather [spmem:s2], $0x40, s4, s22, $0xb8;
	[tilespmem:$0x1E500] =	vst v63  }
0x7b: {  	_ =	swait.ge [sflag:s28], $0x5000  }
0x7c: {  	[sflag:s28] =	ssyncset.done $0x0  }
0x7d: {  	[sflag:s28] =	ssyncadd.s32 $0xFFFFB000  }
0x7e: {  	[spmem:s3] =	stream.indirect.scatter.add.f32 [tilespmem:s25], [sflag:$0x3], $0x40, s24, s22, $0xb8;
	[tilespmem:$0x1E500] =	vst v63  }
0x7f: {  	_ =	swait.ge [sflag:s20], $0x5000  }
0x80: {  	[sflag:s20] =	ssyncset.done $0x0  }
0x81: {  	s31 =	sadd.s32 $0xA28, s1;
	[sflag:s20] =	ssyncadd.s32 $0xFFFFB000  }
0x82: {  	[tilespmem:s23], [sflag:$0x3] =	stream.linear.gather [hbm4b:s31+s4], $0x140, $0x38;
	[tilespmem:$0x1E500] =	vst v63  }
0x83: {  	_ =	swait.ge [sflag:s20], $0x140  }
0x84: {  	[sflag:s20] =	ssyncset.done $0x0  }
.Ltmp1:
0x85: {  	s1 =	sadd.s32 $0xAA28, s1;
	[sflag:s20] =	ssyncadd.s32 $0xFFFFFEC0;
	(pc) =	sbr.rel @p0 .LBB2_4-.Ltmp1, $4  }
0x86: {  	[tilespmem:s24], [sflag:$0x3] =	stream.linear.gather [hbm4b:s1+s4], $0x140, $0x38;
	[tilespmem:$0x1E500] =	vst v63  }
0x87: {  	_ =	swait.ge [sflag:s20], $0x140  }
0x88: {  	[sflag:s20] =	ssyncset.done $0x0  }
0x89: {  	[sflag:s20] =	ssyncadd.s32 $0xFFFFFEC0  }
0x8a: {  	[tilespmem:s25], [sflag:$0x2] =	stream.indirect.gather [spmem:s2], $0x40, s23, s22, $0xb8;
	[tilespmem:$0x1E500] =	vst v63  }
0x8b: {  	_ =	swait.ge [sflag:s26], $0x5000  }
0x8c: {  	[sflag:s26] =	ssyncset.done $0x0  }
0x8d: {  	[sflag:s26] =	ssyncadd.s32 $0xFFFFB000  }
0x8e: {  	[spmem:s3] =	stream.indirect.scatter.add.f32 [tilespmem:s21], [sflag:$0x3], $0x40, s22, s22, $0xb8;
	[tilespmem:$0x1E500] =	vst v63  }
0x8f: {  	_ =	swait.ge [sflag:s20], $0x5000  }
0x90: {  	[sflag:s20] =	ssyncset.done $0x0  }
0x91: {  	[sflag:s20] =	ssyncadd.s32 $0xFFFFB000  }
0x92: {  	_ =	swait.ge [sflag:s28], $0x5000  }
0x93: {  	[sflag:s28] =	ssyncset.done $0x0  }
0x94: {  	[sflag:s28] =	ssyncadd.s32 $0xFFFFB000  }
0x95: {  	[spmem:s3] =	stream.indirect.scatter.add.f32 [tilespmem:s25], [sflag:$0x3], $0x40, s24, s22, $0xb8;
	[tilespmem:$0x1E500] =	vst v63  }
0x96: {  	_ =	swait.ge [sflag:s20], $0x5000  }
0x97: {  	s29 =	sadd.s32 $0x1, s29;
	[sflag:s20] =	ssyncset.done $0x0  }
0x98: {  	p0 =	sne.s32 s29, s17;
	[sflag:s20] =	ssyncadd.s32 $0xFFFFB000  }
.Ltmp2:
0x99: {  	s1 =	sshrl.u32 s7, $0x3;
	[bflag:$0x0] =	sbarrier.arrive $0xFFFF;
	(pc) =	sbr.rel @p0 .LBB2_1-.Ltmp2, $4  }
0x9a: {  	[hbm:s16], [sflag:s6] =	dma.local [spmem:s1], $0x1400  }
0x9b: {  	_ =	swait.ge [sflag:s20], $0x1400  }
0x9c: {  	[sflag:s20] =	ssyncset.done $0x0  }
0x9d: {  	[sflag:s20] =	ssyncadd.s32 $0xFFFFEC00  }
0x9e: {  	_ =	sfence.sel $0x180000  }
0x9f: {  	[bflag:$0x0] =	sbarrier.arrive $0xFFFF  }
0xa0: {  	_ =	strace $0x9000004A  }
0xa1: {  	[bflag:$0x2] =	sbarrier.arrive $0xFFFF  }
0xa2: {  	p0 =	sne.s32 s0, $0x0;
	s0 =	rddreg [dreg:$0x3]  }
0xa3: {  	s0 =	sadd.s32 @!p0 $0x100000, s0  }
0xa4: {  	[sflag:s0] =	ssyncadd.tile.s32 @!p0 $0x1;
	_ =	shalt  }
.Lfunc_end2:
_tile_overlayer_lowered:
.L_overlay_start_2:
0xa5: {  	(tag) =	ssettag $0x2  }
0xa6: {  	s0 =	rddreg [dreg:$0x0];
	s2 =	stileid.u32  }
0xa7: {  	s1 =	rddreg [dreg:$0x1];
	p0 =	sne.s32 s2, $0x0  }
0xa8: {  	s3 =	rddreg [dreg:$0x2];
	[bflag:$0x3] =	sbarrier.arrive $0xFFFF;
	s2 =	simm.s32 @!p0 $0x1C03  }
0xa9: {  	[timem:s3], [sflag:s2] =	dma.local @!p0 [hbm:s0], s1  }
0xaa: {  	s0 =	simm.s32 @!p0 $0x3  }
0xab: {  	_ =	swait.ge @!p0 [sflag:s0], s1  }
0xac: {  	s1 =	ssub.s32 @!p0 $0x0, s1;
	[sflag:s0] =	ssyncset.done @!p0 $0x0  }
0xad: {  	[sflag:s0] =	ssyncadd.s32 @!p0 s1  }
0xae: {  	[bflag:$0x3] =	sbarrier.arrive $0xFFFF  }
0xaf: {  	_ =	shalt  }

// kernel: kernel.15.cloned.1.call-start
scs
__scs_entry_jumppad:
0x0: {  	(pc) =	sbr.rel $0x88, $3  }
0x1: {  	(tag) =	ssettag $0x0;
	lr =	simm.s32 $0x1  }
0x2: {  	[smem:$0x3F9B] =	sst lr;
	_ =	strace $0xD0000000  }
0x3: {  	_ = 	snop  }
0x4: {  	_ = 	snop  }
0x5: {  	_ = 	snop  }
0x6: {  	_ = 	snop  }
0x7: {  	_ = 	snop  }
__scs_overlays_trampoline_lowered:
0x8: {  	[smem:$0x3FAA] =	sst s0  }
0x9: {  	[smem:$0x3FAB] =	sst s1  }
0xa: {  	[smem:$0x3FAC] =	sst s2  }
0xb: {  	[smem:$0x3FAD] =	sst s3  }
0xc: {  	[smem:$0x3FAE] =	sst s4  }
0xd: {  	[smem:$0x3FAF] =	sst s5  }
0xe: {  	[smem:$0x3FB0] =	sst s6  }
0xf: {  	[smem:$0x3FB1] =	sst s7  }
0x10: {  	[smem:$0x3FB2] =	sst s8  }
0x11: {  	[smem:$0x3FB3] =	sst s9;
	s0 =	simm.s32 @!p0 $0x0  }
0x12: {  	s1 =	sld [smem:$0x3F99];
	s0 =	simm.s32 @p0 $0x1  }
0x13: {  	[smem:$0x3FB4] =	sst s0;
	s0 =	simm.s32 @!p1 $0x0  }
0x14: {  	s2 =	sld [smem:$0x3F98];
	s0 =	simm.s32 @p1 $0x1  }
0x15: {  	[smem:$0x3FB5] =	sst s0;
	s0 =	simm.s32 @!p2 $0x0  }
0x16: {  	s3 =	sld [smem:$0x3FDB];
	s0 =	simm.s32 @p2 $0x1  }
0x17: {  	s4 =	simm.s32 $0x1BF5;
	[smem:$0x3FB7] =	sst s0  }
0x18: {  	s0 =	sld [smem:$0x3F9A];
	_ =	swait.ge [sflag:s4], $0x0  }
0x19: {  	s7 =	sld [smem:$0x3F9B]  }
0x1a: {  	s8 =	sadd.s32 $0xFFFFE003, lr  }
0x1b: {  	s9 =	sadd.s32 $0xFFFFFEF7, lr;
	s5 =	simm.s32 $0xFFFFFFFF;
	p2 =	slt.u32 s8, $0xFFFFF086  }
0x1c: {  	p1 =	slt.u32 s9, $0xF7A;
	s5 =	simm.s32 @!p2 $0x0  }
0x1d: {  	s5 =	simm.s32 @p1 $0x1;
	p0 =	seq.s32 s7, s2  }
0x1e: {  	s7 =	smul.u32 @!p0 $0xF7A, s2;
	p2 =	seq.s32 @!p0 s5, $0x0  }
0x1f: {  	s9 =	smul.u32 $0xF7A, s1;
	s8 =	simm.s32 @!p0 $0x1BF5;
	p2 =	por !p2, p0  }
0x20: {  	[sflag:s8] =	ssyncset.s32 @!p0 $0xFFFFF086;
	s6 =	sadd.s32 @!p0 s3, s7;
	s7 =	simm.s32 @!p0 $0x108  }
0x21: {  	s3 =	sadd.s32 s3, s9;
	s6 =	sadd.s32 @!p0 $0x88, s6;
	s7 =	simm.s32 @p2 $0x1082  }
0x22: {  	[simem:s7], [sflag:s8] =	dma.local @!p0 [hbm:s6], $0xF7A  }
0x23: {  	s9 =	sor.u32 $0xD0000000, s2;
	s6 =	simm.s32 $0x108;
	_ =	swait.ge @!p0 [sflag:s8], $0x0  }
0x24: {  	s3 =	sadd.s32 $0x88, s3;
	s6 =	simm.s32 @!p1 $0x1082;
	[sflag:s4] =	ssyncset.s32 $0xFFFFF086  }
0x25: {  	[simem:s6], [sflag:s4] =	dma.local [hbm:s3], $0xF7A  }
0x26: {  	[smem:$0x3F9B] =	sst s1;
	(tag) =	ssettag s2;
	_ =	strace s9  }
0x27: {  	s1 =	sld [smem:$0x3FAB]  }
0x28: {  	s2 =	sld [smem:$0x3FAC]  }
0x29: {  	s4 =	sld [smem:$0x3FAE]  }
0x2a: {  	p0 =	seq.s32 s5, $0x0;
	s5 =	sld [smem:$0x3FAF]  }
0x2b: {  	s6 =	sld [smem:$0x3FB0]  }
0x2c: {  	s7 =	sld [smem:$0x3FB1]  }
0x2d: {  	s3 =	simm.s32 $0x108;
	s8 =	sld [smem:$0x3FB2]  }
0x2e: {  	s3 =	simm.s32 @!p0 $0x1082;
	s9 =	sld [smem:$0x3FB3]  }
0x2f: {  	lr =	sadd.s32 s0, s3;
	s0 =	sld [smem:$0x3FAA]  }
0x30: {  	s3 =	sld [smem:$0x3FAD]  }
0x31: {  	[smem:$0x3FB6] =	sst s10  }
0x32: {  	s10 =	sld [smem:$0x3FB4];
	_ =	sdelay $0x3  }
0x33: {  	p0 =	seq.s32 s10, $0x1;
	s10 =	sld [smem:$0x3FB6];
	_ =	sdelay $0x3  }
0x34: {  	[smem:$0x3FB6] =	sst s10  }
0x35: {  	s10 =	sld [smem:$0x3FB5];
	_ =	sdelay $0x3  }
0x36: {  	p1 =	seq.s32 s10, $0x1;
	s10 =	sld [smem:$0x3FB6];
	_ =	sdelay $0x3  }
0x37: {  	[smem:$0x3FB6] =	sst s10  }
0x38: {  	s10 =	sld [smem:$0x3FB7]  }
0x39: {  	_ = 	snop;
	(pc) =	sbr.ind lr, $3  }
0x3a: {  	_ = 	snop  }
0x3b: {  	_ = 	snop  }
0x3c: {  	p2 =	seq.s32 s10, $0x1;
	s10 =	sld [smem:$0x3FB6]  }
0x3d: {  	_ =	shalt  }
0x3e: {  	_ =	shalt  }
0x3f: {  	_ =	shalt  }
0x40: {  	_ =	shalt  }
0x41: {  	_ =	shalt  }
0x42: {  	_ =	shalt  }
0x43: {  	_ =	shalt  }
0x44: {  	_ =	shalt  }
0x45: {  	_ =	shalt  }
0x46: {  	_ =	shalt  }
0x47: {  	_ =	shalt  }
0x48: {  	_ =	shalt  }
0x49: {  	_ =	shalt  }
0x4a: {  	_ =	shalt  }
0x4b: {  	_ =	shalt  }
0x4c: {  	_ =	shalt  }
0x4d: {  	_ =	shalt  }
0x4e: {  	_ =	shalt  }
0x4f: {  	_ =	shalt  }
0x50: {  	_ =	shalt  }
0x51: {  	_ =	shalt  }
0x52: {  	_ =	shalt  }
0x53: {  	_ =	shalt  }
0x54: {  	_ =	shalt  }
0x55: {  	_ =	shalt  }
0x56: {  	_ =	shalt  }
0x57: {  	_ =	shalt  }
0x58: {  	_ =	shalt  }
0x59: {  	_ =	shalt  }
0x5a: {  	_ =	shalt  }
0x5b: {  	_ =	shalt  }
0x5c: {  	_ =	shalt  }
0x5d: {  	_ =	shalt  }
0x5e: {  	_ =	shalt  }
0x5f: {  	_ =	shalt  }
0x60: {  	_ =	shalt  }
0x61: {  	_ =	shalt  }
0x62: {  	_ =	shalt  }
0x63: {  	_ =	shalt  }
0x64: {  	_ =	shalt  }
0x65: {  	_ =	shalt  }
0x66: {  	_ =	shalt  }
0x67: {  	_ =	shalt  }
0x68: {  	_ =	shalt  }
0x69: {  	_ =	shalt  }
0x6a: {  	_ =	shalt  }
0x6b: {  	_ =	shalt  }
0x6c: {  	_ =	shalt  }
0x6d: {  	_ =	shalt  }
0x6e: {  	_ =	shalt  }
0x6f: {  	_ =	shalt  }
0x70: {  	_ =	shalt  }
0x71: {  	_ =	shalt  }
0x72: {  	_ =	shalt  }
0x73: {  	_ =	shalt  }
0x74: {  	_ =	shalt  }
0x75: {  	_ =	shalt  }
0x76: {  	_ =	shalt  }
0x77: {  	_ =	shalt  }
0x78: {  	_ =	shalt  }
0x79: {  	_ =	shalt  }
0x7a: {  	_ =	shalt  }
0x7b: {  	_ =	shalt  }
0x7c: {  	_ =	shalt  }
0x7d: {  	_ =	shalt  }
0x7e: {  	_ =	shalt  }
0x7f: {  	_ =	shalt  }
0x80: {  	_ =	shalt  }
0x81: {  	_ =	shalt  }
0x82: {  	_ =	shalt  }
0x83: {  	_ =	shalt  }
0x84: {  	_ =	shalt  }
0x85: {  	_ =	shalt  }
0x86: {  	_ =	shalt  }
0x87: {  	_ =	shalt  }
.Lfunc_end0:
.L_simem_size_0:
called_computation.2_lowered:
.L_overlay_start_0:
0x88: {  	s2 =	sld [smem:$0x3FD9]  }
0x89: {  	s3 =	sld [smem:$0x3FFE];
	_ =	sdelay $0x1  }
0x8a: {  	s1 =	srdreg.scid  }
0x8b: {  	s0 =	sand.u32 $0x1, s1  }
0x8c: {  	s17 =	sshll.u32 s0, $0xA;
	s2 =	sadd.s32 s3, s2  }
0x8d: {  	s2 =	sadd.s32 s2, s17  }
0x8e: {  	[smem:$0x3FC2] =	sst s2  }
0x8f: {  	_ = 	snop  }
0x90: {  	s2 =	sld [smem:$0x3FD0];
	(tm) =	ssettm $0x1  }
0x91: {  	s18 =	sld [smem:$0x3FFB];
	_ =	sdelay $0x3  }
0x92: {  	_ =	strace s18  }
0x93: {  	s3 =	sld [smem:$0x3FFC];
	_ =	sdelay $0x3  }
0x94: {  	_ =	strace s3  }
0x95: {  	s3 =	sld [smem:$0x3FFD];
	_ =	sdelay $0x3  }
0x96: {  	_ =	strace s3  }
0x97: {  	_ =	strace $0x8FFFFFFF  }
0x98: {  	s19 =	sld [smem:$0x3FDB];
	_ =	sdelay $0x1  }
0x99: {  	s4 =	simm.s32 $_scs_section_size  }
0x9a: {  	s5 =	simm.s32 $_size__tile_overlayer_lowered;
	s6 =	simm.s32 $_tile_overlayer_lowered  }
0x9b: {  	s22 =	simm.s32 $0x1BFF;
	s21 =	sshll.u32 s6, $0x1;
	s3 =	sadd.s32 s4, s19  }
0x9c: {  	s7 =	simm.s32 $0x0;
	s20 =	sshll.u32 s5, $0x1;
	s5 =	sadd.s32 s21, s3  }
0x9d: {  	[timem:s7], [sflag:s22] =	dma.local [hbm:s5], s20  }
0x9e: {  	_ =	swait.ge [sflag:s22], s20  }
0x9f: {  	s4 =	ssub.s32 $0x0, s20;
	[sflag:s22] =	ssyncset.done $0x0  }
0xa0: {  	[sflag:s22] =	ssyncadd.s32 s4;
	_ =	sdelay $0x1  }
0xa1: {  	s23 =	simm.s32 $0x1B8B  }
0xa2: {  	_ =	swait.ge [sflag:s23], $0x1  }
0xa3: {  	[sflag:s23] =	ssyncset.done $0x0  }
0xa4: {  	s25 =	simm.s32 $0x1B8E;
	s24 =	sld [smem:$0x3FFE];
	[sflag:s23] =	ssyncadd.s32 $0xFFFFFFFF  }
0xa5: {  	s26 =	simm.s32 $execute0_lowered;
	[smem:$0x3FD2] =	sst s25  }
0xa6: {  	s5 =	sshll.u32 s26, $0x1;
	_ =	strace $0x8000004C;
	[dreg:$0x1] =	wrdreg $0xFFFFFFFF  }
0xa7: {  	s28 =	simm.s32 $_size_execute0_lowered;
	s3 =	sadd.s32 s3, s5;
	[dreg:$0x0] =	wrdreg $0x0  }
0xa8: {  	s5 =	sshll.u32 s28, $0x1;
	[dreg:$0x2] =	wrdreg s3  }
0xa9: {  	[dreg:$0x3] =	wrdreg s5  }
0xaa: {  	[dreg:$0x4] =	wrdreg $0xC0  }
0xab: {  	_ =	task [dreg:s7], $0x5FFFF  }
0xac: {  	[dreg:$0x1] =	wrdreg $0xFFFFFFFF  }
0xad: {  	[dreg:$0x0] =	wrdreg $0x60  }
0xae: {  	[dreg:$0x2] =	wrdreg s2  }
0xaf: {  	[dreg:$0x3] =	wrdreg s24  }
0xb0: {  	[dreg:$0x4] =	wrdreg $0xA5000  }
0xb1: {  	[dreg:$0x5] =	wrdreg $0x145000  }
0xb2: {  	[dreg:$0x6] =	wrdreg $0x9  }
0xb3: {  	_ =	task.clear_ibuf [dreg:s7], $0x7FFFF;
	_ =	strace $0x9000004C  }
0xb4: {  	s29 =	simm.s32 $0x9;
	_ =	strace $0x8000004E  }
0xb5: {  	_ =	swait.ge [sflag:s29], $0x1  }
0xb6: {  	[sflag:s29] =	ssyncadd.s32 $0xFFFFFFFF  }
0xb7: {  	_ =	strace $0x9000004E  }
0xb8: {  	_ =	sfence  }
0xb9: {  	s30 =	sld [smem:$0x0];
	_ =	sdelay $0x2  }
0xba: {  	s31 =	sshll.u32 s1, $0xD;
	s1 =	sshrl.u32 s1, $0x2  }
0xbb: {  	s3 =	sand.u32 $0x4000, s31;
	s1 =	sadd.s32 s1, s30  }
0xbc: {  	s0 =	sor.u32 s3, s0;
	s1 =	sshll.u32 s1, $0x11  }
0xbd: {  	s0 =	sor.u32 s1, s0  }
0xbe: {  	s0 =	sadd.s32 $0x8F2B, s0  }
0xbf: {  	[sflag:s0] =	ssyncadd.remote.s32 $0x1  }
0xc0: {  	_ =	sfence.sel $0xFFFF  }
0xc1: {  	[dreg:$0x0] =	wrdreg $0xFFFFFFFF;
	(pc) =	sbr.abs _section_cstart, $3  }
0xc2: {  	[dreg:$0x1] =	wrdreg $0xFFFFFFFF  }
0xc3: {  	_ =	task.clear_ibuf [dreg:s7], $0x2FFFF;
	_ =	strace $0x9FFFFFFF  }
0xc4: {  	(tm) =	ssettm $0x7FFFFFFF  }
0xc5: {  	_ =	shalt  }
tec
execute0_lowered:
.L_overlay_start_1:
0x0: {  	(tag) =	ssettag $0x1  }
0x1: {  	s0 =	rddreg [dreg:$0x0]  }
0x2: {  	s1 =	rddreg [dreg:$0x1]  }
0x3: {  	s2 =	rddreg [dreg:$0x2];
	s4 =	srdreg.scid  }
0x4: {  	s12 =	stileid.u32;
	s3 =	rddreg [dreg:$0x3];
	s28 =	simm.s32 $0x3C0  }
0x5: {  	s29 =	simm.s32 $0x5500;
	s30 =	simm.s32 $0x1;
	s31 =	simm.s32 $0x2  }
0x6: {  	s5 =	sand.u32 $0x1, s4;
	s7 =	smul.u32 $0xA000, s12;
	s4 =	simm.s32 $0x0  }
0x7: {  	s10 =	smul.u32 $0x9C40, s12;
	s21 =	sadd.s32 $0x2800, s1;
	s11 =	sshll.u32 s12, $0x1  }
0x8: {  	s14 =	smul.u32 $0x28000, s12;
	s15 =	sshll.u32 s12, $0x6;
	[smem:$0x7FF] =	sst s4  }
0x9: {  	s6 =	smul.u32 $0xA0000, s5;
	s8 =	ssub.s32 $0x2, s5;
	_ =	strace $0x8000004D  }
0xa: {  	s9 =	sshrl.u32 s8, $0x1;
	s13 =	sshrl.u32 s10, $0x3;
	s22 =	sadd.s32 s10, s2  }
0xb: {  	s16 =	sshrl.u32 s14, $0x2;
	s6 =	sadd.s32 s7, s6;
	s17 =	ssub.s32 s8, s9  }
0xc: {  	s0 =	sadd.s32 s0, s13;
	s18 =	sadd.s32 s16, s3;
	s13 =	smul.u32 $0x5000, s12  }
0xd: {  	s7 =	sadd.s32 s7, s3;
	s22 =	sshrl.u32 s22, $0x3;
	s6 =	sshrl.u32 s6, $0x3  }
0xe: {  	[dreg:$0x5] =	wrdreg s0;
	s8 =	sadd.s32 $0x2000, s18;
	s9 =	sadd.s32 $0x4000, s18  }
0xf: {  	s1 =	sadd.s32 s6, s1;
	s6 =	sor.u32 s5, s11;
	s5 =	smul.u32 $0x2800, s5  }
0x10: {  	s10 =	sadd.s32 $0x6000, s18;
	s17 =	smax.u32 s17, $0x1;
	s11 =	smul.u32 $0x2800, s6  }
0x11: {  	[dreg:$0x6] =	wrdreg s8;
	s6 =	sor.u32 $0x1C03, s15;
	s16 =	sadd.s32 $0x66800, s1  }
0x12: {  	s20 =	sadd.s32 s5, s13;
	s19 =	sshrl.u32 s11, $0x3;
	s11 =	sadd.s32 $0x8000, s18  }
0x13: {  	s5 =	sor.u32 $0x3C0, s20;
	s24 =	sadd.s32 $0x503C0, s20;
	s25 =	sadd.s32 $0x50280, s20  }
0x14: {  	s0 =	sor.u32 $0x280, s20;
	s12 =	sadd.s32 s21, s19;
	s23 =	sshrl.u32 s5, $0x3  }
0x15: {  	s1 =	sshrl.u32 s24, $0x3;
	s26 =	sshrl.u32 s25, $0x3;
	s0 =	sshrl.u32 s0, $0x3  }
0x16: {  	s24 =	simm.s32 $0x500;
	s25 =	simm.s32 $0x140;
	s13 =	sadd.s32 $0xA000, s12  }
0x17: {  	s14 =	sadd.s32 $0x28, s12;
	s15 =	sadd.s32 $0xA028, s12;
	s18 =	sadd.s32 s23, s21  }
0x18: {  	s19 =	sadd.s32 s1, s21;
	s20 =	sadd.s32 s26, s21;
	s21 =	sadd.s32 s0, s21  }
0x19: {  	v0 =	vimm.f32 $0.0e+00;
	s23 =	simm.s32 $0x3;
	s26 =	simm.s32 $0x280;
	s1 =	simm.s32 $0x0  }
.LBB2_1:
0x1a: {  	s0 =	rddreg [dreg:$0x5]  }
0x1b: {  	[spmem:s22], [sflag:s6] =	dma.local [hbm:s0], $0x1388  }
0x1c: {  	_ =	swait.ge [sflag:s23], $0x1388  }
0x1d: {  	[sflag:s23] =	ssyncset.done $0x0  }
0x1e: {  	s5 =	simm.s32 $0x100;
	s0 =	simm.s32 $0x0;
	[sflag:s23] =	ssyncadd.s32 $0xFFFFEC78  }
.LBB2_2:
0x1f: {  	p0 =	sne.s32 s5, $0x7F00;
	[tilespmem:s0+$0x530] =	vst v0;
	s8 =	smov.u32 s5;
	s5 =	sadd.s32 $0x100, s5  }
.Ltmp0:
0x20: {  	[tilespmem:s0+$0x520] =	vst v0;
	(pc) =	sbr.rel @p0 .LBB2_2-.Ltmp0, $3  }
0x21: {  	[tilespmem:s0+$0x500] =	vst v0  }
0x22: {  	[tilespmem:s0+$0x510] =	vst v0;
	_ =	sdelay $0x1  }
0x23: {  	s0 =	sshra.s32 s8, $0x2  }
0x24: {  	[tilespmem:s0+$0x530] =	vst v0  }
0x25: {  	[tilespmem:s0+$0x520] =	vst v0  }
0x26: {  	[tilespmem:s0+$0x500] =	vst v0  }
0x27: {  	[tilespmem:s0+$0x510] =	vst v0  }
0x28: {  	[spmem:s7] =	stream.linear.scatter [tilespmem:s24], [sflag:$0x3], $0x2000, $0x38;
	[tilespmem:$0x1E500] =	vst v63  }
0x29: {  	_ =	swait.ge [sflag:s23], $0x2000  }
0x2a: {  	[sflag:s23] =	ssyncset.done $0x0  }
0x2b: {  	s5 =	rddreg [dreg:$0x6];
	[sflag:s23] =	ssyncadd.s32 $0xFFFFE000  }
0x2c: {  	[spmem:s5] =	stream.linear.scatter [tilespmem:s24], [sflag:$0x3], $0x2000, $0x38;
	[tilespmem:$0x1E500] =	vst v63  }
0x2d: {  	_ =	swait.ge [sflag:s23], $0x2000  }
0x2e: {  	[sflag:s23] =	ssyncset.done $0x0  }
0x2f: {  	[sflag:s23] =	ssyncadd.s32 $0xFFFFE000  }
0x30: {  	[spmem:s9] =	stream.linear.scatter [tilespmem:s24], [sflag:$0x3], $0x2000, $0x38;
	[tilespmem:$0x1E500] =	vst v63  }
0x31: {  	_ =	swait.ge [sflag:s23], $0x2000  }
0x32: {  	[sflag:s23] =	ssyncset.done $0x0  }
0x33: {  	[sflag:s23] =	ssyncadd.s32 $0xFFFFE000  }
0x34: {  	[spmem:s10] =	stream.linear.scatter [tilespmem:s24], [sflag:$0x3], $0x2000, $0x38;
	[tilespmem:$0x1E500] =	vst v63  }
0x35: {  	_ =	swait.ge [sflag:s23], $0x2000  }
0x36: {  	[sflag:s23] =	ssyncset.done $0x0  }
0x37: {  	[sflag:s23] =	ssyncadd.s32 $0xFFFFE000  }
0x38: {  	[spmem:s11] =	stream.linear.scatter [tilespmem:s24], [sflag:$0x3], $0x2000, $0x38;
	[tilespmem:$0x1E500] =	vst v63  }
0x39: {  	_ =	swait.ge [sflag:s23], $0x2000  }
0x3a: {  	[sflag:s23] =	ssyncset.done $0x0  }
0x3b: {  	[sflag:s23] =	ssyncadd.s32 $0xFFFFE000  }
0x3c: {  	s8 =	simm.s32 $0x0;
	[bflag:$0x0] =	sbarrier.arrive $0xFFFF  }
0x3d: {  	[tilespmem:s8], [sflag:$0x3] =	stream.linear.gather [hbm4b:s12+s8], $0x140, $0x38;
	[tilespmem:$0x1E500] =	vst v63  }
0x3e: {  	_ =	swait.ge [sflag:s23], $0x140  }
0x3f: {  	[sflag:s23] =	ssyncset.done $0x0  }
0x40: {  	[sflag:s23] =	ssyncadd.s32 $0xFFFFFEC0  }
0x41: {  	[tilespmem:s25], [sflag:$0x3] =	stream.linear.gather [hbm4b:s13+s8], $0x140, $0x38;
	[tilespmem:$0x1E500] =	vst v63  }
0x42: {  	_ =	swait.ge [sflag:s23], $0x140  }
0x43: {  	[sflag:s23] =	ssyncset.done $0x0  }
0x44: {  	[sflag:s23] =	ssyncadd.s32 $0xFFFFFEC0  }
0x45: {  	[tilespmem:s24], [sflag:$0x1] =	stream.indirect.gather [spmem:s2], $0x40, s8, s25, $0xb8;
	[tilespmem:$0x1E500] =	vst v63  }
0x46: {  	_ = 	snop  }
0x47: {  	[tilespmem:s26], [sflag:$0x3] =	stream.linear.gather [hbm4b:s14+s8], $0x140, $0x38;
	[tilespmem:$0x1E500] =	vst v63  }
0x48: {  	_ =	swait.ge [sflag:s23], $0x140  }
0x49: {  	[sflag:s23] =	ssyncset.done $0x0  }
0x4a: {  	[sflag:s23] =	ssyncadd.s32 $0xFFFFFEC0  }
0x4b: {  	[tilespmem:s28], [sflag:$0x3] =	stream.linear.gather [hbm4b:s15+s8], $0x140, $0x38;
	[tilespmem:$0x1E500] =	vst v63  }
0x4c: {  	_ =	swait.ge [sflag:s23], $0x140  }
0x4d: {  	[sflag:s23] =	ssyncset.done $0x0  }
0x4e: {  	[sflag:s23] =	ssyncadd.s32 $0xFFFFFEC0  }
0x4f: {  	[tilespmem:s29], [sflag:$0x2] =	stream.indirect.gather [spmem:s2], $0x40, s26, s25, $0xb8;
	[tilespmem:$0x1E500] =	vst v63  }
0x50: {  	_ =	swait.ge [sflag:s30], $0x5000  }
0x51: {  	[sflag:s30] =	ssyncset.done $0x0  }
0x52: {  	[sflag:s30] =	ssyncadd.s32 $0xFFFFB000  }
0x53: {  	[spmem:s3] =	stream.indirect.scatter.add.f32 [tilespmem:s24], [sflag:$0x3], $0x40, s25, s25, $0xb8;
	[tilespmem:$0x1E500] =	vst v63  }
0x54: {  	_ =	swait.ge [sflag:s23], $0x5000  }
0x55: {  	[sflag:s23] =	ssyncset.done $0x0  }
0x56: {  	s5 =	sadd.s32 $0x0, s21;
	[sflag:s23] =	ssyncadd.s32 $0xFFFFB000  }
0x57: {  	[tilespmem:s4], [sflag:$0x3] =	stream.linear.gather [hbm4b:s5+s4], $0x140, $0x38;
	[tilespmem:$0x1E500] =	vst v63  }
0x58: {  	_ =	swait.ge [sflag:s23], $0x140  }
0x59: {  	[sflag:s23] =	ssyncset.done $0x0  }
0x5a: {  	s8 =	sadd.s32 $0x0, s20;
	[sflag:s23] =	ssyncadd.s32 $0xFFFFFEC0  }
0x5b: {  	[tilespmem:s25], [sflag:$0x3] =	stream.linear.gather [hbm4b:s8+s4], $0x140, $0x38;
	[tilespmem:$0x1E500] =	vst v63  }
0x5c: {  	_ =	swait.ge [sflag:s23], $0x140  }
0x5d: {  	[sflag:s23] =	ssyncset.done $0x0  }
0x5e: {  	[sflag:s23] =	ssyncadd.s32 $0xFFFFFEC0  }
0x5f: {  	[tilespmem:s24], [sflag:$0x1] =	stream.indirect.gather [spmem:s2], $0x40, s4, s25, $0xb8;
	[tilespmem:$0x1E500] =	vst v63  }
0x60: {  	_ =	swait.ge [sflag:s31], $0x5000  }
0x61: {  	[sflag:s31] =	ssyncset.done $0x0  }
0x62: {  	[sflag:s31] =	ssyncadd.s32 $0xFFFFB000  }
0x63: {  	[spmem:s3] =	stream.indirect.scatter.add.f32 [tilespmem:s29], [sflag:$0x3], $0x40, s28, s25, $0xb8;
	[tilespmem:$0x1E500] =	vst v63  }
0x64: {  	_ =	swait.ge [sflag:s23], $0x5000  }
0x65: {  	[sflag:s23] =	ssyncset.done $0x0  }
0x66: {  	s5 =	sadd.s32 $0x0, s18;
	[sflag:s23] =	ssyncadd.s32 $0xFFFFB000  }
0x67: {  	[tilespmem:s26], [sflag:$0x3] =	stream.linear.gather [hbm4b:s5+s4], $0x140, $0x38;
	[tilespmem:$0x1E500] =	vst v63  }
0x68: {  	_ =	swait.ge [sflag:s23], $0x140  }
0x69: {  	[sflag:s23] =	ssyncset.done $0x0  }
0x6a: {  	s8 =	sadd.s32 $0x0, s19;
	[sflag:s23] =	ssyncadd.s32 $0xFFFFFEC0  }
0x6b: {  	[tilespmem:s28], [sflag:$0x3] =	stream.linear.gather [hbm4b:s8+s4], $0x140, $0x38;
	[tilespmem:$0x1E500] =	vst v63  }
0x6c: {  	_ =	swait.ge [sflag:s23], $0x140  }
0x6d: {  	[sflag:s23] =	ssyncset.done $0x0  }
0x6e: {  	s0 =	simm.s32 $0x50;
	[sflag:s23] =	ssyncadd.s32 $0xFFFFFEC0  }
.LBB2_4:
0x6f: {  	[tilespmem:s29], [sflag:$0x2] =	stream.indirect.gather [spmem:s2], $0x40, s26, s25, $0xb8;
	[tilespmem:$0x1E500] =	vst v63  }
0x70: {  	s5 =	smov.u32 s0  }
0x71: {  	p0 =	sne.s32 s0, $0x460;
	s0 =	sadd.s32 $0x50, s0;
	_ =	swait.ge [sflag:s30], $0x5000  }
0x72: {  	[sflag:s30] =	ssyncset.done $0x0  }
0x73: {  	[sflag:s30] =	ssyncadd.s32 $0xFFFFB000  }
0x74: {  	[spmem:s3] =	stream.indirect.scatter.add.f32 [tilespmem:s24], [sflag:$0x3], $0x40, s25, s25, $0xb8;
	[tilespmem:$0x1E500] =	vst v63  }
0x75: {  	_ =	swait.ge [sflag:s23], $0x5000  }
0x76: {  	[sflag:s23] =	ssyncset.done $0x0  }
0x77: {  	s8 =	sadd.s32 s5, s21;
	[sflag:s23] =	ssyncadd.s32 $0xFFFFB000  }
0x78: {  	[tilespmem:s4], [sflag:$0x3] =	stream.linear.gather [hbm4b:s8+s4], $0x140, $0x38;
	[tilespmem:$0x1E500] =	vst v63  }
0x79: {  	_ =	swait.ge [sflag:s23], $0x140  }
0x7a: {  	[sflag:s23] =	ssyncset.done $0x0  }
0x7b: {  	s8 =	sadd.s32 s5, s20;
	[sflag:s23] =	ssyncadd.s32 $0xFFFFFEC0  }
0x7c: {  	[tilespmem:s25], [sflag:$0x3] =	stream.linear.gather [hbm4b:s8+s4], $0x140, $0x38;
	[tilespmem:$0x1E500] =	vst v63  }
0x7d: {  	_ =	swait.ge [sflag:s23], $0x140  }
0x7e: {  	[sflag:s23] =	ssyncset.done $0x0  }
0x7f: {  	[sflag:s23] =	ssyncadd.s32 $0xFFFFFEC0  }
0x80: {  	[tilespmem:s24], [sflag:$0x1] =	stream.indirect.gather [spmem:s2], $0x40, s4, s25, $0xb8;
	[tilespmem:$0x1E500] =	vst v63  }
0x81: {  	_ =	swait.ge [sflag:s31], $0x5000  }
0x82: {  	[sflag:s31] =	ssyncset.done $0x0  }
0x83: {  	[sflag:s31] =	ssyncadd.s32 $0xFFFFB000  }
0x84: {  	[spmem:s3] =	stream.indirect.scatter.add.f32 [tilespmem:s29], [sflag:$0x3], $0x40, s28, s25, $0xb8;
	[tilespmem:$0x1E500] =	vst v63  }
0x85: {  	_ =	swait.ge [sflag:s23], $0x5000  }
0x86: {  	[sflag:s23] =	ssyncset.done $0x0  }
0x87: {  	s8 =	sadd.s32 s5, s18;
	[sflag:s23] =	ssyncadd.s32 $0xFFFFB000  }
0x88: {  	[tilespmem:s26], [sflag:$0x3] =	stream.linear.gather [hbm4b:s8+s4], $0x140, $0x38;
	[tilespmem:$0x1E500] =	vst v63  }
0x89: {  	_ =	swait.ge [sflag:s23], $0x140  }
0x8a: {  	[sflag:s23] =	ssyncset.done $0x0  }
.Ltmp1:
0x8b: {  	s5 =	sadd.s32 s5, s19;
	[sflag:s23] =	ssyncadd.s32 $0xFFFFFEC0;
	(pc) =	sbr.rel @p0 .LBB2_4-.Ltmp1, $4  }
0x8c: {  	[tilespmem:s28], [sflag:$0x3] =	stream.linear.gather [hbm4b:s5+s4], $0x140, $0x38;
	[tilespmem:$0x1E500] =	vst v63  }
0x8d: {  	_ =	swait.ge [sflag:s23], $0x140  }
0x8e: {  	[sflag:s23] =	ssyncset.done $0x0  }
0x8f: {  	[sflag:s23] =	ssyncadd.s32 $0xFFFFFEC0  }
0x90: {  	[tilespmem:s29], [sflag:$0x2] =	stream.indirect.gather [spmem:s2], $0x40, s26, s25, $0xb8;
	[tilespmem:$0x1E500] =	vst v63  }
0x91: {  	_ =	swait.ge [sflag:s30], $0x5000  }
0x92: {  	[sflag:s30] =	ssyncset.done $0x0  }
0x93: {  	[sflag:s30] =	ssyncadd.s32 $0xFFFFB000  }
0x94: {  	[spmem:s3] =	stream.indirect.scatter.add.f32 [tilespmem:s24], [sflag:$0x3], $0x40, s25, s25, $0xb8;
	[tilespmem:$0x1E500] =	vst v63  }
0x95: {  	_ =	swait.ge [sflag:s23], $0x5000  }
0x96: {  	[sflag:s23] =	ssyncset.done $0x0  }
0x97: {  	[sflag:s23] =	ssyncadd.s32 $0xFFFFB000  }
0x98: {  	_ =	swait.ge [sflag:s31], $0x5000  }
0x99: {  	[sflag:s31] =	ssyncset.done $0x0  }
0x9a: {  	[sflag:s31] =	ssyncadd.s32 $0xFFFFB000  }
0x9b: {  	[spmem:s3] =	stream.indirect.scatter.add.f32 [tilespmem:s29], [sflag:$0x3], $0x40, s28, s25, $0xb8;
	[tilespmem:$0x1E500] =	vst v63  }
0x9c: {  	_ =	swait.ge [sflag:s23], $0x5000  }
0x9d: {  	s1 =	sadd.s32 $0x1, s1;
	[sflag:s23] =	ssyncset.done $0x0  }
0x9e: {  	p0 =	sne.s32 s1, s17;
	[sflag:s23] =	ssyncadd.s32 $0xFFFFB000  }
.Ltmp2:
0x9f: {  	s0 =	sshrl.u32 s7, $0x3;
	[bflag:$0x0] =	sbarrier.arrive $0xFFFF;
	(pc) =	sbr.rel @p0 .LBB2_1-.Ltmp2, $4  }
0xa0: {  	[hbm:s16], [sflag:s6] =	dma.local [spmem:s0], $0x1400  }
0xa1: {  	_ =	swait.ge [sflag:s23], $0x1400  }
0xa2: {  	[sflag:s23] =	ssyncset.done $0x0  }
0xa3: {  	[sflag:s23] =	ssyncadd.s32 $0xFFFFEC00  }
0xa4: {  	_ =	sfence.sel $0x180000  }
0xa5: {  	[bflag:$0x0] =	sbarrier.arrive $0xFFFF  }
0xa6: {  	_ =	strace $0x9000004D  }
0xa7: {  	s0 =	stileid.u32;
	[bflag:$0x2] =	sbarrier.arrive $0xFFFF  }
0xa8: {  	p0 =	sne.s32 s0, $0x0;
	s0 =	rddreg [dreg:$0x4]  }
0xa9: {  	s0 =	sadd.s32 @!p0 $0x100000, s0  }
0xaa: {  	[sflag:s0] =	ssyncadd.tile.s32 @!p0 $0x1;
	_ =	shalt  }
.Lfunc_end2:
_tile_overlayer_lowered:
.L_overlay_start_2:
0xab: {  	(tag) =	ssettag $0x2  }
0xac: {  	s0 =	rddreg [dreg:$0x0];
	s2 =	stileid.u32  }
0xad: {  	s1 =	rddreg [dreg:$0x1];
	p0 =	sne.s32 s2, $0x0  }
0xae: {  	s3 =	rddreg [dreg:$0x2];
	[bflag:$0x3] =	sbarrier.arrive $0xFFFF;
	s2 =	simm.s32 @!p0 $0x1C03  }
0xaf: {  	[timem:s3], [sflag:s2] =	dma.local @!p0 [hbm:s0], s1  }
0xb0: {  	s0 =	simm.s32 @!p0 $0x3  }
0xb1: {  	_ =	swait.ge @!p0 [sflag:s0], s1  }
0xb2: {  	s1 =	ssub.s32 @!p0 $0x0, s1;
	[sflag:s0] =	ssyncset.done @!p0 $0x0  }
0xb3: {  	[sflag:s0] =	ssyncadd.s32 @!p0 s1  }
0xb4: {  	[bflag:$0x3] =	sbarrier.arrive $0xFFFF  }
0xb5: {  	_ =	shalt  }

// kernel: kernel.9.cloned.1.call-start
scs
__scs_entry_jumppad:
0x0: {  	(pc) =	sbr.rel $0x88, $3  }
0x1: {  	(tag) =	ssettag $0x0;
	lr =	simm.s32 $0x1  }
0x2: {  	[smem:$0x3F9B] =	sst lr;
	_ =	strace $0xD0000000  }
0x3: {  	_ = 	snop  }
0x4: {  	_ = 	snop  }
0x5: {  	_ = 	snop  }
0x6: {  	_ = 	snop  }
0x7: {  	_ = 	snop  }
__scs_overlays_trampoline_lowered:
0x8: {  	[smem:$0x3FAA] =	sst s0  }
0x9: {  	[smem:$0x3FAB] =	sst s1  }
0xa: {  	[smem:$0x3FAC] =	sst s2  }
0xb: {  	[smem:$0x3FAD] =	sst s3  }
0xc: {  	[smem:$0x3FAE] =	sst s4  }
0xd: {  	[smem:$0x3FAF] =	sst s5  }
0xe: {  	[smem:$0x3FB0] =	sst s6  }
0xf: {  	[smem:$0x3FB1] =	sst s7  }
0x10: {  	[smem:$0x3FB2] =	sst s8  }
0x11: {  	[smem:$0x3FB3] =	sst s9;
	s0 =	simm.s32 @!p0 $0x0  }
0x12: {  	s1 =	sld [smem:$0x3F99];
	s0 =	simm.s32 @p0 $0x1  }
0x13: {  	[smem:$0x3FB4] =	sst s0;
	s0 =	simm.s32 @!p1 $0x0  }
0x14: {  	s2 =	sld [smem:$0x3F98];
	s0 =	simm.s32 @p1 $0x1  }
0x15: {  	[smem:$0x3FB5] =	sst s0;
	s0 =	simm.s32 @!p2 $0x0  }
0x16: {  	s3 =	sld [smem:$0x3FDB];
	s0 =	simm.s32 @p2 $0x1  }
0x17: {  	s4 =	simm.s32 $0x1BF5;
	[smem:$0x3FB7] =	sst s0  }
0x18: {  	s0 =	sld [smem:$0x3F9A];
	_ =	swait.ge [sflag:s4], $0x0  }
0x19: {  	s7 =	sld [smem:$0x3F9B]  }
0x1a: {  	s8 =	sadd.s32 $0xFFFFE003, lr  }
0x1b: {  	s9 =	sadd.s32 $0xFFFFFEF7, lr;
	s5 =	simm.s32 $0xFFFFFFFF;
	p2 =	slt.u32 s8, $0xFFFFF086  }
0x1c: {  	p1 =	slt.u32 s9, $0xF7A;
	s5 =	simm.s32 @!p2 $0x0  }
0x1d: {  	s5 =	simm.s32 @p1 $0x1;
	p0 =	seq.s32 s7, s2  }
0x1e: {  	s7 =	smul.u32 @!p0 $0xF7A, s2;
	p2 =	seq.s32 @!p0 s5, $0x0  }
0x1f: {  	s9 =	smul.u32 $0xF7A, s1;
	s8 =	simm.s32 @!p0 $0x1BF5;
	p2 =	por !p2, p0  }
0x20: {  	[sflag:s8] =	ssyncset.s32 @!p0 $0xFFFFF086;
	s6 =	sadd.s32 @!p0 s3, s7;
	s7 =	simm.s32 @!p0 $0x108  }
0x21: {  	s3 =	sadd.s32 s3, s9;
	s6 =	sadd.s32 @!p0 $0x88, s6;
	s7 =	simm.s32 @p2 $0x1082  }
0x22: {  	[simem:s7], [sflag:s8] =	dma.local @!p0 [hbm:s6], $0xF7A  }
0x23: {  	s9 =	sor.u32 $0xD0000000, s2;
	s6 =	simm.s32 $0x108;
	_ =	swait.ge @!p0 [sflag:s8], $0x0  }
0x24: {  	s3 =	sadd.s32 $0x88, s3;
	s6 =	simm.s32 @!p1 $0x1082;
	[sflag:s4] =	ssyncset.s32 $0xFFFFF086  }
0x25: {  	[simem:s6], [sflag:s4] =	dma.local [hbm:s3], $0xF7A  }
0x26: {  	[smem:$0x3F9B] =	sst s1;
	(tag) =	ssettag s2;
	_ =	strace s9  }
0x27: {  	s1 =	sld [smem:$0x3FAB]  }
0x28: {  	s2 =	sld [smem:$0x3FAC]  }
0x29: {  	s4 =	sld [smem:$0x3FAE]  }
0x2a: {  	p0 =	seq.s32 s5, $0x0;
	s5 =	sld [smem:$0x3FAF]  }
0x2b: {  	s6 =	sld [smem:$0x3FB0]  }
0x2c: {  	s7 =	sld [smem:$0x3FB1]  }
0x2d: {  	s3 =	simm.s32 $0x108;
	s8 =	sld [smem:$0x3FB2]  }
0x2e: {  	s3 =	simm.s32 @!p0 $0x1082;
	s9 =	sld [smem:$0x3FB3]  }
0x2f: {  	lr =	sadd.s32 s0, s3;
	s0 =	sld [smem:$0x3FAA]  }
0x30: {  	s3 =	sld [smem:$0x3FAD]  }
0x31: {  	[smem:$0x3FB6] =	sst s10  }
0x32: {  	s10 =	sld [smem:$0x3FB4];
	_ =	sdelay $0x3  }
0x33: {  	p0 =	seq.s32 s10, $0x1;
	s10 =	sld [smem:$0x3FB6];
	_ =	sdelay $0x3  }
0x34: {  	[smem:$0x3FB6] =	sst s10  }
0x35: {  	s10 =	sld [smem:$0x3FB5];
	_ =	sdelay $0x3  }
0x36: {  	p1 =	seq.s32 s10, $0x1;
	s10 =	sld [smem:$0x3FB6];
	_ =	sdelay $0x3  }
0x37: {  	[smem:$0x3FB6] =	sst s10  }
0x38: {  	s10 =	sld [smem:$0x3FB7]  }
0x39: {  	_ = 	snop;
	(pc) =	sbr.ind lr, $3  }
0x3a: {  	_ = 	snop  }
0x3b: {  	_ = 	snop  }
0x3c: {  	p2 =	seq.s32 s10, $0x1;
	s10 =	sld [smem:$0x3FB6]  }
0x3d: {  	_ =	shalt  }
0x3e: {  	_ =	shalt  }
0x3f: {  	_ =	shalt  }
0x40: {  	_ =	shalt  }
0x41: {  	_ =	shalt  }
0x42: {  	_ =	shalt  }
0x43: {  	_ =	shalt  }
0x44: {  	_ =	shalt  }
0x45: {  	_ =	shalt  }
0x46: {  	_ =	shalt  }
0x47: {  	_ =	shalt  }
0x48: {  	_ =	shalt  }
0x49: {  	_ =	shalt  }
0x4a: {  	_ =	shalt  }
0x4b: {  	_ =	shalt  }
0x4c: {  	_ =	shalt  }
0x4d: {  	_ =	shalt  }
0x4e: {  	_ =	shalt  }
0x4f: {  	_ =	shalt  }
0x50: {  	_ =	shalt  }
0x51: {  	_ =	shalt  }
0x52: {  	_ =	shalt  }
0x53: {  	_ =	shalt  }
0x54: {  	_ =	shalt  }
0x55: {  	_ =	shalt  }
0x56: {  	_ =	shalt  }
0x57: {  	_ =	shalt  }
0x58: {  	_ =	shalt  }
0x59: {  	_ =	shalt  }
0x5a: {  	_ =	shalt  }
0x5b: {  	_ =	shalt  }
0x5c: {  	_ =	shalt  }
0x5d: {  	_ =	shalt  }
0x5e: {  	_ =	shalt  }
0x5f: {  	_ =	shalt  }
0x60: {  	_ =	shalt  }
0x61: {  	_ =	shalt  }
0x62: {  	_ =	shalt  }
0x63: {  	_ =	shalt  }
0x64: {  	_ =	shalt  }
0x65: {  	_ =	shalt  }
0x66: {  	_ =	shalt  }
0x67: {  	_ =	shalt  }
0x68: {  	_ =	shalt  }
0x69: {  	_ =	shalt  }
0x6a: {  	_ =	shalt  }
0x6b: {  	_ =	shalt  }
0x6c: {  	_ =	shalt  }
0x6d: {  	_ =	shalt  }
0x6e: {  	_ =	shalt  }
0x6f: {  	_ =	shalt  }
0x70: {  	_ =	shalt  }
0x71: {  	_ =	shalt  }
0x72: {  	_ =	shalt  }
0x73: {  	_ =	shalt  }
0x74: {  	_ =	shalt  }
0x75: {  	_ =	shalt  }
0x76: {  	_ =	shalt  }
0x77: {  	_ =	shalt  }
0x78: {  	_ =	shalt  }
0x79: {  	_ =	shalt  }
0x7a: {  	_ =	shalt  }
0x7b: {  	_ =	shalt  }
0x7c: {  	_ =	shalt  }
0x7d: {  	_ =	shalt  }
0x7e: {  	_ =	shalt  }
0x7f: {  	_ =	shalt  }
0x80: {  	_ =	shalt  }
0x81: {  	_ =	shalt  }
0x82: {  	_ =	shalt  }
0x83: {  	_ =	shalt  }
0x84: {  	_ =	shalt  }
0x85: {  	_ =	shalt  }
0x86: {  	_ =	shalt  }
0x87: {  	_ =	shalt  }
.Lfunc_end0:
.L_simem_size_0:
called_computation_lowered:
.L_overlay_start_0:
0x88: {  	s2 =	sld [smem:$0x3FD9]  }
0x89: {  	s3 =	sld [smem:$0x3FFE];
	_ =	sdelay $0x1  }
0x8a: {  	s1 =	srdreg.scid  }
0x8b: {  	s0 =	sand.u32 $0x1, s1  }
0x8c: {  	s17 =	sshll.u32 s0, $0xA;
	s2 =	sadd.s32 s3, s2  }
0x8d: {  	s2 =	sadd.s32 s2, s17  }
0x8e: {  	[smem:$0x3FC2] =	sst s2  }
0x8f: {  	_ = 	snop  }
0x90: {  	s2 =	sld [smem:$0x3FD0];
	(tm) =	ssettm $0x1  }
0x91: {  	s18 =	sld [smem:$0x3FFB];
	_ =	sdelay $0x3  }
0x92: {  	_ =	strace s18  }
0x93: {  	s3 =	sld [smem:$0x3FFC];
	_ =	sdelay $0x3  }
0x94: {  	_ =	strace s3  }
0x95: {  	s3 =	sld [smem:$0x3FFD];
	_ =	sdelay $0x3  }
0x96: {  	_ =	strace s3  }
0x97: {  	_ =	strace $0x8FFFFFFF  }
0x98: {  	s19 =	sld [smem:$0x3FDB];
	_ =	sdelay $0x1  }
0x99: {  	s4 =	simm.s32 $_scs_section_size  }
0x9a: {  	s5 =	simm.s32 $_size__tile_overlayer_lowered;
	s6 =	simm.s32 $_tile_overlayer_lowered  }
0x9b: {  	s22 =	simm.s32 $0x1BFF;
	s21 =	sshll.u32 s6, $0x1;
	s3 =	sadd.s32 s4, s19  }
0x9c: {  	s7 =	simm.s32 $0x0;
	s20 =	sshll.u32 s5, $0x1;
	s5 =	sadd.s32 s21, s3  }
0x9d: {  	[timem:s7], [sflag:s22] =	dma.local [hbm:s5], s20  }
0x9e: {  	_ =	swait.ge [sflag:s22], s20  }
0x9f: {  	s4 =	ssub.s32 $0x0, s20;
	[sflag:s22] =	ssyncset.done $0x0  }
0xa0: {  	[sflag:s22] =	ssyncadd.s32 s4;
	_ =	sdelay $0x1  }
0xa1: {  	s23 =	simm.s32 $0x1B8B  }
0xa2: {  	_ =	swait.ge [sflag:s23], $0x1  }
0xa3: {  	[sflag:s23] =	ssyncset.done $0x0  }
0xa4: {  	s25 =	simm.s32 $0x1B8E;
	s24 =	sld [smem:$0x3FFE];
	[sflag:s23] =	ssyncadd.s32 $0xFFFFFFFF  }
0xa5: {  	s26 =	simm.s32 $execute0_lowered;
	[smem:$0x3FD2] =	sst s25  }
0xa6: {  	s5 =	sshll.u32 s26, $0x1;
	_ =	strace $0x80000046;
	[dreg:$0x1] =	wrdreg $0xFFFFFFFF  }
0xa7: {  	s28 =	simm.s32 $_size_execute0_lowered;
	s3 =	sadd.s32 s3, s5;
	[dreg:$0x0] =	wrdreg $0x0  }
0xa8: {  	s5 =	sshll.u32 s28, $0x1;
	[dreg:$0x2] =	wrdreg s3  }
0xa9: {  	[dreg:$0x3] =	wrdreg s5  }
0xaa: {  	[dreg:$0x4] =	wrdreg $0xC0  }
0xab: {  	_ =	task [dreg:s7], $0x5FFFF  }
0xac: {  	[dreg:$0x1] =	wrdreg $0xFFFFFFFF  }
0xad: {  	[dreg:$0x0] =	wrdreg $0x60  }
0xae: {  	[dreg:$0x2] =	wrdreg s24  }
0xaf: {  	[dreg:$0x3] =	wrdreg s2  }
0xb0: {  	[dreg:$0x4] =	wrdreg $0x48000  }
0xb1: {  	[dreg:$0x5] =	wrdreg $0x9  }
0xb2: {  	_ =	task.clear_ibuf [dreg:s7], $0x6FFFF;
	_ =	strace $0x90000046  }
0xb3: {  	s29 =	simm.s32 $0x9;
	_ =	strace $0x80000048  }
0xb4: {  	_ =	swait.ge [sflag:s29], $0x1  }
0xb5: {  	[sflag:s29] =	ssyncadd.s32 $0xFFFFFFFF  }
0xb6: {  	_ =	strace $0x90000048  }
0xb7: {  	_ =	sfence  }
0xb8: {  	s30 =	sld [smem:$0x0];
	_ =	sdelay $0x2  }
0xb9: {  	s31 =	sshll.u32 s1, $0xD;
	s1 =	sshrl.u32 s1, $0x2  }
0xba: {  	s3 =	sand.u32 $0x4000, s31;
	s1 =	sadd.s32 s1, s30  }
0xbb: {  	s0 =	sor.u32 s3, s0;
	s1 =	sshll.u32 s1, $0x11  }
0xbc: {  	s0 =	sor.u32 s1, s0  }
0xbd: {  	s0 =	sadd.s32 $0x8F2B, s0  }
0xbe: {  	[sflag:s0] =	ssyncadd.remote.s32 $0x1  }
0xbf: {  	_ =	sfence.sel $0xFFFF  }
0xc0: {  	[dreg:$0x0] =	wrdreg $0xFFFFFFFF;
	(pc) =	sbr.abs _section_cstart, $3  }
0xc1: {  	[dreg:$0x1] =	wrdreg $0xFFFFFFFF  }
0xc2: {  	_ =	task.clear_ibuf [dreg:s7], $0x2FFFF;
	_ =	strace $0x9FFFFFFF  }
0xc3: {  	(tm) =	ssettm $0x7FFFFFFF  }
tec
execute0_lowered:
.L_overlay_start_1:
0x0: {  	(tag) =	ssettag $0x1  }
0x1: {  	s4 =	rddreg [dreg:$0x0]  }
0x2: {  	s10 =	rddreg [dreg:$0x1];
	s1 =	srdreg.scid  }
0x3: {  	s0 =	stileid.u32;
	s2 =	rddreg [dreg:$0x2]  }
0x4: {  	s3 =	simm.s32 $0x0;
	s22 =	simm.s32 $0x800;
	s23 =	simm.s32 $0x1  }
0x5: {  	s24 =	simm.s32 $0x400;
	s25 =	simm.s32 $0x0;
	s5 =	sand.u32 $0x1, s1  }
0x6: {  	s6 =	sshll.u32 s0, $0x1;
	s1 =	rddreg [dreg:$0x3];
	s7 =	smul.u32 $0x2800, s0  }
0x7: {  	[smem:$0x7FF] =	sst s3;
	s9 =	smul.u32 $0xA000, s0;
	s6 =	sor.u32 s5, s6  }
0x8: {  	_ =	strace $0x80000047;
	s8 =	ssub.s32 $0x2, s5;
	s11 =	smul.u32 $0x28000, s5  }
0x9: {  	s6 =	smul.u32 $0x2800, s6;
	s29 =	sshrl.u32 s8, $0x1;
	s30 =	sshrl.u32 s9, $0x2  }
0xa: {  	s5 =	sadd.s32 s7, s2;
	s12 =	ssub.s32 s8, s29;
	s9 =	sadd.s32 s30, s2  }
0xb: {  	s31 =	sadd.s32 s7, s11;
	s6 =	sshrl.u32 s6, $0x3;
	s7 =	sadd.s32 $0x1000, s9  }
0xc: {  	s11 =	sshrl.u32 s31, $0x3;
	s8 =	sadd.s32 $0x1800, s9;
	s12 =	smax.u32 s12, $0x1  }
0xd: {  	s21 =	sadd.s32 s6, s4;
	s4 =	sadd.s32 $0x16800, s4;
	s6 =	sadd.s32 $0x800, s9  }
0xe: {  	s9 =	sadd.s32 $0x2000, s9;
	s10 =	sadd.s32 s10, s11;
	s11 =	sadd.s32 $0xC800, s21  }
0xf: {  	s13 =	sadd.s32 $0xC880, s21;
	s14 =	sadd.s32 $0xC900, s21;
	s15 =	sadd.s32 $0xC980, s21  }
0x10: {  	s16 =	sadd.s32 $0xCA00, s21;
	s17 =	sadd.s32 $0xCA80, s21;
	s18 =	sadd.s32 $0xCB00, s21  }
0x11: {  	v0 =	vimm.f32 $0.0e+00;
	s19 =	sadd.s32 $0xCB80, s21;
	s20 =	sadd.s32 $0xCC00, s21;
	s21 =	sadd.s32 $0xCC80, s21  }
.LBB2_1:
0x12: {  	s26 =	simm.s32 $0x40;
	s28 =	simm.s32 $0x0  }
.LBB2_2:
0x13: {  	p0 =	sne.s32 s26, $0x1FC0;
	[tilespmem:s28+$0x800] =	vst v0;
	s28 =	smov.u32 s26;
	s26 =	sadd.s32 $0x40, s26  }
.Ltmp0:
0x14: {  	(pc) =	sbr.rel @p0 .LBB2_2-.Ltmp0, $2  }
0x15: {  	_ =	sdelay $0x2  }
0x16: {  	s28 =	sshra.s32 s28, $0x2  }
0x17: {  	[tilespmem:s28+$0x800] =	vst v0  }
0x18: {  	[spmem:s5] =	stream.linear.scatter [tilespmem:s22], [sflag:$0x1], $0x800, $0x38;
	[tilespmem:$0x7000] =	vst v63  }
0x19: {  	_ =	swait.ge [sflag:s23], $0x800  }
0x1a: {  	[sflag:s23] =	ssyncset.done $0x0  }
0x1b: {  	[sflag:s23] =	ssyncadd.s32 $0xFFFFF800  }
0x1c: {  	[spmem:s6] =	stream.linear.scatter [tilespmem:s22], [sflag:$0x1], $0x800, $0x38;
	[tilespmem:$0x7000] =	vst v63  }
0x1d: {  	_ =	swait.ge [sflag:s23], $0x800  }
0x1e: {  	[sflag:s23] =	ssyncset.done $0x0  }
0x1f: {  	[sflag:s23] =	ssyncadd.s32 $0xFFFFF800  }
0x20: {  	[spmem:s7] =	stream.linear.scatter [tilespmem:s22], [sflag:$0x1], $0x800, $0x38;
	[tilespmem:$0x7000] =	vst v63  }
0x21: {  	_ =	swait.ge [sflag:s23], $0x800  }
0x22: {  	[sflag:s23] =	ssyncset.done $0x0  }
0x23: {  	[sflag:s23] =	ssyncadd.s32 $0xFFFFF800  }
0x24: {  	[spmem:s8] =	stream.linear.scatter [tilespmem:s22], [sflag:$0x1], $0x800, $0x38;
	[tilespmem:$0x7000] =	vst v63  }
0x25: {  	_ =	swait.ge [sflag:s23], $0x800  }
0x26: {  	[sflag:s23] =	ssyncset.done $0x0  }
0x27: {  	[sflag:s23] =	ssyncadd.s32 $0xFFFFF800  }
0x28: {  	[spmem:s9] =	stream.linear.scatter [tilespmem:s22], [sflag:$0x1], $0x800, $0x38;
	[tilespmem:$0x7000] =	vst v63  }
0x29: {  	_ =	swait.ge [sflag:s23], $0x800  }
0x2a: {  	[sflag:s23] =	ssyncset.done $0x0  }
0x2b: {  	[sflag:s23] =	ssyncadd.s32 $0xFFFFF800  }
0x2c: {  	[tilespmem:s22], [sflag:$0x1] =	stream.linear.gather [hbm4b:s4+s3], $0x4000, $0x38;
	[tilespmem:$0x7000] =	vst v63  }
0x2d: {  	_ =	swait.ge [sflag:s23], $0x4000  }
0x2e: {  	[sflag:s23] =	ssyncset.done $0x0  }
0x2f: {  	[sflag:s23] =	ssyncadd.s32 $0xFFFFC000  }
0x30: {  	[bflag:$0x0] =	sbarrier.arrive $0xFFFF  }
0x31: {  	[tilespmem:s24], [sflag:$0x1] =	stream.linear.gather [hbm4b:s11+s3], $0x400, $0x38;
	[tilespmem:$0x7000] =	vst v63  }
0x32: {  	_ =	swait.ge [sflag:s23], $0x400  }
0x33: {  	[sflag:s23] =	ssyncset.done $0x0  }
0x34: {  	[sflag:s23] =	ssyncadd.s32 $0xFFFFFC00  }
0x35: {  	[spmem:s2] =	stream.indirect.scatter.add.f32 [tilespmem:s22], [sflag:$0x1], $0x10, s24, s24, $0xb8;
	[tilespmem:$0x7000] =	vst v63  }
0x36: {  	_ =	swait.ge [sflag:s23], $0x4000  }
0x37: {  	[sflag:s23] =	ssyncset.done $0x0  }
0x38: {  	[sflag:s23] =	ssyncadd.s32 $0xFFFFC000  }
0x39: {  	[tilespmem:s24], [sflag:$0x1] =	stream.linear.gather [hbm4b:s13+s3], $0x400, $0x38;
	[tilespmem:$0x7000] =	vst v63  }
0x3a: {  	_ =	swait.ge [sflag:s23], $0x400  }
0x3b: {  	[sflag:s23] =	ssyncset.done $0x0  }
0x3c: {  	[sflag:s23] =	ssyncadd.s32 $0xFFFFFC00  }
0x3d: {  	[spmem:s2] =	stream.indirect.scatter.add.f32 [tilespmem:s22], [sflag:$0x1], $0x10, s24, s24, $0xb8;
	[tilespmem:$0x7000] =	vst v63  }
0x3e: {  	_ =	swait.ge [sflag:s23], $0x4000  }
0x3f: {  	[sflag:s23] =	ssyncset.done $0x0  }
0x40: {  	[sflag:s23] =	ssyncadd.s32 $0xFFFFC000  }
0x41: {  	[tilespmem:s24], [sflag:$0x1] =	stream.linear.gather [hbm4b:s14+s3], $0x400, $0x38;
	[tilespmem:$0x7000] =	vst v63  }
0x42: {  	_ =	swait.ge [sflag:s23], $0x400  }
0x43: {  	[sflag:s23] =	ssyncset.done $0x0  }
0x44: {  	[sflag:s23] =	ssyncadd.s32 $0xFFFFFC00  }
0x45: {  	[spmem:s2] =	stream.indirect.scatter.add.f32 [tilespmem:s22], [sflag:$0x1], $0x10, s24, s24, $0xb8;
	[tilespmem:$0x7000] =	vst v63  }
0x46: {  	_ =	swait.ge [sflag:s23], $0x4000  }
0x47: {  	[sflag:s23] =	ssyncset.done $0x0  }
0x48: {  	[sflag:s23] =	ssyncadd.s32 $0xFFFFC000  }
0x49: {  	[tilespmem:s24], [sflag:$0x1] =	stream.linear.gather [hbm4b:s15+s3], $0x400, $0x38;
	[tilespmem:$0x7000] =	vst v63  }
0x4a: {  	_ =	swait.ge [sflag:s23], $0x400  }
0x4b: {  	[sflag:s23] =	ssyncset.done $0x0  }
0x4c: {  	[sflag:s23] =	ssyncadd.s32 $0xFFFFFC00  }
0x4d: {  	[spmem:s2] =	stream.indirect.scatter.add.f32 [tilespmem:s22], [sflag:$0x1], $0x10, s24, s24, $0xb8;
	[tilespmem:$0x7000] =	vst v63  }
0x4e: {  	_ =	swait.ge [sflag:s23], $0x4000  }
0x4f: {  	[sflag:s23] =	ssyncset.done $0x0  }
0x50: {  	[sflag:s23] =	ssyncadd.s32 $0xFFFFC000  }
0x51: {  	[tilespmem:s24], [sflag:$0x1] =	stream.linear.gather [hbm4b:s16+s3], $0x400, $0x38;
	[tilespmem:$0x7000] =	vst v63  }
0x52: {  	_ =	swait.ge [sflag:s23], $0x400  }
0x53: {  	[sflag:s23] =	ssyncset.done $0x0  }
0x54: {  	[sflag:s23] =	ssyncadd.s32 $0xFFFFFC00  }
0x55: {  	[spmem:s2] =	stream.indirect.scatter.add.f32 [tilespmem:s22], [sflag:$0x1], $0x10, s24, s24, $0xb8;
	[tilespmem:$0x7000] =	vst v63  }
0x56: {  	_ =	swait.ge [sflag:s23], $0x4000  }
0x57: {  	[sflag:s23] =	ssyncset.done $0x0  }
0x58: {  	[sflag:s23] =	ssyncadd.s32 $0xFFFFC000  }
0x59: {  	[tilespmem:s24], [sflag:$0x1] =	stream.linear.gather [hbm4b:s17+s3], $0x400, $0x38;
	[tilespmem:$0x7000] =	vst v63  }
0x5a: {  	_ =	swait.ge [sflag:s23], $0x400  }
0x5b: {  	[sflag:s23] =	ssyncset.done $0x0  }
0x5c: {  	[sflag:s23] =	ssyncadd.s32 $0xFFFFFC00  }
0x5d: {  	[spmem:s2] =	stream.indirect.scatter.add.f32 [tilespmem:s22], [sflag:$0x1], $0x10, s24, s24, $0xb8;
	[tilespmem:$0x7000] =	vst v63  }
0x5e: {  	_ =	swait.ge [sflag:s23], $0x4000  }
0x5f: {  	[sflag:s23] =	ssyncset.done $0x0  }
0x60: {  	[sflag:s23] =	ssyncadd.s32 $0xFFFFC000  }
0x61: {  	[tilespmem:s24], [sflag:$0x1] =	stream.linear.gather [hbm4b:s18+s3], $0x400, $0x38;
	[tilespmem:$0x7000] =	vst v63  }
0x62: {  	_ =	swait.ge [sflag:s23], $0x400  }
0x63: {  	[sflag:s23] =	ssyncset.done $0x0  }
0x64: {  	[sflag:s23] =	ssyncadd.s32 $0xFFFFFC00  }
0x65: {  	[spmem:s2] =	stream.indirect.scatter.add.f32 [tilespmem:s22], [sflag:$0x1], $0x10, s24, s24, $0xb8;
	[tilespmem:$0x7000] =	vst v63  }
0x66: {  	_ =	swait.ge [sflag:s23], $0x4000  }
0x67: {  	[sflag:s23] =	ssyncset.done $0x0  }
0x68: {  	[sflag:s23] =	ssyncadd.s32 $0xFFFFC000  }
0x69: {  	[tilespmem:s24], [sflag:$0x1] =	stream.linear.gather [hbm4b:s19+s3], $0x400, $0x38;
	[tilespmem:$0x7000] =	vst v63  }
0x6a: {  	_ =	swait.ge [sflag:s23], $0x400  }
0x6b: {  	[sflag:s23] =	ssyncset.done $0x0  }
0x6c: {  	[sflag:s23] =	ssyncadd.s32 $0xFFFFFC00  }
0x6d: {  	[spmem:s2] =	stream.indirect.scatter.add.f32 [tilespmem:s22], [sflag:$0x1], $0x10, s24, s24, $0xb8;
	[tilespmem:$0x7000] =	vst v63  }
0x6e: {  	_ =	swait.ge [sflag:s23], $0x4000  }
0x6f: {  	[sflag:s23] =	ssyncset.done $0x0  }
0x70: {  	[sflag:s23] =	ssyncadd.s32 $0xFFFFC000  }
0x71: {  	[tilespmem:s24], [sflag:$0x1] =	stream.linear.gather [hbm4b:s20+s3], $0x400, $0x38;
	[tilespmem:$0x7000] =	vst v63  }
0x72: {  	_ =	swait.ge [sflag:s23], $0x400  }
0x73: {  	[sflag:s23] =	ssyncset.done $0x0  }
0x74: {  	[sflag:s23] =	ssyncadd.s32 $0xFFFFFC00  }
0x75: {  	[spmem:s2] =	stream.indirect.scatter.add.f32 [tilespmem:s22], [sflag:$0x1], $0x10, s24, s24, $0xb8;
	[tilespmem:$0x7000] =	vst v63  }
0x76: {  	_ =	swait.ge [sflag:s23], $0x4000  }
0x77: {  	[sflag:s23] =	ssyncset.done $0x0  }
0x78: {  	[sflag:s23] =	ssyncadd.s32 $0xFFFFC000  }
0x79: {  	[tilespmem:s24], [sflag:$0x1] =	stream.linear.gather [hbm4b:s21+s3], $0x400, $0x38;
	[tilespmem:$0x7000] =	vst v63  }
0x7a: {  	_ =	swait.ge [sflag:s23], $0x400  }
0x7b: {  	[sflag:s23] =	ssyncset.done $0x0  }
0x7c: {  	[sflag:s23] =	ssyncadd.s32 $0xFFFFFC00  }
0x7d: {  	[spmem:s2] =	stream.indirect.scatter.add.f32 [tilespmem:s22], [sflag:$0x1], $0x10, s24, s24, $0xb8;
	[tilespmem:$0x7000] =	vst v63  }
0x7e: {  	_ =	swait.ge [sflag:s23], $0x4000  }
0x7f: {  	s26 =	sshll.u32 s0, $0x6;
	s25 =	sadd.s32 $0x1, s25;
	[sflag:s23] =	ssyncset.done $0x0  }
0x80: {  	s31 =	sshrl.u32 s5, $0x3;
	p0 =	sne.s32 s25, s12;
	[sflag:s23] =	ssyncadd.s32 $0xFFFFC000  }
.Ltmp1:
0x81: {  	s26 =	sor.u32 $0x1C01, s26;
	[bflag:$0x0] =	sbarrier.arrive $0xFFFF;
	(pc) =	sbr.rel @p0 .LBB2_1-.Ltmp1, $4  }
0x82: {  	[hbm:s10], [sflag:s26] =	dma.local [spmem:s31], $0x500  }
0x83: {  	_ =	swait.ge [sflag:s23], $0x500  }
0x84: {  	[sflag:s23] =	ssyncset.done $0x0  }
0x85: {  	[sflag:s23] =	ssyncadd.s32 $0xFFFFFB00  }
0x86: {  	_ =	sfence.sel $0x180000  }
0x87: {  	[bflag:$0x0] =	sbarrier.arrive $0xFFFF  }
0x88: {  	p0 =	sne.s32 s0, $0x0;
	_ =	strace $0x90000047  }
0x89: {  	s0 =	sadd.s32 @!p0 $0x100000, s1;
	[bflag:$0x2] =	sbarrier.arrive $0xFFFF  }
0x8a: {  	[sflag:s0] =	ssyncadd.tile.s32 @!p0 $0x1;
	_ =	shalt  }
.Lfunc_end2:
_tile_overlayer_lowered:
.L_overlay_start_2:
0x8b: {  	(tag) =	ssettag $0x2  }
0x8c: {  	s0 =	rddreg [dreg:$0x0];
	s2 =	stileid.u32  }
0x8d: {  	s1 =	rddreg [dreg:$0x1];
	p0 =	sne.s32 s2, $0x0  }
0x8e: {  	s3 =	rddreg [dreg:$0x2];
	[bflag:$0x3] =	sbarrier.arrive $0xFFFF;
	s2 =	simm.s32 @!p0 $0x1C01  }
0x8f: {  	[timem:s3], [sflag:s2] =	dma.local @!p0 [hbm:s0], s1  }
0x90: {  	s0 =	simm.s32 @!p0 $0x1  }
0x91: {  	_ =	swait.ge @!p0 [sflag:s0], s1  }
0x92: {  	s1 =	ssub.s32 @!p0 $0x0, s1;
	[sflag:s0] =	ssyncset.done @!p0 $0x0  }
0x93: {  	[sflag:s0] =	ssyncadd.s32 @!p0 s1  }
0x94: {  	[bflag:$0x3] =	sbarrier.arrive $0xFFFF  }
0x95: {  	_ =	shalt  }

</sc_bundles>
